<compile_context>
chip_gen: v7x
topology: tpu7x:2x2x1
jax: 0.10.2.dev20260603
libtpu: 0.0.44.dev20260713+nightly
codegen_flags: <defaults>
</compile_context>

<pallas_src>
import functools

import jax
import jax.numpy as jnp
from jax import lax
from jax.experimental import pallas as pl
from jax.experimental.pallas import tpu as pltpu
from jax.experimental.pallas import tpu_sc as plsc

E = 8
D = 64
T = 8192
C = 1024
CH = 1024
NSTEP = T // CH
NSLOT = 9 * 1024
TRASH = E * C

NW2 = 16
TPW2 = T // NW2
NW4 = 32
TPW4 = T // NW4


def _router_body(x_ref, wr_ref, br_ref, xg_ref, gate_ref, idx_ref):
    x = x_ref[...]
    logits = jnp.dot(x, wr_ref[...],
                     preferred_element_type=jnp.float32) + br_ref[...]
    m = jnp.max(logits, axis=-1, keepdims=True)
    denom = jnp.sum(jnp.exp(logits - m), axis=-1, keepdims=True)
    gate = 1.0 / denom
    lane = jax.lax.broadcasted_iota(jnp.int32, (CH, E), 1)
    idx = jnp.min(jnp.where(logits >= m, lane, E), axis=-1,
                  keepdims=True)
    xg_ref[...] = x * gate
    gate_ref[...] = gate
    idx_ref[...] = idx


def _router(x, W_route, b_route):
    return pl.pallas_call(
        _router_body,
        grid=(NSTEP,),
        in_specs=[
            pl.BlockSpec((CH, D), lambda i: (i, 0)),
            pl.BlockSpec((D, E), lambda i: (0, 0)),
            pl.BlockSpec((1, E), lambda i: (0, 0)),
        ],
        out_specs=[
            pl.BlockSpec((CH, D), lambda i: (i, 0)),
            pl.BlockSpec((CH, 1), lambda i: (i, 0)),
            pl.BlockSpec((CH, 1), lambda i: (i, 0)),
        ],
        out_shape=[
            jax.ShapeDtypeStruct((T, D), jnp.float32),
            jax.ShapeDtypeStruct((T, 1), jnp.float32),
            jax.ShapeDtypeStruct((T, 1), jnp.int32),
        ],
    )(x, W_route, b_route.reshape(1, E))


def _dispatch_kernel():
    mesh = plsc.VectorSubcoreMesh(core_axis_name="c", subcore_axis_name="s")

    @functools.partial(
        pl.kernel,
        mesh=mesh,
        out_type=[
            jax.ShapeDtypeStruct((NSLOT, D), jnp.float32),
            jax.ShapeDtypeStruct((NW2, 4, 128), jnp.int32),
            jax.ShapeDtypeStruct((NSLOT,), jnp.float32),
        ],
        scratch_types=[
            pltpu.VMEM((TPW2,), jnp.int32),
            pltpu.VMEM((TPW2,), jnp.float32),
            pltpu.VMEM((TPW2, D), jnp.float32),
            pltpu.VMEM((TPW2,), jnp.int32),
            pltpu.VMEM((TPW2,), jnp.float32),
            pltpu.VMEM((4, 128), jnp.int32),
            pltpu.VMEM((4, 128), jnp.float32),
            pltpu.VMEM((16,), jnp.int32),
            pltpu.VMEM((NW2, 16), jnp.int32),
            pltpu.VMEM_SHARED((NW2, 16), jnp.int32),
        ],
        compiler_params=pltpu.CompilerParams(needs_layout_passes=False, use_tc_tiling_on_sc=False),
    )
    def k2(idx_hbm, gate_hbm, xg_hbm, xslots_hbm, dst_hbm, gslot_hbm,
           idx_v, gate_v, xg_v, dst_lin, gk_lin, dst_v, gk_v,
           hist_v, allhist_v, shared):
        c = lax.axis_index("c")
        s = lax.axis_index("s")
        lanes = lax.iota(jnp.int32, 16)

        @pl.when(c == 0)
        def _():
            pltpu.sync_copy(idx_hbm.at[s], idx_v)

            def hist_step(k, cnts):
                v = idx_v[pl.ds(pl.multiple_of(k * 16, 16), 16)]
                return tuple(
                    cnts[e] + jnp.sum(jnp.where(v == e, 1, 0))
                    for e in range(E))

            zeros = jnp.zeros((16,), jnp.int32)
            cnts = lax.fori_loop(0, TPW2 // 16, hist_step, (zeros,) * E)
            packed = jnp.zeros((16,), jnp.int32)
            for e in range(E):
                packed = jnp.where(lanes == e, cnts[e], packed)
            hist_v[...] = packed
            pltpu.sync_copy(hist_v, shared.at[s])
            plsc.subcore_barrier()
            pltpu.sync_copy(shared, allhist_v)

            base = jnp.zeros((16,), jnp.int32)
            for w in range(NW2):
                base = base + jnp.where(w < s, allhist_v[w, :], 0)
            bases = tuple(
                jnp.zeros((16,), jnp.int32)
                + jnp.sum(jnp.where(lanes == e, base, 0)) for e in range(E))

            pltpu.sync_copy(gate_hbm.at[s], gate_v)
            pltpu.sync_copy(xg_hbm.at[pl.ds(s * TPW2, TPW2)], xg_v)

            def assign_step(k, carry):
                cnt = carry
                off = pl.multiple_of(k * 16, 16)
                v = idx_v[pl.ds(off, 16)]
                gv = gate_v[pl.ds(off, 16)]
                pos = jnp.zeros((16,), jnp.int32)
                new = []
                for e in range(E):
                    msk = v == e
                    cs = plsc.cumsum(jnp.where(msk, 1, 0))
                    pos = jnp.where(msk, cnt[e] + cs, pos)
                    new.append(cnt[e] + jnp.sum(jnp.where(msk, 1, 0)))
                kept = pos < C
                dstv = jnp.where(kept, v * C + pos, TRASH)
                dst_lin[pl.ds(off, 16)] = dstv
                gk_lin[pl.ds(off, 16)] = jnp.where(kept, gv, 0.0)
                return tuple(new)

            lax.fori_loop(0, TPW2 // 16, assign_step, bases)

            for r in range(4):
                for cc in range(8):
                    dst_v[r, pl.ds(cc * 16, 16)] = (
                        dst_lin[pl.ds((r * 8 + cc) * 16, 16)])
                    gk_v[r, pl.ds(cc * 16, 16)] = (
                        gk_lin[pl.ds((r * 8 + cc) * 16, 16)])

            pltpu.sync_copy(dst_v, dst_hbm.at[s])
            for j in range(4):
                pltpu.sync_copy(xg_v.at[pl.ds(j * 128, 128)],
                                xslots_hbm.at[dst_v.at[j]])
                pltpu.sync_copy(gk_v.at[j], gslot_hbm.at[dst_v.at[j]])

    return k2


def _ffn_body(x_ref, g_ref, w1_ref, b1_ref, w2_ref, b2_ref, o_ref):
    x = x_ref[...]
    g = g_ref[...]
    h = jnp.maximum(
        jnp.dot(x, w1_ref[0], preferred_element_type=jnp.float32)
        + b1_ref[0], 0.0)
    o_ref[...] = (jnp.dot(h, w2_ref[0],
                          preferred_element_type=jnp.float32)
                  + b2_ref[0]) * g


def _ffn(xslots, gslot, W1, b1, W2, b2):
    def wmap(i):
        return (jnp.minimum(i, E - 1), 0, 0)

    def bmap(i):
        return (jnp.minimum(i, E - 1), 0, 0)

    return pl.pallas_call(
        _ffn_body,
        grid=(NSLOT // C,),
        in_specs=[
            pl.BlockSpec((C, D), lambda i: (i, 0)),
            pl.BlockSpec((C, 1), lambda i: (i, 0)),
            pl.BlockSpec((1, D, D), wmap),
            pl.BlockSpec((1, 1, D), bmap),
            pl.BlockSpec((1, D, D), wmap),
            pl.BlockSpec((1, 1, D), bmap),
        ],
        out_specs=pl.BlockSpec((C, D), lambda i: (i, 0)),
        out_shape=jax.ShapeDtypeStruct((NSLOT, D), jnp.float32),
    )(xslots, gslot.reshape(NSLOT, 1), W1, b1.reshape(E, 1, D),
      W2, b2.reshape(E, 1, D))


def _combine_kernel():
    mesh = plsc.VectorSubcoreMesh(core_axis_name="c", subcore_axis_name="s")

    @functools.partial(
        pl.kernel,
        mesh=mesh,
        out_type=jax.ShapeDtypeStruct((T, D), jnp.float32),
        scratch_types=[
            pltpu.VMEM((2, 128), jnp.int32),
            pltpu.VMEM((TPW4, D), jnp.float32),
            pltpu.SemaphoreType.DMA,
            pltpu.SemaphoreType.DMA,
        ],
        compiler_params=pltpu.CompilerParams(needs_layout_passes=False, use_tc_tiling_on_sc=False),
    )
    def k4(dst_hbm, eo_hbm, out_hbm, dst_v, rows_v, sem0, sem1):
        c = lax.axis_index("c")
        s = lax.axis_index("s")
        wid = s * 2 + c
        pltpu.sync_copy(dst_hbm.at[wid], dst_v)
        cp0 = pltpu.async_copy(eo_hbm.at[dst_v.at[0]],
                               rows_v.at[pl.ds(0, 128)], sem0)
        cp1 = pltpu.async_copy(eo_hbm.at[dst_v.at[1]],
                               rows_v.at[pl.ds(128, 128)], sem1)
        cp0.wait()
        cp1.wait()
        pltpu.sync_copy(rows_v, out_hbm.at[pl.ds(wid * TPW4, TPW4)])

    return k4


def kernel(inputs, W_route, b_route, W1, b1, W2, b2):
    x = inputs.reshape(T, D)
    xg, gate, idx = _router(x, W_route, b_route)
    xslots, dst, gslot = _dispatch_kernel()(
        idx.reshape(NW2, TPW2), gate.reshape(NW2, TPW2), xg)
    eo = _ffn(xslots, gslot, W1, b1, W2, b2)
    out = _combine_kernel()(dst.reshape(NW4, 2, 128), eo)
    return out.reshape(inputs.shape)

# --- scband reference (transcript-rebuilt; emitter-appended) ---
"""Pipeline reference for scband-switch-39144331936231 (READ-ONLY COPY).

The authoritative reference and input builder live on the scoring server;
editing this copy changes nothing except your own understanding.
"""

import jax, jax.numpy as jnp
import numpy as np

NUM_EXPERTS = 8
EMBED_DIM = 64
BATCH = 4
SEQ = 2048
TOKENS = BATCH * SEQ
CAPACITY = TOKENS // NUM_EXPERTS


def setup_inputs(seed: int = 0):
    key = jax.random.key(seed)
    k0, k1, k2, k3 = jax.random.split(key, 4)
    inputs = jax.random.normal(k0, (BATCH, SEQ, EMBED_DIM), dtype=jnp.float32)
    W_route = jax.random.normal(k1, (EMBED_DIM, NUM_EXPERTS), dtype=jnp.float32) * 0.05
    b_route = jnp.zeros((NUM_EXPERTS,), dtype=jnp.float32)
    W1 = jax.random.normal(k2, (NUM_EXPERTS, EMBED_DIM, EMBED_DIM), dtype=jnp.float32) * 0.05
    b1 = jnp.zeros((NUM_EXPERTS, EMBED_DIM), dtype=jnp.float32)
    W2 = jax.random.normal(k3, (NUM_EXPERTS, EMBED_DIM, EMBED_DIM), dtype=jnp.float32) * 0.05
    b2 = jnp.zeros((NUM_EXPERTS, EMBED_DIM), dtype=jnp.float32)
    return {"inputs": inputs, "W_route": W_route, "b_route": b_route,
            "W1": W1, "b1": b1, "W2": W2, "b2": b2}


def _switch_forward(inputs, W_route, b_route, W1, b1, W2, b2):
    x = inputs.reshape(TOKENS, EMBED_DIM)
    # Router (training=False, so no jitter noise)
    router_logits = x @ W_route + b_route                      # [T, E]
    router_probs = jax.nn.softmax(router_logits, axis=-1)
    expert_gate, expert_index = jax.lax.top_k(router_probs, 1)  # [T,1], [T,1]
    expert_mask = jax.nn.one_hot(expert_index, NUM_EXPERTS, dtype=jnp.float32)  # [T,1,E]
    position_in_expert = (jnp.cumsum(expert_mask, axis=0) * expert_mask).astype(jnp.int32)  # [T,1,E]
    expert_mask = expert_mask * (position_in_expert < CAPACITY).astype(jnp.float32)
    expert_mask_flat = jnp.sum(expert_mask, axis=-1)            # [T,1]
    expert_gate = expert_gate * expert_mask_flat                # [T,1]
    combine_tensor = (expert_gate * expert_mask_flat
                      * jnp.squeeze(jax.nn.one_hot(expert_index, NUM_EXPERTS, dtype=jnp.float32), 1))[..., None] \
                     * jnp.squeeze(jax.nn.one_hot(position_in_expert, CAPACITY, dtype=jnp.float32), 1)  # [T,E,C]
    dispatch_tensor = combine_tensor.astype(jnp.float32)
    # Switch body
    expert_inputs = jnp.einsum('ab,acd->cdb', x, dispatch_tensor)   # [E, C, D]
    expert_inputs = expert_inputs.reshape(NUM_EXPERTS, CAPACITY, EMBED_DIM)
    h = jax.nn.relu(jnp.einsum('ecd,edf->ecf', expert_inputs, W1) + b1[:, None, :])
    expert_out = jnp.einsum('ecd,edf->ecf', h, W2) + b2[:, None, :]  # [E, C, D]
    expert_outputs = jnp.transpose(expert_out, (1, 0, 2))            # stack axis=1 -> [C, E, D]
    expert_outputs_combined = jnp.einsum('abc,xba->xc', expert_outputs, combine_tensor)  # [T, D]
    return expert_outputs_combined.reshape(BATCH, SEQ, EMBED_DIM)


def reference(inputs, W_route, b_route, W1, b1, W2, b2):
    return _switch_forward(inputs, W_route, b_route, W1, b1, W2, b2)

if __name__ == "__main__":
    import jax
    _d = setup_inputs()
    print(jax.jit(kernel)(*tuple(_d.values())))

</pallas_src>

<mosaic_0001>
#map = affine_map<(d0, d1) -> (0, 0)>
#map1 = affine_map<(d0, d1) -> (0, 0, 0)>
#map2 = affine_map<(d0, d1) -> (0)>
module attributes {stable_mosaic.version = 14 : i64} {
  func.func @k2(%arg0: i32, %arg1: i32, %arg2: memref<16x512xi32, #tpu.memory_space<hbm>>, %arg3: memref<16x512xf32, #tpu.memory_space<hbm>>, %arg4: memref<8192x64xf32, #tpu.memory_space<hbm>>, %arg5: memref<9216x64xf32, #tpu.memory_space<hbm>>, %arg6: memref<16x4x128xi32, #tpu.memory_space<hbm>>, %arg7: memref<9216xf32, #tpu.memory_space<hbm>>, %arg8: memref<512xi32, #tpu.memory_space<vmem>>, %arg9: memref<512xf32, #tpu.memory_space<vmem>>, %arg10: memref<512x64xf32, #tpu.memory_space<vmem>>, %arg11: memref<512xi32, #tpu.memory_space<vmem>>, %arg12: memref<512xf32, #tpu.memory_space<vmem>>, %arg13: memref<4x128xi32, #tpu.memory_space<vmem>>, %arg14: memref<4x128xf32, #tpu.memory_space<vmem>>, %arg15: memref<16xi32, #tpu.memory_space<vmem>>, %arg16: memref<16x16xi32, #tpu.memory_space<vmem>>, %arg17: memref<16x16xi32, #tpu.memory_space<vmem_shared>>) attributes {dimension_semantics = [#tpu.dimension_semantics<core_parallel>, #tpu.dimension_semantics<subcore_parallel>], iteration_bounds = array<i64: 2, 16>, scalar_prefetch = 0 : i64, scratch_operands = 10 : i64, tpu.core_type = #tpu.core_type<sc_vector_subcore>, window_params = [{transform_indices = #map}, {transform_indices = #map}, {transform_indices = #map}, {transform_indices = #map}, {transform_indices = #map1}, {transform_indices = #map2}]} {
    %iota3A = tpu.iota {dimensions = array<i32: 0>} : vector<16xi32>
    %eq3A = arith.constant 0 : i32
    %eq3A_0 = arith.cmpi eq, %arg0, %eq3A : i32
    %convert_element_type3A = arith.extui %eq3A_0 : i1 to i32
    %cond3A = arith.constant 0 : i32
    %cond3A_1 = arith.cmpi ne, %convert_element_type3A, %cond3A : i32
    scf.if %cond3A_1 {
      "tpu.region"() ({
        %run_scoped3A_713 = tpu.sem_alloc : memref<!tpu.dma_semaphore, #tpu.memory_space<semaphore_mem>>
        %dma_start3A = arith.constant 0 : i32
        %dma_start3A_714 = tpu.memref_slice %arg2[%arg1, %dma_start3A] : memref<16x512xi32, #tpu.memory_space<hbm>> -> memref<1x512xi32, #tpu.memory_space<hbm>>
        %dma_start3A_715 = tpu.memref_squeeze %dma_start3A_714 : memref<1x512xi32, #tpu.memory_space<hbm>> -> memref<512xi32, #tpu.memory_space<hbm>>
        %dma_start3A_716 = arith.constant 0 : i32
        %dma_start3A_717 = tpu.memref_slice %arg2[%arg1, %dma_start3A_716] : memref<16x512xi32, #tpu.memory_space<hbm>> -> memref<1x512xi32, #tpu.memory_space<hbm>>
        %dma_start3A_718 = tpu.memref_squeeze %dma_start3A_717 : memref<1x512xi32, #tpu.memory_space<hbm>> -> memref<512xi32, #tpu.memory_space<hbm>>
        tpu.enqueue_dma source(%dma_start3A_718 : memref<512xi32, #tpu.memory_space<hbm>>) target(%arg8 : memref<512xi32, #tpu.memory_space<vmem>>) target_semaphore(%run_scoped3A_713 : memref<!tpu.dma_semaphore, #tpu.memory_space<semaphore_mem>>)
        %dma_wait3A = arith.constant 0 : i32
        %dma_wait3A_719 = tpu.memref_slice %arg2[%arg1, %dma_wait3A] : memref<16x512xi32, #tpu.memory_space<hbm>> -> memref<1x512xi32, #tpu.memory_space<hbm>>
        %dma_wait3A_720 = tpu.memref_squeeze %dma_wait3A_719 : memref<1x512xi32, #tpu.memory_space<hbm>> -> memref<512xi32, #tpu.memory_space<hbm>>
        %dma_wait3A_721 = arith.constant 0 : i32
        %dma_wait3A_722 = tpu.memref_slice %arg2[%arg1, %dma_wait3A_721] : memref<16x512xi32, #tpu.memory_space<hbm>> -> memref<1x512xi32, #tpu.memory_space<hbm>>
        %dma_wait3A_723 = tpu.memref_squeeze %dma_wait3A_722 : memref<1x512xi32, #tpu.memory_space<hbm>> -> memref<512xi32, #tpu.memory_space<hbm>>
        tpu.wait_dma2 semaphore(%run_scoped3A_713 : memref<!tpu.dma_semaphore, #tpu.memory_space<semaphore_mem>>) src(%dma_wait3A_723 : memref<512xi32, #tpu.memory_space<hbm>>) dst(%arg8 : memref<512xi32, #tpu.memory_space<vmem>>)
        tpu.yield
      }) : () -> ()
      %broadcast_in_dim3A = arith.constant 0 : i32
      %broadcast_in_dim3A_2 = vector.broadcast %broadcast_in_dim3A : i32 to vector<16xi32>
      %scan3A = arith.constant 0 : i32
      %scan3A_3 = arith.constant 32 : i32
      %scan3A_4 = arith.addi %scan3A, %scan3A_3 : i32
      %scan3A_5 = arith.constant 1 : i32
      %scan3A_6:8 = scf.for %scan3A_713 = %scan3A to %scan3A_4 step %scan3A_5 iter_args(%scan3A_714 = %broadcast_in_dim3A_2, %scan3A_715 = %broadcast_in_dim3A_2, %scan3A_716 = %broadcast_in_dim3A_2, %scan3A_717 = %broadcast_in_dim3A_2, %scan3A_718 = %broadcast_in_dim3A_2, %scan3A_719 = %broadcast_in_dim3A_2, %scan3A_720 = %broadcast_in_dim3A_2, %scan3A_721 = %broadcast_in_dim3A_2) -> (vector<16xi32>, vector<16xi32>, vector<16xi32>, vector<16xi32>, vector<16xi32>, vector<16xi32>, vector<16xi32>, vector<16xi32>)  : i32 {
        %mul3A_722 = arith.constant 16 : i32
        %mul3A_723 = arith.muli %scan3A_713, %mul3A_722 : i32
        %multiple_of3A = tpu.assume_multiple %mul3A_723, 16 : i32
        %get3A_724 = arith.index_cast %multiple_of3A : i32 to index
        %get3A_725 = tpu.vector_load %arg8[%get3A_724] {strides = array<i32>} : memref<512xi32, #tpu.memory_space<vmem>>, vector<16xi32>,
        %eq3A_726 = arith.constant 0 : i32
        %eq3A_727 = vector.broadcast %eq3A_726 : i32 to vector<16xi32>
        %eq3A_728 = arith.cmpi eq, %get3A_725, %eq3A_727 : vector<16xi32>
        %jit3A_729 = arith.constant 1 : i32
        %jit3A_730 = arith.constant 0 : i32
        %broadcast_in_dim3A_731 = vector.broadcast %jit3A_729 : i32 to vector<16xi32>
        %broadcast_in_dim3A_732 = vector.broadcast %jit3A_730 : i32 to vector<16xi32>
        %select_n3A_733 = arith.select %eq3A_728, %broadcast_in_dim3A_731, %broadcast_in_dim3A_732 : vector<16xi1>, vector<16xi32>
        %reduce_sum3A_734 = arith.constant true
        %reduce_sum3A_735 = vector.broadcast %reduce_sum3A_734 : i1 to vector<16xi1>
        %reduce_sum3A_736 = tpu.scan <sum>, %select_n3A_733 masked %reduce_sum3A_735 : vector<16xi32>, vector<16xi1> -> vector<16xi32>
        %reduce_sum3A_737 = vector.extract %reduce_sum3A_736[15] : i32 from vector<16xi32>
        %add3A_738 = vector.broadcast %reduce_sum3A_737 : i32 to vector<16xi32>
        %add3A_739 = arith.addi %scan3A_714, %add3A_738 : vector<16xi32>
        %eq3A_740 = arith.constant 1 : i32
        %eq3A_741 = vector.broadcast %eq3A_740 : i32 to vector<16xi32>
        %eq3A_742 = arith.cmpi eq, %get3A_725, %eq3A_741 : vector<16xi32>
        %jit3A_743 = arith.constant 1 : i32
        %jit3A_744 = arith.constant 0 : i32
        %broadcast_in_dim3A_745 = vector.broadcast %jit3A_743 : i32 to vector<16xi32>
        %broadcast_in_dim3A_746 = vector.broadcast %jit3A_744 : i32 to vector<16xi32>
        %select_n3A_747 = arith.select %eq3A_742, %broadcast_in_dim3A_745, %broadcast_in_dim3A_746 : vector<16xi1>, vector<16xi32>
        %reduce_sum3A_748 = arith.constant true
        %reduce_sum3A_749 = vector.broadcast %reduce_sum3A_748 : i1 to vector<16xi1>
        %reduce_sum3A_750 = tpu.scan <sum>, %select_n3A_747 masked %reduce_sum3A_749 : vector<16xi32>, vector<16xi1> -> vector<16xi32>
        %reduce_sum3A_751 = vector.extract %reduce_sum3A_750[15] : i32 from vector<16xi32>
        %add3A_752 = vector.broadcast %reduce_sum3A_751 : i32 to vector<16xi32>
        %add3A_753 = arith.addi %scan3A_715, %add3A_752 : vector<16xi32>
        %eq3A_754 = arith.constant 2 : i32
        %eq3A_755 = vector.broadcast %eq3A_754 : i32 to vector<16xi32>
        %eq3A_756 = arith.cmpi eq, %get3A_725, %eq3A_755 : vector<16xi32>
        %jit3A_757 = arith.constant 1 : i32
        %jit3A_758 = arith.constant 0 : i32
        %broadcast_in_dim3A_759 = vector.broadcast %jit3A_757 : i32 to vector<16xi32>
        %broadcast_in_dim3A_760 = vector.broadcast %jit3A_758 : i32 to vector<16xi32>
        %select_n3A_761 = arith.select %eq3A_756, %broadcast_in_dim3A_759, %broadcast_in_dim3A_760 : vector<16xi1>, vector<16xi32>
        %reduce_sum3A_762 = arith.constant true
        %reduce_sum3A_763 = vector.broadcast %reduce_sum3A_762 : i1 to vector<16xi1>
        %reduce_sum3A_764 = tpu.scan <sum>, %select_n3A_761 masked %reduce_sum3A_763 : vector<16xi32>, vector<16xi1> -> vector<16xi32>
        %reduce_sum3A_765 = vector.extract %reduce_sum3A_764[15] : i32 from vector<16xi32>
        %add3A_766 = vector.broadcast %reduce_sum3A_765 : i32 to vector<16xi32>
        %add3A_767 = arith.addi %scan3A_716, %add3A_766 : vector<16xi32>
        %eq3A_768 = arith.constant 3 : i32
        %eq3A_769 = vector.broadcast %eq3A_768 : i32 to vector<16xi32>
        %eq3A_770 = arith.cmpi eq, %get3A_725, %eq3A_769 : vector<16xi32>
        %jit3A_771 = arith.constant 1 : i32
        %jit3A_772 = arith.constant 0 : i32
        %broadcast_in_dim3A_773 = vector.broadcast %jit3A_771 : i32 to vector<16xi32>
        %broadcast_in_dim3A_774 = vector.broadcast %jit3A_772 : i32 to vector<16xi32>
        %select_n3A_775 = arith.select %eq3A_770, %broadcast_in_dim3A_773, %broadcast_in_dim3A_774 : vector<16xi1>, vector<16xi32>
        %reduce_sum3A_776 = arith.constant true
        %reduce_sum3A_777 = vector.broadcast %reduce_sum3A_776 : i1 to vector<16xi1>
        %reduce_sum3A_778 = tpu.scan <sum>, %select_n3A_775 masked %reduce_sum3A_777 : vector<16xi32>, vector<16xi1> -> vector<16xi32>
        %reduce_sum3A_779 = vector.extract %reduce_sum3A_778[15] : i32 from vector<16xi32>
        %add3A_780 = vector.broadcast %reduce_sum3A_779 : i32 to vector<16xi32>
        %add3A_781 = arith.addi %scan3A_717, %add3A_780 : vector<16xi32>
        %eq3A_782 = arith.constant 4 : i32
        %eq3A_783 = vector.broadcast %eq3A_782 : i32 to vector<16xi32>
        %eq3A_784 = arith.cmpi eq, %get3A_725, %eq3A_783 : vector<16xi32>
        %jit3A_785 = arith.constant 1 : i32
        %jit3A_786 = arith.constant 0 : i32
        %broadcast_in_dim3A_787 = vector.broadcast %jit3A_785 : i32 to vector<16xi32>
        %broadcast_in_dim3A_788 = vector.broadcast %jit3A_786 : i32 to vector<16xi32>
        %select_n3A_789 = arith.select %eq3A_784, %broadcast_in_dim3A_787, %broadcast_in_dim3A_788 : vector<16xi1>, vector<16xi32>
        %reduce_sum3A_790 = arith.constant true
        %reduce_sum3A_791 = vector.broadcast %reduce_sum3A_790 : i1 to vector<16xi1>
        %reduce_sum3A_792 = tpu.scan <sum>, %select_n3A_789 masked %reduce_sum3A_791 : vector<16xi32>, vector<16xi1> -> vector<16xi32>
        %reduce_sum3A_793 = vector.extract %reduce_sum3A_792[15] : i32 from vector<16xi32>
        %add3A_794 = vector.broadcast %reduce_sum3A_793 : i32 to vector<16xi32>
        %add3A_795 = arith.addi %scan3A_718, %add3A_794 : vector<16xi32>
        %eq3A_796 = arith.constant 5 : i32
        %eq3A_797 = vector.broadcast %eq3A_796 : i32 to vector<16xi32>
        %eq3A_798 = arith.cmpi eq, %get3A_725, %eq3A_797 : vector<16xi32>
        %jit3A_799 = arith.constant 1 : i32
        %jit3A_800 = arith.constant 0 : i32
        %broadcast_in_dim3A_801 = vector.broadcast %jit3A_799 : i32 to vector<16xi32>
        %broadcast_in_dim3A_802 = vector.broadcast %jit3A_800 : i32 to vector<16xi32>
        %select_n3A_803 = arith.select %eq3A_798, %broadcast_in_dim3A_801, %broadcast_in_dim3A_802 : vector<16xi1>, vector<16xi32>
        %reduce_sum3A_804 = arith.constant true
        %reduce_sum3A_805 = vector.broadcast %reduce_sum3A_804 : i1 to vector<16xi1>
        %reduce_sum3A_806 = tpu.scan <sum>, %select_n3A_803 masked %reduce_sum3A_805 : vector<16xi32>, vector<16xi1> -> vector<16xi32>
        %reduce_sum3A_807 = vector.extract %reduce_sum3A_806[15] : i32 from vector<16xi32>
        %add3A_808 = vector.broadcast %reduce_sum3A_807 : i32 to vector<16xi32>
        %add3A_809 = arith.addi %scan3A_719, %add3A_808 : vector<16xi32>
        %eq3A_810 = arith.constant 6 : i32
        %eq3A_811 = vector.broadcast %eq3A_810 : i32 to vector<16xi32>
        %eq3A_812 = arith.cmpi eq, %get3A_725, %eq3A_811 : vector<16xi32>
        %jit3A_813 = arith.constant 1 : i32
        %jit3A_814 = arith.constant 0 : i32
        %broadcast_in_dim3A_815 = vector.broadcast %jit3A_813 : i32 to vector<16xi32>
        %broadcast_in_dim3A_816 = vector.broadcast %jit3A_814 : i32 to vector<16xi32>
        %select_n3A_817 = arith.select %eq3A_812, %broadcast_in_dim3A_815, %broadcast_in_dim3A_816 : vector<16xi1>, vector<16xi32>
        %reduce_sum3A_818 = arith.constant true
        %reduce_sum3A_819 = vector.broadcast %reduce_sum3A_818 : i1 to vector<16xi1>
        %reduce_sum3A_820 = tpu.scan <sum>, %select_n3A_817 masked %reduce_sum3A_819 : vector<16xi32>, vector<16xi1> -> vector<16xi32>
        %reduce_sum3A_821 = vector.extract %reduce_sum3A_820[15] : i32 from vector<16xi32>
        %add3A_822 = vector.broadcast %reduce_sum3A_821 : i32 to vector<16xi32>
        %add3A_823 = arith.addi %scan3A_720, %add3A_822 : vector<16xi32>
        %eq3A_824 = arith.constant 7 : i32
        %eq3A_825 = vector.broadcast %eq3A_824 : i32 to vector<16xi32>
        %eq3A_826 = arith.cmpi eq, %get3A_725, %eq3A_825 : vector<16xi32>
        %jit3A_827 = arith.constant 1 : i32
        %jit3A_828 = arith.constant 0 : i32
        %broadcast_in_dim3A_829 = vector.broadcast %jit3A_827 : i32 to vector<16xi32>
        %broadcast_in_dim3A_830 = vector.broadcast %jit3A_828 : i32 to vector<16xi32>
        %select_n3A_831 = arith.select %eq3A_826, %broadcast_in_dim3A_829, %broadcast_in_dim3A_830 : vector<16xi1>, vector<16xi32>
        %reduce_sum3A_832 = arith.constant true
        %reduce_sum3A_833 = vector.broadcast %reduce_sum3A_832 : i1 to vector<16xi1>
        %reduce_sum3A_834 = tpu.scan <sum>, %select_n3A_831 masked %reduce_sum3A_833 : vector<16xi32>, vector<16xi1> -> vector<16xi32>
        %reduce_sum3A_835 = vector.extract %reduce_sum3A_834[15] : i32 from vector<16xi32>
        %add3A_836 = vector.broadcast %reduce_sum3A_835 : i32 to vector<16xi32>
        %add3A_837 = arith.addi %scan3A_721, %add3A_836 : vector<16xi32>
        scf.yield %add3A_739, %add3A_753, %add3A_767, %add3A_781, %add3A_795, %add3A_809, %add3A_823, %add3A_837 : vector<16xi32>, vector<16xi32>, vector<16xi32>, vector<16xi32>, vector<16xi32>, vector<16xi32>, vector<16xi32>, vector<16xi32>
      }
      %scan3A_7 = arith.constant 32 : i32
      %broadcast_in_dim3A_8 = arith.constant 0 : i32
      %broadcast_in_dim3A_9 = vector.broadcast %broadcast_in_dim3A_8 : i32 to vector<16xi32>
      %eq3A_10 = arith.constant 0 : i32
      %eq3A_11 = vector.broadcast %eq3A_10 : i32 to vector<16xi32>
      %eq3A_12 = arith.cmpi eq, %iota3A, %eq3A_11 : vector<16xi32>
      %select_n3A = arith.select %eq3A_12, %scan3A_6#0, %broadcast_in_dim3A_9 : vector<16xi1>, vector<16xi32>
      %eq3A_13 = arith.constant 1 : i32
      %eq3A_14 = vector.broadcast %eq3A_13 : i32 to vector<16xi32>
      %eq3A_15 = arith.cmpi eq, %iota3A, %eq3A_14 : vector<16xi32>
      %select_n3A_16 = arith.select %eq3A_15, %scan3A_6#1, %select_n3A : vector<16xi1>, vector<16xi32>
      %eq3A_17 = arith.constant 2 : i32
      %eq3A_18 = vector.broadcast %eq3A_17 : i32 to vector<16xi32>
      %eq3A_19 = arith.cmpi eq, %iota3A, %eq3A_18 : vector<16xi32>
      %select_n3A_20 = arith.select %eq3A_19, %scan3A_6#2, %select_n3A_16 : vector<16xi1>, vector<16xi32>
      %eq3A_21 = arith.constant 3 : i32
      %eq3A_22 = vector.broadcast %eq3A_21 : i32 to vector<16xi32>
      %eq3A_23 = arith.cmpi eq, %iota3A, %eq3A_22 : vector<16xi32>
      %select_n3A_24 = arith.select %eq3A_23, %scan3A_6#3, %select_n3A_20 : vector<16xi1>, vector<16xi32>
      %eq3A_25 = arith.constant 4 : i32
      %eq3A_26 = vector.broadcast %eq3A_25 : i32 to vector<16xi32>
      %eq3A_27 = arith.cmpi eq, %iota3A, %eq3A_26 : vector<16xi32>
      %select_n3A_28 = arith.select %eq3A_27, %scan3A_6#4, %select_n3A_24 : vector<16xi1>, vector<16xi32>
      %eq3A_29 = arith.constant 5 : i32
      %eq3A_30 = vector.broadcast %eq3A_29 : i32 to vector<16xi32>
      %eq3A_31 = arith.cmpi eq, %iota3A, %eq3A_30 : vector<16xi32>
      %select_n3A_32 = arith.select %eq3A_31, %scan3A_6#5, %select_n3A_28 : vector<16xi1>, vector<16xi32>
      %eq3A_33 = arith.constant 6 : i32
      %eq3A_34 = vector.broadcast %eq3A_33 : i32 to vector<16xi32>
      %eq3A_35 = arith.cmpi eq, %iota3A, %eq3A_34 : vector<16xi32>
      %select_n3A_36 = arith.select %eq3A_35, %scan3A_6#6, %select_n3A_32 : vector<16xi1>, vector<16xi32>
      %eq3A_37 = arith.constant 7 : i32
      %eq3A_38 = vector.broadcast %eq3A_37 : i32 to vector<16xi32>
      %eq3A_39 = arith.cmpi eq, %iota3A, %eq3A_38 : vector<16xi32>
      %select_n3A_40 = arith.select %eq3A_39, %scan3A_6#7, %select_n3A_36 : vector<16xi1>, vector<16xi32>
      %swap3A = arith.constant 0 : index
      %swap3A_41 = tpu.vector_load %arg15[%swap3A] {strides = array<i32>} : memref<16xi32, #tpu.memory_space<vmem>>, vector<16xi32>,
      tpu.vector_store %arg15[%swap3A], %select_n3A_40 {strides = array<i32>} : memref<16xi32, #tpu.memory_space<vmem>>, vector<16xi32>,
      "tpu.region"() ({
        %run_scoped3A_713 = tpu.sem_alloc : memref<!tpu.dma_semaphore, #tpu.memory_space<semaphore_mem>>
        %dma_start3A = arith.constant 0 : i32
        %dma_start3A_714 = tpu.memref_slice %arg17[%arg1, %dma_start3A] : memref<16x16xi32, #tpu.memory_space<vmem_shared>> -> memref<1x16xi32, #tpu.memory_space<vmem_shared>>
        %dma_start3A_715 = tpu.memref_squeeze %dma_start3A_714 : memref<1x16xi32, #tpu.memory_space<vmem_shared>> -> memref<16xi32, #tpu.memory_space<vmem_shared>>
        %dma_start3A_716 = arith.constant 0 : i32
        %dma_start3A_717 = tpu.memref_slice %arg17[%arg1, %dma_start3A_716] : memref<16x16xi32, #tpu.memory_space<vmem_shared>> -> memref<1x16xi32, #tpu.memory_space<vmem_shared>>
        %dma_start3A_718 = tpu.memref_squeeze %dma_start3A_717 : memref<1x16xi32, #tpu.memory_space<vmem_shared>> -> memref<16xi32, #tpu.memory_space<vmem_shared>>
        tpu.enqueue_dma source(%arg15 : memref<16xi32, #tpu.memory_space<vmem>>) target(%dma_start3A_718 : memref<16xi32, #tpu.memory_space<vmem_shared>>) target_semaphore(%run_scoped3A_713 : memref<!tpu.dma_semaphore, #tpu.memory_space<semaphore_mem>>)
        %dma_wait3A = arith.constant 0 : i32
        %dma_wait3A_719 = tpu.memref_slice %arg17[%arg1, %dma_wait3A] : memref<16x16xi32, #tpu.memory_space<vmem_shared>> -> memref<1x16xi32, #tpu.memory_space<vmem_shared>>
        %dma_wait3A_720 = tpu.memref_squeeze %dma_wait3A_719 : memref<1x16xi32, #tpu.memory_space<vmem_shared>> -> memref<16xi32, #tpu.memory_space<vmem_shared>>
        %dma_wait3A_721 = arith.constant 0 : i32
        %dma_wait3A_722 = tpu.memref_slice %arg17[%arg1, %dma_wait3A_721] : memref<16x16xi32, #tpu.memory_space<vmem_shared>> -> memref<1x16xi32, #tpu.memory_space<vmem_shared>>
        %dma_wait3A_723 = tpu.memref_squeeze %dma_wait3A_722 : memref<1x16xi32, #tpu.memory_space<vmem_shared>> -> memref<16xi32, #tpu.memory_space<vmem_shared>>
        tpu.wait_dma2 semaphore(%run_scoped3A_713 : memref<!tpu.dma_semaphore, #tpu.memory_space<semaphore_mem>>) src(%arg15 : memref<16xi32, #tpu.memory_space<vmem>>) dst(%dma_wait3A_723 : memref<16xi32, #tpu.memory_space<vmem_shared>>)
        tpu.yield
      }) : () -> ()
      %barrier3A = arith.constant 0 : index
      tpu.barrier barrier_id(%barrier3A)
      "tpu.region"() ({
        %run_scoped3A_713 = tpu.sem_alloc : memref<!tpu.dma_semaphore, #tpu.memory_space<semaphore_mem>>
        tpu.enqueue_dma source(%arg17 : memref<16x16xi32, #tpu.memory_space<vmem_shared>>) target(%arg16 : memref<16x16xi32, #tpu.memory_space<vmem>>) target_semaphore(%run_scoped3A_713 : memref<!tpu.dma_semaphore, #tpu.memory_space<semaphore_mem>>)
        tpu.wait_dma2 semaphore(%run_scoped3A_713 : memref<!tpu.dma_semaphore, #tpu.memory_space<semaphore_mem>>) src(%arg17 : memref<16x16xi32, #tpu.memory_space<vmem_shared>>) dst(%arg16 : memref<16x16xi32, #tpu.memory_space<vmem>>)
        tpu.yield
      }) : () -> ()
      %broadcast_in_dim3A_42 = arith.constant 0 : i32
      %broadcast_in_dim3A_43 = vector.broadcast %broadcast_in_dim3A_42 : i32 to vector<16xi32>
      %gt3A = arith.constant 0 : i32
      %gt3A_44 = arith.cmpi sgt, %arg1, %gt3A : i32
      %get3A = arith.constant 0 : i32
      %get3A_45 = arith.index_cast %get3A : i32 to index
      %get3A_46 = arith.constant 0 : index
      %get3A_47 = tpu.vector_load %arg16[%get3A_45, %get3A_46] {strides = array<i32>} : memref<16x16xi32, #tpu.memory_space<vmem>>, vector<16xi32>,
      %jit3A = arith.constant 0 : i32
      %broadcast_in_dim3A_48 = vector.broadcast %jit3A : i32 to vector<16xi32>
      %select_n3A_49 = arith.select %gt3A_44, %get3A_47, %broadcast_in_dim3A_48 : vector<16xi32>
      %add3A = arith.addi %broadcast_in_dim3A_43, %select_n3A_49 : vector<16xi32>
      %gt3A_50 = arith.constant 1 : i32
      %gt3A_51 = arith.cmpi sgt, %arg1, %gt3A_50 : i32
      %get3A_52 = arith.constant 1 : i32
      %get3A_53 = arith.index_cast %get3A_52 : i32 to index
      %get3A_54 = arith.constant 0 : index
      %get3A_55 = tpu.vector_load %arg16[%get3A_53, %get3A_54] {strides = array<i32>} : memref<16x16xi32, #tpu.memory_space<vmem>>, vector<16xi32>,
      %jit3A_56 = arith.constant 0 : i32
      %broadcast_in_dim3A_57 = vector.broadcast %jit3A_56 : i32 to vector<16xi32>
      %select_n3A_58 = arith.select %gt3A_51, %get3A_55, %broadcast_in_dim3A_57 : vector<16xi32>
      %add3A_59 = arith.addi %add3A, %select_n3A_58 : vector<16xi32>
      %gt3A_60 = arith.constant 2 : i32
      %gt3A_61 = arith.cmpi sgt, %arg1, %gt3A_60 : i32
      %get3A_62 = arith.constant 2 : i32
      %get3A_63 = arith.index_cast %get3A_62 : i32 to index
      %get3A_64 = arith.constant 0 : index
      %get3A_65 = tpu.vector_load %arg16[%get3A_63, %get3A_64] {strides = array<i32>} : memref<16x16xi32, #tpu.memory_space<vmem>>, vector<16xi32>,
      %jit3A_66 = arith.constant 0 : i32
      %broadcast_in_dim3A_67 = vector.broadcast %jit3A_66 : i32 to vector<16xi32>
      %select_n3A_68 = arith.select %gt3A_61, %get3A_65, %broadcast_in_dim3A_67 : vector<16xi32>
      %add3A_69 = arith.addi %add3A_59, %select_n3A_68 : vector<16xi32>
      %gt3A_70 = arith.constant 3 : i32
      %gt3A_71 = arith.cmpi sgt, %arg1, %gt3A_70 : i32
      %get3A_72 = arith.constant 3 : i32
      %get3A_73 = arith.index_cast %get3A_72 : i32 to index
      %get3A_74 = arith.constant 0 : index
      %get3A_75 = tpu.vector_load %arg16[%get3A_73, %get3A_74] {strides = array<i32>} : memref<16x16xi32, #tpu.memory_space<vmem>>, vector<16xi32>,
      %jit3A_76 = arith.constant 0 : i32
      %broadcast_in_dim3A_77 = vector.broadcast %jit3A_76 : i32 to vector<16xi32>
      %select_n3A_78 = arith.select %gt3A_71, %get3A_75, %broadcast_in_dim3A_77 : vector<16xi32>
      %add3A_79 = arith.addi %add3A_69, %select_n3A_78 : vector<16xi32>
      %gt3A_80 = arith.constant 4 : i32
      %gt3A_81 = arith.cmpi sgt, %arg1, %gt3A_80 : i32
      %get3A_82 = arith.constant 4 : i32
      %get3A_83 = arith.index_cast %get3A_82 : i32 to index
      %get3A_84 = arith.constant 0 : index
      %get3A_85 = tpu.vector_load %arg16[%get3A_83, %get3A_84] {strides = array<i32>} : memref<16x16xi32, #tpu.memory_space<vmem>>, vector<16xi32>,
      %jit3A_86 = arith.constant 0 : i32
      %broadcast_in_dim3A_87 = vector.broadcast %jit3A_86 : i32 to vector<16xi32>
      %select_n3A_88 = arith.select %gt3A_81, %get3A_85, %broadcast_in_dim3A_87 : vector<16xi32>
      %add3A_89 = arith.addi %add3A_79, %select_n3A_88 : vector<16xi32>
      %gt3A_90 = arith.constant 5 : i32
      %gt3A_91 = arith.cmpi sgt, %arg1, %gt3A_90 : i32
      %get3A_92 = arith.constant 5 : i32
      %get3A_93 = arith.index_cast %get3A_92 : i32 to index
      %get3A_94 = arith.constant 0 : index
      %get3A_95 = tpu.vector_load %arg16[%get3A_93, %get3A_94] {strides = array<i32>} : memref<16x16xi32, #tpu.memory_space<vmem>>, vector<16xi32>,
      %jit3A_96 = arith.constant 0 : i32
      %broadcast_in_dim3A_97 = vector.broadcast %jit3A_96 : i32 to vector<16xi32>
      %select_n3A_98 = arith.select %gt3A_91, %get3A_95, %broadcast_in_dim3A_97 : vector<16xi32>
      %add3A_99 = arith.addi %add3A_89, %select_n3A_98 : vector<16xi32>
      %gt3A_100 = arith.constant 6 : i32
      %gt3A_101 = arith.cmpi sgt, %arg1, %gt3A_100 : i32
      %get3A_102 = arith.constant 6 : i32
      %get3A_103 = arith.index_cast %get3A_102 : i32 to index
      %get3A_104 = arith.constant 0 : index
      %get3A_105 = tpu.vector_load %arg16[%get3A_103, %get3A_104] {strides = array<i32>} : memref<16x16xi32, #tpu.memory_space<vmem>>, vector<16xi32>,
      %jit3A_106 = arith.constant 0 : i32
      %broadcast_in_dim3A_107 = vector.broadcast %jit3A_106 : i32 to vector<16xi32>
      %select_n3A_108 = arith.select %gt3A_101, %get3A_105, %broadcast_in_dim3A_107 : vector<16xi32>
      %add3A_109 = arith.addi %add3A_99, %select_n3A_108 : vector<16xi32>
      %gt3A_110 = arith.constant 7 : i32
      %gt3A_111 = arith.cmpi sgt, %arg1, %gt3A_110 : i32
      %get3A_112 = arith.constant 7 : i32
      %get3A_113 = arith.index_cast %get3A_112 : i32 to index
      %get3A_114 = arith.constant 0 : index
      %get3A_115 = tpu.vector_load %arg16[%get3A_113, %get3A_114] {strides = array<i32>} : memref<16x16xi32, #tpu.memory_space<vmem>>, vector<16xi32>,
      %jit3A_116 = arith.constant 0 : i32
      %broadcast_in_dim3A_117 = vector.broadcast %jit3A_116 : i32 to vector<16xi32>
      %select_n3A_118 = arith.select %gt3A_111, %get3A_115, %broadcast_in_dim3A_117 : vector<16xi32>
      %add3A_119 = arith.addi %add3A_109, %select_n3A_118 : vector<16xi32>
      %gt3A_120 = arith.constant 8 : i32
      %gt3A_121 = arith.cmpi sgt, %arg1, %gt3A_120 : i32
      %get3A_122 = arith.constant 8 : i32
      %get3A_123 = arith.index_cast %get3A_122 : i32 to index
      %get3A_124 = arith.constant 0 : index
      %get3A_125 = tpu.vector_load %arg16[%get3A_123, %get3A_124] {strides = array<i32>} : memref<16x16xi32, #tpu.memory_space<vmem>>, vector<16xi32>,
      %jit3A_126 = arith.constant 0 : i32
      %broadcast_in_dim3A_127 = vector.broadcast %jit3A_126 : i32 to vector<16xi32>
      %select_n3A_128 = arith.select %gt3A_121, %get3A_125, %broadcast_in_dim3A_127 : vector<16xi32>
      %add3A_129 = arith.addi %add3A_119, %select_n3A_128 : vector<16xi32>
      %gt3A_130 = arith.constant 9 : i32
      %gt3A_131 = arith.cmpi sgt, %arg1, %gt3A_130 : i32
      %get3A_132 = arith.constant 9 : i32
      %get3A_133 = arith.index_cast %get3A_132 : i32 to index
      %get3A_134 = arith.constant 0 : index
      %get3A_135 = tpu.vector_load %arg16[%get3A_133, %get3A_134] {strides = array<i32>} : memref<16x16xi32, #tpu.memory_space<vmem>>, vector<16xi32>,
      %jit3A_136 = arith.constant 0 : i32
      %broadcast_in_dim3A_137 = vector.broadcast %jit3A_136 : i32 to vector<16xi32>
      %select_n3A_138 = arith.select %gt3A_131, %get3A_135, %broadcast_in_dim3A_137 : vector<16xi32>
      %add3A_139 = arith.addi %add3A_129, %select_n3A_138 : vector<16xi32>
      %gt3A_140 = arith.constant 10 : i32
      %gt3A_141 = arith.cmpi sgt, %arg1, %gt3A_140 : i32
      %get3A_142 = arith.constant 10 : i32
      %get3A_143 = arith.index_cast %get3A_142 : i32 to index
      %get3A_144 = arith.constant 0 : index
      %get3A_145 = tpu.vector_load %arg16[%get3A_143, %get3A_144] {strides = array<i32>} : memref<16x16xi32, #tpu.memory_space<vmem>>, vector<16xi32>,
      %jit3A_146 = arith.constant 0 : i32
      %broadcast_in_dim3A_147 = vector.broadcast %jit3A_146 : i32 to vector<16xi32>
      %select_n3A_148 = arith.select %gt3A_141, %get3A_145, %broadcast_in_dim3A_147 : vector<16xi32>
      %add3A_149 = arith.addi %add3A_139, %select_n3A_148 : vector<16xi32>
      %gt3A_150 = arith.constant 11 : i32
      %gt3A_151 = arith.cmpi sgt, %arg1, %gt3A_150 : i32
      %get3A_152 = arith.constant 11 : i32
      %get3A_153 = arith.index_cast %get3A_152 : i32 to index
      %get3A_154 = arith.constant 0 : index
      %get3A_155 = tpu.vector_load %arg16[%get3A_153, %get3A_154] {strides = array<i32>} : memref<16x16xi32, #tpu.memory_space<vmem>>, vector<16xi32>,
      %jit3A_156 = arith.constant 0 : i32
      %broadcast_in_dim3A_157 = vector.broadcast %jit3A_156 : i32 to vector<16xi32>
      %select_n3A_158 = arith.select %gt3A_151, %get3A_155, %broadcast_in_dim3A_157 : vector<16xi32>
      %add3A_159 = arith.addi %add3A_149, %select_n3A_158 : vector<16xi32>
      %gt3A_160 = arith.constant 12 : i32
      %gt3A_161 = arith.cmpi sgt, %arg1, %gt3A_160 : i32
      %get3A_162 = arith.constant 12 : i32
      %get3A_163 = arith.index_cast %get3A_162 : i32 to index
      %get3A_164 = arith.constant 0 : index
      %get3A_165 = tpu.vector_load %arg16[%get3A_163, %get3A_164] {strides = array<i32>} : memref<16x16xi32, #tpu.memory_space<vmem>>, vector<16xi32>,
      %jit3A_166 = arith.constant 0 : i32
      %broadcast_in_dim3A_167 = vector.broadcast %jit3A_166 : i32 to vector<16xi32>
      %select_n3A_168 = arith.select %gt3A_161, %get3A_165, %broadcast_in_dim3A_167 : vector<16xi32>
      %add3A_169 = arith.addi %add3A_159, %select_n3A_168 : vector<16xi32>
      %gt3A_170 = arith.constant 13 : i32
      %gt3A_171 = arith.cmpi sgt, %arg1, %gt3A_170 : i32
      %get3A_172 = arith.constant 13 : i32
      %get3A_173 = arith.index_cast %get3A_172 : i32 to index
      %get3A_174 = arith.constant 0 : index
      %get3A_175 = tpu.vector_load %arg16[%get3A_173, %get3A_174] {strides = array<i32>} : memref<16x16xi32, #tpu.memory_space<vmem>>, vector<16xi32>,
      %jit3A_176 = arith.constant 0 : i32
      %broadcast_in_dim3A_177 = vector.broadcast %jit3A_176 : i32 to vector<16xi32>
      %select_n3A_178 = arith.select %gt3A_171, %get3A_175, %broadcast_in_dim3A_177 : vector<16xi32>
      %add3A_179 = arith.addi %add3A_169, %select_n3A_178 : vector<16xi32>
      %gt3A_180 = arith.constant 14 : i32
      %gt3A_181 = arith.cmpi sgt, %arg1, %gt3A_180 : i32
      %get3A_182 = arith.constant 14 : i32
      %get3A_183 = arith.index_cast %get3A_182 : i32 to index
      %get3A_184 = arith.constant 0 : index
      %get3A_185 = tpu.vector_load %arg16[%get3A_183, %get3A_184] {strides = array<i32>} : memref<16x16xi32, #tpu.memory_space<vmem>>, vector<16xi32>,
      %jit3A_186 = arith.constant 0 : i32
      %broadcast_in_dim3A_187 = vector.broadcast %jit3A_186 : i32 to vector<16xi32>
      %select_n3A_188 = arith.select %gt3A_181, %get3A_185, %broadcast_in_dim3A_187 : vector<16xi32>
      %add3A_189 = arith.addi %add3A_179, %select_n3A_188 : vector<16xi32>
      %gt3A_190 = arith.constant 15 : i32
      %gt3A_191 = arith.cmpi sgt, %arg1, %gt3A_190 : i32
      %get3A_192 = arith.constant 15 : i32
      %get3A_193 = arith.index_cast %get3A_192 : i32 to index
      %get3A_194 = arith.constant 0 : index
      %get3A_195 = tpu.vector_load %arg16[%get3A_193, %get3A_194] {strides = array<i32>} : memref<16x16xi32, #tpu.memory_space<vmem>>, vector<16xi32>,
      %jit3A_196 = arith.constant 0 : i32
      %broadcast_in_dim3A_197 = vector.broadcast %jit3A_196 : i32 to vector<16xi32>
      %select_n3A_198 = arith.select %gt3A_191, %get3A_195, %broadcast_in_dim3A_197 : vector<16xi32>
      %add3A_199 = arith.addi %add3A_189, %select_n3A_198 : vector<16xi32>
      %broadcast_in_dim3A_200 = arith.constant 0 : i32
      %broadcast_in_dim3A_201 = vector.broadcast %broadcast_in_dim3A_200 : i32 to vector<16xi32>
      %eq3A_202 = arith.constant 0 : i32
      %eq3A_203 = vector.broadcast %eq3A_202 : i32 to vector<16xi32>
      %eq3A_204 = arith.cmpi eq, %iota3A, %eq3A_203 : vector<16xi32>
      %jit3A_205 = arith.constant 0 : i32
      %broadcast_in_dim3A_206 = vector.broadcast %jit3A_205 : i32 to vector<16xi32>
      %select_n3A_207 = arith.select %eq3A_204, %add3A_199, %broadcast_in_dim3A_206 : vector<16xi1>, vector<16xi32>
      %reduce_sum3A = arith.constant true
      %reduce_sum3A_208 = vector.broadcast %reduce_sum3A : i1 to vector<16xi1>
      %reduce_sum3A_209 = tpu.scan <sum>, %select_n3A_207 masked %reduce_sum3A_208 : vector<16xi32>, vector<16xi1> -> vector<16xi32>
      %reduce_sum3A_210 = vector.extract %reduce_sum3A_209[15] : i32 from vector<16xi32>
      %add3A_211 = vector.broadcast %reduce_sum3A_210 : i32 to vector<16xi32>
      %add3A_212 = arith.addi %broadcast_in_dim3A_201, %add3A_211 : vector<16xi32>
      %broadcast_in_dim3A_213 = arith.constant 0 : i32
      %broadcast_in_dim3A_214 = vector.broadcast %broadcast_in_dim3A_213 : i32 to vector<16xi32>
      %eq3A_215 = arith.constant 1 : i32
      %eq3A_216 = vector.broadcast %eq3A_215 : i32 to vector<16xi32>
      %eq3A_217 = arith.cmpi eq, %iota3A, %eq3A_216 : vector<16xi32>
      %jit3A_218 = arith.constant 0 : i32
      %broadcast_in_dim3A_219 = vector.broadcast %jit3A_218 : i32 to vector<16xi32>
      %select_n3A_220 = arith.select %eq3A_217, %add3A_199, %broadcast_in_dim3A_219 : vector<16xi1>, vector<16xi32>
      %reduce_sum3A_221 = arith.constant true
      %reduce_sum3A_222 = vector.broadcast %reduce_sum3A_221 : i1 to vector<16xi1>
      %reduce_sum3A_223 = tpu.scan <sum>, %select_n3A_220 masked %reduce_sum3A_222 : vector<16xi32>, vector<16xi1> -> vector<16xi32>
      %reduce_sum3A_224 = vector.extract %reduce_sum3A_223[15] : i32 from vector<16xi32>
      %add3A_225 = vector.broadcast %reduce_sum3A_224 : i32 to vector<16xi32>
      %add3A_226 = arith.addi %broadcast_in_dim3A_214, %add3A_225 : vector<16xi32>
      %broadcast_in_dim3A_227 = arith.constant 0 : i32
      %broadcast_in_dim3A_228 = vector.broadcast %broadcast_in_dim3A_227 : i32 to vector<16xi32>
      %eq3A_229 = arith.constant 2 : i32
      %eq3A_230 = vector.broadcast %eq3A_229 : i32 to vector<16xi32>
      %eq3A_231 = arith.cmpi eq, %iota3A, %eq3A_230 : vector<16xi32>
      %jit3A_232 = arith.constant 0 : i32
      %broadcast_in_dim3A_233 = vector.broadcast %jit3A_232 : i32 to vector<16xi32>
      %select_n3A_234 = arith.select %eq3A_231, %add3A_199, %broadcast_in_dim3A_233 : vector<16xi1>, vector<16xi32>
      %reduce_sum3A_235 = arith.constant true
      %reduce_sum3A_236 = vector.broadcast %reduce_sum3A_235 : i1 to vector<16xi1>
      %reduce_sum3A_237 = tpu.scan <sum>, %select_n3A_234 masked %reduce_sum3A_236 : vector<16xi32>, vector<16xi1> -> vector<16xi32>
      %reduce_sum3A_238 = vector.extract %reduce_sum3A_237[15] : i32 from vector<16xi32>
      %add3A_239 = vector.broadcast %reduce_sum3A_238 : i32 to vector<16xi32>
      %add3A_240 = arith.addi %broadcast_in_dim3A_228, %add3A_239 : vector<16xi32>
      %broadcast_in_dim3A_241 = arith.constant 0 : i32
      %broadcast_in_dim3A_242 = vector.broadcast %broadcast_in_dim3A_241 : i32 to vector<16xi32>
      %eq3A_243 = arith.constant 3 : i32
      %eq3A_244 = vector.broadcast %eq3A_243 : i32 to vector<16xi32>
      %eq3A_245 = arith.cmpi eq, %iota3A, %eq3A_244 : vector<16xi32>
      %jit3A_246 = arith.constant 0 : i32
      %broadcast_in_dim3A_247 = vector.broadcast %jit3A_246 : i32 to vector<16xi32>
      %select_n3A_248 = arith.select %eq3A_245, %add3A_199, %broadcast_in_dim3A_247 : vector<16xi1>, vector<16xi32>
      %reduce_sum3A_249 = arith.constant true
      %reduce_sum3A_250 = vector.broadcast %reduce_sum3A_249 : i1 to vector<16xi1>
      %reduce_sum3A_251 = tpu.scan <sum>, %select_n3A_248 masked %reduce_sum3A_250 : vector<16xi32>, vector<16xi1> -> vector<16xi32>
      %reduce_sum3A_252 = vector.extract %reduce_sum3A_251[15] : i32 from vector<16xi32>
      %add3A_253 = vector.broadcast %reduce_sum3A_252 : i32 to vector<16xi32>
      %add3A_254 = arith.addi %broadcast_in_dim3A_242, %add3A_253 : vector<16xi32>
      %broadcast_in_dim3A_255 = arith.constant 0 : i32
      %broadcast_in_dim3A_256 = vector.broadcast %broadcast_in_dim3A_255 : i32 to vector<16xi32>
      %eq3A_257 = arith.constant 4 : i32
      %eq3A_258 = vector.broadcast %eq3A_257 : i32 to vector<16xi32>
      %eq3A_259 = arith.cmpi eq, %iota3A, %eq3A_258 : vector<16xi32>
      %jit3A_260 = arith.constant 0 : i32
      %broadcast_in_dim3A_261 = vector.broadcast %jit3A_260 : i32 to vector<16xi32>
      %select_n3A_262 = arith.select %eq3A_259, %add3A_199, %broadcast_in_dim3A_261 : vector<16xi1>, vector<16xi32>
      %reduce_sum3A_263 = arith.constant true
      %reduce_sum3A_264 = vector.broadcast %reduce_sum3A_263 : i1 to vector<16xi1>
      %reduce_sum3A_265 = tpu.scan <sum>, %select_n3A_262 masked %reduce_sum3A_264 : vector<16xi32>, vector<16xi1> -> vector<16xi32>
      %reduce_sum3A_266 = vector.extract %reduce_sum3A_265[15] : i32 from vector<16xi32>
      %add3A_267 = vector.broadcast %reduce_sum3A_266 : i32 to vector<16xi32>
      %add3A_268 = arith.addi %broadcast_in_dim3A_256, %add3A_267 : vector<16xi32>
      %broadcast_in_dim3A_269 = arith.constant 0 : i32
      %broadcast_in_dim3A_270 = vector.broadcast %broadcast_in_dim3A_269 : i32 to vector<16xi32>
      %eq3A_271 = arith.constant 5 : i32
      %eq3A_272 = vector.broadcast %eq3A_271 : i32 to vector<16xi32>
      %eq3A_273 = arith.cmpi eq, %iota3A, %eq3A_272 : vector<16xi32>
      %jit3A_274 = arith.constant 0 : i32
      %broadcast_in_dim3A_275 = vector.broadcast %jit3A_274 : i32 to vector<16xi32>
      %select_n3A_276 = arith.select %eq3A_273, %add3A_199, %broadcast_in_dim3A_275 : vector<16xi1>, vector<16xi32>
      %reduce_sum3A_277 = arith.constant true
      %reduce_sum3A_278 = vector.broadcast %reduce_sum3A_277 : i1 to vector<16xi1>
      %reduce_sum3A_279 = tpu.scan <sum>, %select_n3A_276 masked %reduce_sum3A_278 : vector<16xi32>, vector<16xi1> -> vector<16xi32>
      %reduce_sum3A_280 = vector.extract %reduce_sum3A_279[15] : i32 from vector<16xi32>
      %add3A_281 = vector.broadcast %reduce_sum3A_280 : i32 to vector<16xi32>
      %add3A_282 = arith.addi %broadcast_in_dim3A_270, %add3A_281 : vector<16xi32>
      %broadcast_in_dim3A_283 = arith.constant 0 : i32
      %broadcast_in_dim3A_284 = vector.broadcast %broadcast_in_dim3A_283 : i32 to vector<16xi32>
      %eq3A_285 = arith.constant 6 : i32
      %eq3A_286 = vector.broadcast %eq3A_285 : i32 to vector<16xi32>
      %eq3A_287 = arith.cmpi eq, %iota3A, %eq3A_286 : vector<16xi32>
      %jit3A_288 = arith.constant 0 : i32
      %broadcast_in_dim3A_289 = vector.broadcast %jit3A_288 : i32 to vector<16xi32>
      %select_n3A_290 = arith.select %eq3A_287, %add3A_199, %broadcast_in_dim3A_289 : vector<16xi1>, vector<16xi32>
      %reduce_sum3A_291 = arith.constant true
      %reduce_sum3A_292 = vector.broadcast %reduce_sum3A_291 : i1 to vector<16xi1>
      %reduce_sum3A_293 = tpu.scan <sum>, %select_n3A_290 masked %reduce_sum3A_292 : vector<16xi32>, vector<16xi1> -> vector<16xi32>
      %reduce_sum3A_294 = vector.extract %reduce_sum3A_293[15] : i32 from vector<16xi32>
      %add3A_295 = vector.broadcast %reduce_sum3A_294 : i32 to vector<16xi32>
      %add3A_296 = arith.addi %broadcast_in_dim3A_284, %add3A_295 : vector<16xi32>
      %broadcast_in_dim3A_297 = arith.constant 0 : i32
      %broadcast_in_dim3A_298 = vector.broadcast %broadcast_in_dim3A_297 : i32 to vector<16xi32>
      %eq3A_299 = arith.constant 7 : i32
      %eq3A_300 = vector.broadcast %eq3A_299 : i32 to vector<16xi32>
      %eq3A_301 = arith.cmpi eq, %iota3A, %eq3A_300 : vector<16xi32>
      %jit3A_302 = arith.constant 0 : i32
      %broadcast_in_dim3A_303 = vector.broadcast %jit3A_302 : i32 to vector<16xi32>
      %select_n3A_304 = arith.select %eq3A_301, %add3A_199, %broadcast_in_dim3A_303 : vector<16xi1>, vector<16xi32>
      %reduce_sum3A_305 = arith.constant true
      %reduce_sum3A_306 = vector.broadcast %reduce_sum3A_305 : i1 to vector<16xi1>
      %reduce_sum3A_307 = tpu.scan <sum>, %select_n3A_304 masked %reduce_sum3A_306 : vector<16xi32>, vector<16xi1> -> vector<16xi32>
      %reduce_sum3A_308 = vector.extract %reduce_sum3A_307[15] : i32 from vector<16xi32>
      %add3A_309 = vector.broadcast %reduce_sum3A_308 : i32 to vector<16xi32>
      %add3A_310 = arith.addi %broadcast_in_dim3A_298, %add3A_309 : vector<16xi32>
      "tpu.region"() ({
        %run_scoped3A_713 = tpu.sem_alloc : memref<!tpu.dma_semaphore, #tpu.memory_space<semaphore_mem>>
        %dma_start3A = arith.constant 0 : i32
        %dma_start3A_714 = tpu.memref_slice %arg3[%arg1, %dma_start3A] : memref<16x512xf32, #tpu.memory_space<hbm>> -> memref<1x512xf32, #tpu.memory_space<hbm>>
        %dma_start3A_715 = tpu.memref_squeeze %dma_start3A_714 : memref<1x512xf32, #tpu.memory_space<hbm>> -> memref<512xf32, #tpu.memory_space<hbm>>
        %dma_start3A_716 = arith.constant 0 : i32
        %dma_start3A_717 = tpu.memref_slice %arg3[%arg1, %dma_start3A_716] : memref<16x512xf32, #tpu.memory_space<hbm>> -> memref<1x512xf32, #tpu.memory_space<hbm>>
        %dma_start3A_718 = tpu.memref_squeeze %dma_start3A_717 : memref<1x512xf32, #tpu.memory_space<hbm>> -> memref<512xf32, #tpu.memory_space<hbm>>
        tpu.enqueue_dma source(%dma_start3A_718 : memref<512xf32, #tpu.memory_space<hbm>>) target(%arg9 : memref<512xf32, #tpu.memory_space<vmem>>) target_semaphore(%run_scoped3A_713 : memref<!tpu.dma_semaphore, #tpu.memory_space<semaphore_mem>>)
        %dma_wait3A = arith.constant 0 : i32
        %dma_wait3A_719 = tpu.memref_slice %arg3[%arg1, %dma_wait3A] : memref<16x512xf32, #tpu.memory_space<hbm>> -> memref<1x512xf32, #tpu.memory_space<hbm>>
        %dma_wait3A_720 = tpu.memref_squeeze %dma_wait3A_719 : memref<1x512xf32, #tpu.memory_space<hbm>> -> memref<512xf32, #tpu.memory_space<hbm>>
        %dma_wait3A_721 = arith.constant 0 : i32
        %dma_wait3A_722 = tpu.memref_slice %arg3[%arg1, %dma_wait3A_721] : memref<16x512xf32, #tpu.memory_space<hbm>> -> memref<1x512xf32, #tpu.memory_space<hbm>>
        %dma_wait3A_723 = tpu.memref_squeeze %dma_wait3A_722 : memref<1x512xf32, #tpu.memory_space<hbm>> -> memref<512xf32, #tpu.memory_space<hbm>>
        tpu.wait_dma2 semaphore(%run_scoped3A_713 : memref<!tpu.dma_semaphore, #tpu.memory_space<semaphore_mem>>) src(%dma_wait3A_723 : memref<512xf32, #tpu.memory_space<hbm>>) dst(%arg9 : memref<512xf32, #tpu.memory_space<vmem>>)
        tpu.yield
      }) : () -> ()
      %mul3A = arith.constant 512 : i32
      %mul3A_311 = arith.muli %arg1, %mul3A : i32
      "tpu.region"() ({
        %run_scoped3A_713 = tpu.sem_alloc : memref<!tpu.dma_semaphore, #tpu.memory_space<semaphore_mem>>
        %dma_start3A = arith.constant 0 : i32
        %dma_start3A_714 = tpu.memref_slice %arg4[%mul3A_311, %dma_start3A] : memref<8192x64xf32, #tpu.memory_space<hbm>> -> memref<512x64xf32, #tpu.memory_space<hbm>>
        %dma_start3A_715 = arith.constant 0 : i32
        %dma_start3A_716 = tpu.memref_slice %arg4[%mul3A_311, %dma_start3A_715] : memref<8192x64xf32, #tpu.memory_space<hbm>> -> memref<512x64xf32, #tpu.memory_space<hbm>>
        tpu.enqueue_dma source(%dma_start3A_716 : memref<512x64xf32, #tpu.memory_space<hbm>>) target(%arg10 : memref<512x64xf32, #tpu.memory_space<vmem>>) target_semaphore(%run_scoped3A_713 : memref<!tpu.dma_semaphore, #tpu.memory_space<semaphore_mem>>)
        %dma_wait3A = arith.constant 0 : i32
        %dma_wait3A_717 = tpu.memref_slice %arg4[%mul3A_311, %dma_wait3A] : memref<8192x64xf32, #tpu.memory_space<hbm>> -> memref<512x64xf32, #tpu.memory_space<hbm>>
        %dma_wait3A_718 = arith.constant 0 : i32
        %dma_wait3A_719 = tpu.memref_slice %arg4[%mul3A_311, %dma_wait3A_718] : memref<8192x64xf32, #tpu.memory_space<hbm>> -> memref<512x64xf32, #tpu.memory_space<hbm>>
        tpu.wait_dma2 semaphore(%run_scoped3A_713 : memref<!tpu.dma_semaphore, #tpu.memory_space<semaphore_mem>>) src(%dma_wait3A_719 : memref<512x64xf32, #tpu.memory_space<hbm>>) dst(%arg10 : memref<512x64xf32, #tpu.memory_space<vmem>>)
        tpu.yield
      }) : () -> ()
      %scan3A_312 = arith.constant 0 : i32
      %scan3A_313 = arith.constant 32 : i32
      %scan3A_314 = arith.addi %scan3A_312, %scan3A_313 : i32
      %scan3A_315 = arith.constant 1 : i32
      %scan3A_316:8 = scf.for %scan3A_713 = %scan3A_312 to %scan3A_314 step %scan3A_315 iter_args(%scan3A_714 = %add3A_212, %scan3A_715 = %add3A_226, %scan3A_716 = %add3A_240, %scan3A_717 = %add3A_254, %scan3A_718 = %add3A_268, %scan3A_719 = %add3A_282, %scan3A_720 = %add3A_296, %scan3A_721 = %add3A_310) -> (vector<16xi32>, vector<16xi32>, vector<16xi32>, vector<16xi32>, vector<16xi32>, vector<16xi32>, vector<16xi32>, vector<16xi32>)  : i32 {
        %mul3A_722 = arith.constant 16 : i32
        %mul3A_723 = arith.muli %scan3A_713, %mul3A_722 : i32
        %multiple_of3A = tpu.assume_multiple %mul3A_723, 16 : i32
        %get3A_724 = arith.index_cast %multiple_of3A : i32 to index
        %get3A_725 = tpu.vector_load %arg8[%get3A_724] {strides = array<i32>} : memref<512xi32, #tpu.memory_space<vmem>>, vector<16xi32>,
        %get3A_726 = arith.index_cast %multiple_of3A : i32 to index
        %get3A_727 = tpu.vector_load %arg9[%get3A_726] {strides = array<i32>} : memref<512xf32, #tpu.memory_space<vmem>>, vector<16xf32>,
        %broadcast_in_dim3A_728 = arith.constant 0 : i32
        %broadcast_in_dim3A_729 = vector.broadcast %broadcast_in_dim3A_728 : i32 to vector<16xi32>
        %eq3A_730 = arith.constant 0 : i32
        %eq3A_731 = vector.broadcast %eq3A_730 : i32 to vector<16xi32>
        %eq3A_732 = arith.cmpi eq, %get3A_725, %eq3A_731 : vector<16xi32>
        %jit3A_733 = arith.constant 1 : i32
        %jit3A_734 = arith.constant 0 : i32
        %broadcast_in_dim3A_735 = vector.broadcast %jit3A_733 : i32 to vector<16xi32>
        %broadcast_in_dim3A_736 = vector.broadcast %jit3A_734 : i32 to vector<16xi32>
        %select_n3A_737 = arith.select %eq3A_732, %broadcast_in_dim3A_735, %broadcast_in_dim3A_736 : vector<16xi1>, vector<16xi32>
        %broadcast_in_dim3A_738 = arith.constant true
        %broadcast_in_dim3A_739 = vector.broadcast %broadcast_in_dim3A_738 : i1 to vector<16xi1>
        %masked_cumsum3A = tpu.scan <sum>, %select_n3A_737 masked %broadcast_in_dim3A_739 : vector<16xi32>, vector<16xi1> -> vector<16xi32>
        %add3A_740 = arith.addi %scan3A_714, %masked_cumsum3A : vector<16xi32>
        %select_n3A_741 = arith.select %eq3A_732, %add3A_740, %broadcast_in_dim3A_729 : vector<16xi1>, vector<16xi32>
        %jit3A_742 = arith.constant 1 : i32
        %jit3A_743 = arith.constant 0 : i32
        %broadcast_in_dim3A_744 = vector.broadcast %jit3A_742 : i32 to vector<16xi32>
        %broadcast_in_dim3A_745 = vector.broadcast %jit3A_743 : i32 to vector<16xi32>
        %select_n3A_746 = arith.select %eq3A_732, %broadcast_in_dim3A_744, %broadcast_in_dim3A_745 : vector<16xi1>, vector<16xi32>
        %reduce_sum3A_747 = arith.constant true
        %reduce_sum3A_748 = vector.broadcast %reduce_sum3A_747 : i1 to vector<16xi1>
        %reduce_sum3A_749 = tpu.scan <sum>, %select_n3A_746 masked %reduce_sum3A_748 : vector<16xi32>, vector<16xi1> -> vector<16xi32>
        %reduce_sum3A_750 = vector.extract %reduce_sum3A_749[15] : i32 from vector<16xi32>
        %add3A_751 = vector.broadcast %reduce_sum3A_750 : i32 to vector<16xi32>
        %add3A_752 = arith.addi %scan3A_714, %add3A_751 : vector<16xi32>
        %eq3A_753 = arith.constant 1 : i32
        %eq3A_754 = vector.broadcast %eq3A_753 : i32 to vector<16xi32>
        %eq3A_755 = arith.cmpi eq, %get3A_725, %eq3A_754 : vector<16xi32>
        %jit3A_756 = arith.constant 1 : i32
        %jit3A_757 = arith.constant 0 : i32
        %broadcast_in_dim3A_758 = vector.broadcast %jit3A_756 : i32 to vector<16xi32>
        %broadcast_in_dim3A_759 = vector.broadcast %jit3A_757 : i32 to vector<16xi32>
        %select_n3A_760 = arith.select %eq3A_755, %broadcast_in_dim3A_758, %broadcast_in_dim3A_759 : vector<16xi1>, vector<16xi32>
        %broadcast_in_dim3A_761 = arith.constant true
        %broadcast_in_dim3A_762 = vector.broadcast %broadcast_in_dim3A_761 : i1 to vector<16xi1>
        %masked_cumsum3A_763 = tpu.scan <sum>, %select_n3A_760 masked %broadcast_in_dim3A_762 : vector<16xi32>, vector<16xi1> -> vector<16xi32>
        %add3A_764 = arith.addi %scan3A_715, %masked_cumsum3A_763 : vector<16xi32>
        %select_n3A_765 = arith.select %eq3A_755, %add3A_764, %select_n3A_741 : vector<16xi1>, vector<16xi32>
        %jit3A_766 = arith.constant 1 : i32
        %jit3A_767 = arith.constant 0 : i32
        %broadcast_in_dim3A_768 = vector.broadcast %jit3A_766 : i32 to vector<16xi32>
        %broadcast_in_dim3A_769 = vector.broadcast %jit3A_767 : i32 to vector<16xi32>
        %select_n3A_770 = arith.select %eq3A_755, %broadcast_in_dim3A_768, %broadcast_in_dim3A_769 : vector<16xi1>, vector<16xi32>
        %reduce_sum3A_771 = arith.constant true
        %reduce_sum3A_772 = vector.broadcast %reduce_sum3A_771 : i1 to vector<16xi1>
        %reduce_sum3A_773 = tpu.scan <sum>, %select_n3A_770 masked %reduce_sum3A_772 : vector<16xi32>, vector<16xi1> -> vector<16xi32>
        %reduce_sum3A_774 = vector.extract %reduce_sum3A_773[15] : i32 from vector<16xi32>
        %add3A_775 = vector.broadcast %reduce_sum3A_774 : i32 to vector<16xi32>
        %add3A_776 = arith.addi %scan3A_715, %add3A_775 : vector<16xi32>
        %eq3A_777 = arith.constant 2 : i32
        %eq3A_778 = vector.broadcast %eq3A_777 : i32 to vector<16xi32>
        %eq3A_779 = arith.cmpi eq, %get3A_725, %eq3A_778 : vector<16xi32>
        %jit3A_780 = arith.constant 1 : i32
        %jit3A_781 = arith.constant 0 : i32
        %broadcast_in_dim3A_782 = vector.broadcast %jit3A_780 : i32 to vector<16xi32>
        %broadcast_in_dim3A_783 = vector.broadcast %jit3A_781 : i32 to vector<16xi32>
        %select_n3A_784 = arith.select %eq3A_779, %broadcast_in_dim3A_782, %broadcast_in_dim3A_783 : vector<16xi1>, vector<16xi32>
        %broadcast_in_dim3A_785 = arith.constant true
        %broadcast_in_dim3A_786 = vector.broadcast %broadcast_in_dim3A_785 : i1 to vector<16xi1>
        %masked_cumsum3A_787 = tpu.scan <sum>, %select_n3A_784 masked %broadcast_in_dim3A_786 : vector<16xi32>, vector<16xi1> -> vector<16xi32>
        %add3A_788 = arith.addi %scan3A_716, %masked_cumsum3A_787 : vector<16xi32>
        %select_n3A_789 = arith.select %eq3A_779, %add3A_788, %select_n3A_765 : vector<16xi1>, vector<16xi32>
        %jit3A_790 = arith.constant 1 : i32
        %jit3A_791 = arith.constant 0 : i32
        %broadcast_in_dim3A_792 = vector.broadcast %jit3A_790 : i32 to vector<16xi32>
        %broadcast_in_dim3A_793 = vector.broadcast %jit3A_791 : i32 to vector<16xi32>
        %select_n3A_794 = arith.select %eq3A_779, %broadcast_in_dim3A_792, %broadcast_in_dim3A_793 : vector<16xi1>, vector<16xi32>
        %reduce_sum3A_795 = arith.constant true
        %reduce_sum3A_796 = vector.broadcast %reduce_sum3A_795 : i1 to vector<16xi1>
        %reduce_sum3A_797 = tpu.scan <sum>, %select_n3A_794 masked %reduce_sum3A_796 : vector<16xi32>, vector<16xi1> -> vector<16xi32>
        %reduce_sum3A_798 = vector.extract %reduce_sum3A_797[15] : i32 from vector<16xi32>
        %add3A_799 = vector.broadcast %reduce_sum3A_798 : i32 to vector<16xi32>
        %add3A_800 = arith.addi %scan3A_716, %add3A_799 : vector<16xi32>
        %eq3A_801 = arith.constant 3 : i32
        %eq3A_802 = vector.broadcast %eq3A_801 : i32 to vector<16xi32>
        %eq3A_803 = arith.cmpi eq, %get3A_725, %eq3A_802 : vector<16xi32>
        %jit3A_804 = arith.constant 1 : i32
        %jit3A_805 = arith.constant 0 : i32
        %broadcast_in_dim3A_806 = vector.broadcast %jit3A_804 : i32 to vector<16xi32>
        %broadcast_in_dim3A_807 = vector.broadcast %jit3A_805 : i32 to vector<16xi32>
        %select_n3A_808 = arith.select %eq3A_803, %broadcast_in_dim3A_806, %broadcast_in_dim3A_807 : vector<16xi1>, vector<16xi32>
        %broadcast_in_dim3A_809 = arith.constant true
        %broadcast_in_dim3A_810 = vector.broadcast %broadcast_in_dim3A_809 : i1 to vector<16xi1>
        %masked_cumsum3A_811 = tpu.scan <sum>, %select_n3A_808 masked %broadcast_in_dim3A_810 : vector<16xi32>, vector<16xi1> -> vector<16xi32>
        %add3A_812 = arith.addi %scan3A_717, %masked_cumsum3A_811 : vector<16xi32>
        %select_n3A_813 = arith.select %eq3A_803, %add3A_812, %select_n3A_789 : vector<16xi1>, vector<16xi32>
        %jit3A_814 = arith.constant 1 : i32
        %jit3A_815 = arith.constant 0 : i32
        %broadcast_in_dim3A_816 = vector.broadcast %jit3A_814 : i32 to vector<16xi32>
        %broadcast_in_dim3A_817 = vector.broadcast %jit3A_815 : i32 to vector<16xi32>
        %select_n3A_818 = arith.select %eq3A_803, %broadcast_in_dim3A_816, %broadcast_in_dim3A_817 : vector<16xi1>, vector<16xi32>
        %reduce_sum3A_819 = arith.constant true
        %reduce_sum3A_820 = vector.broadcast %reduce_sum3A_819 : i1 to vector<16xi1>
        %reduce_sum3A_821 = tpu.scan <sum>, %select_n3A_818 masked %reduce_sum3A_820 : vector<16xi32>, vector<16xi1> -> vector<16xi32>
        %reduce_sum3A_822 = vector.extract %reduce_sum3A_821[15] : i32 from vector<16xi32>
        %add3A_823 = vector.broadcast %reduce_sum3A_822 : i32 to vector<16xi32>
        %add3A_824 = arith.addi %scan3A_717, %add3A_823 : vector<16xi32>
        %eq3A_825 = arith.constant 4 : i32
        %eq3A_826 = vector.broadcast %eq3A_825 : i32 to vector<16xi32>
        %eq3A_827 = arith.cmpi eq, %get3A_725, %eq3A_826 : vector<16xi32>
        %jit3A_828 = arith.constant 1 : i32
        %jit3A_829 = arith.constant 0 : i32
        %broadcast_in_dim3A_830 = vector.broadcast %jit3A_828 : i32 to vector<16xi32>
        %broadcast_in_dim3A_831 = vector.broadcast %jit3A_829 : i32 to vector<16xi32>
        %select_n3A_832 = arith.select %eq3A_827, %broadcast_in_dim3A_830, %broadcast_in_dim3A_831 : vector<16xi1>, vector<16xi32>
        %broadcast_in_dim3A_833 = arith.constant true
        %broadcast_in_dim3A_834 = vector.broadcast %broadcast_in_dim3A_833 : i1 to vector<16xi1>
        %masked_cumsum3A_835 = tpu.scan <sum>, %select_n3A_832 masked %broadcast_in_dim3A_834 : vector<16xi32>, vector<16xi1> -> vector<16xi32>
        %add3A_836 = arith.addi %scan3A_718, %masked_cumsum3A_835 : vector<16xi32>
        %select_n3A_837 = arith.select %eq3A_827, %add3A_836, %select_n3A_813 : vector<16xi1>, vector<16xi32>
        %jit3A_838 = arith.constant 1 : i32
        %jit3A_839 = arith.constant 0 : i32
        %broadcast_in_dim3A_840 = vector.broadcast %jit3A_838 : i32 to vector<16xi32>
        %broadcast_in_dim3A_841 = vector.broadcast %jit3A_839 : i32 to vector<16xi32>
        %select_n3A_842 = arith.select %eq3A_827, %broadcast_in_dim3A_840, %broadcast_in_dim3A_841 : vector<16xi1>, vector<16xi32>
        %reduce_sum3A_843 = arith.constant true
        %reduce_sum3A_844 = vector.broadcast %reduce_sum3A_843 : i1 to vector<16xi1>
        %reduce_sum3A_845 = tpu.scan <sum>, %select_n3A_842 masked %reduce_sum3A_844 : vector<16xi32>, vector<16xi1> -> vector<16xi32>
        %reduce_sum3A_846 = vector.extract %reduce_sum3A_845[15] : i32 from vector<16xi32>
        %add3A_847 = vector.broadcast %reduce_sum3A_846 : i32 to vector<16xi32>
        %add3A_848 = arith.addi %scan3A_718, %add3A_847 : vector<16xi32>
        %eq3A_849 = arith.constant 5 : i32
        %eq3A_850 = vector.broadcast %eq3A_849 : i32 to vector<16xi32>
        %eq3A_851 = arith.cmpi eq, %get3A_725, %eq3A_850 : vector<16xi32>
        %jit3A_852 = arith.constant 1 : i32
        %jit3A_853 = arith.constant 0 : i32
        %broadcast_in_dim3A_854 = vector.broadcast %jit3A_852 : i32 to vector<16xi32>
        %broadcast_in_dim3A_855 = vector.broadcast %jit3A_853 : i32 to vector<16xi32>
        %select_n3A_856 = arith.select %eq3A_851, %broadcast_in_dim3A_854, %broadcast_in_dim3A_855 : vector<16xi1>, vector<16xi32>
        %broadcast_in_dim3A_857 = arith.constant true
        %broadcast_in_dim3A_858 = vector.broadcast %broadcast_in_dim3A_857 : i1 to vector<16xi1>
        %masked_cumsum3A_859 = tpu.scan <sum>, %select_n3A_856 masked %broadcast_in_dim3A_858 : vector<16xi32>, vector<16xi1> -> vector<16xi32>
        %add3A_860 = arith.addi %scan3A_719, %masked_cumsum3A_859 : vector<16xi32>
        %select_n3A_861 = arith.select %eq3A_851, %add3A_860, %select_n3A_837 : vector<16xi1>, vector<16xi32>
        %jit3A_862 = arith.constant 1 : i32
        %jit3A_863 = arith.constant 0 : i32
        %broadcast_in_dim3A_864 = vector.broadcast %jit3A_862 : i32 to vector<16xi32>
        %broadcast_in_dim3A_865 = vector.broadcast %jit3A_863 : i32 to vector<16xi32>
        %select_n3A_866 = arith.select %eq3A_851, %broadcast_in_dim3A_864, %broadcast_in_dim3A_865 : vector<16xi1>, vector<16xi32>
        %reduce_sum3A_867 = arith.constant true
        %reduce_sum3A_868 = vector.broadcast %reduce_sum3A_867 : i1 to vector<16xi1>
        %reduce_sum3A_869 = tpu.scan <sum>, %select_n3A_866 masked %reduce_sum3A_868 : vector<16xi32>, vector<16xi1> -> vector<16xi32>
        %reduce_sum3A_870 = vector.extract %reduce_sum3A_869[15] : i32 from vector<16xi32>
        %add3A_871 = vector.broadcast %reduce_sum3A_870 : i32 to vector<16xi32>
        %add3A_872 = arith.addi %scan3A_719, %add3A_871 : vector<16xi32>
        %eq3A_873 = arith.constant 6 : i32
        %eq3A_874 = vector.broadcast %eq3A_873 : i32 to vector<16xi32>
        %eq3A_875 = arith.cmpi eq, %get3A_725, %eq3A_874 : vector<16xi32>
        %jit3A_876 = arith.constant 1 : i32
        %jit3A_877 = arith.constant 0 : i32
        %broadcast_in_dim3A_878 = vector.broadcast %jit3A_876 : i32 to vector<16xi32>
        %broadcast_in_dim3A_879 = vector.broadcast %jit3A_877 : i32 to vector<16xi32>
        %select_n3A_880 = arith.select %eq3A_875, %broadcast_in_dim3A_878, %broadcast_in_dim3A_879 : vector<16xi1>, vector<16xi32>
        %broadcast_in_dim3A_881 = arith.constant true
        %broadcast_in_dim3A_882 = vector.broadcast %broadcast_in_dim3A_881 : i1 to vector<16xi1>
        %masked_cumsum3A_883 = tpu.scan <sum>, %select_n3A_880 masked %broadcast_in_dim3A_882 : vector<16xi32>, vector<16xi1> -> vector<16xi32>
        %add3A_884 = arith.addi %scan3A_720, %masked_cumsum3A_883 : vector<16xi32>
        %select_n3A_885 = arith.select %eq3A_875, %add3A_884, %select_n3A_861 : vector<16xi1>, vector<16xi32>
        %jit3A_886 = arith.constant 1 : i32
        %jit3A_887 = arith.constant 0 : i32
        %broadcast_in_dim3A_888 = vector.broadcast %jit3A_886 : i32 to vector<16xi32>
        %broadcast_in_dim3A_889 = vector.broadcast %jit3A_887 : i32 to vector<16xi32>
        %select_n3A_890 = arith.select %eq3A_875, %broadcast_in_dim3A_888, %broadcast_in_dim3A_889 : vector<16xi1>, vector<16xi32>
        %reduce_sum3A_891 = arith.constant true
        %reduce_sum3A_892 = vector.broadcast %reduce_sum3A_891 : i1 to vector<16xi1>
        %reduce_sum3A_893 = tpu.scan <sum>, %select_n3A_890 masked %reduce_sum3A_892 : vector<16xi32>, vector<16xi1> -> vector<16xi32>
        %reduce_sum3A_894 = vector.extract %reduce_sum3A_893[15] : i32 from vector<16xi32>
        %add3A_895 = vector.broadcast %reduce_sum3A_894 : i32 to vector<16xi32>
        %add3A_896 = arith.addi %scan3A_720, %add3A_895 : vector<16xi32>
        %eq3A_897 = arith.constant 7 : i32
        %eq3A_898 = vector.broadcast %eq3A_897 : i32 to vector<16xi32>
        %eq3A_899 = arith.cmpi eq, %get3A_725, %eq3A_898 : vector<16xi32>
        %jit3A_900 = arith.constant 1 : i32
        %jit3A_901 = arith.constant 0 : i32
        %broadcast_in_dim3A_902 = vector.broadcast %jit3A_900 : i32 to vector<16xi32>
        %broadcast_in_dim3A_903 = vector.broadcast %jit3A_901 : i32 to vector<16xi32>
        %select_n3A_904 = arith.select %eq3A_899, %broadcast_in_dim3A_902, %broadcast_in_dim3A_903 : vector<16xi1>, vector<16xi32>
        %broadcast_in_dim3A_905 = arith.constant true
        %broadcast_in_dim3A_906 = vector.broadcast %broadcast_in_dim3A_905 : i1 to vector<16xi1>
        %masked_cumsum3A_907 = tpu.scan <sum>, %select_n3A_904 masked %broadcast_in_dim3A_906 : vector<16xi32>, vector<16xi1> -> vector<16xi32>
        %add3A_908 = arith.addi %scan3A_721, %masked_cumsum3A_907 : vector<16xi32>
        %select_n3A_909 = arith.select %eq3A_899, %add3A_908, %select_n3A_885 : vector<16xi1>, vector<16xi32>
        %jit3A_910 = arith.constant 1 : i32
        %jit3A_911 = arith.constant 0 : i32
        %broadcast_in_dim3A_912 = vector.broadcast %jit3A_910 : i32 to vector<16xi32>
        %broadcast_in_dim3A_913 = vector.broadcast %jit3A_911 : i32 to vector<16xi32>
        %select_n3A_914 = arith.select %eq3A_899, %broadcast_in_dim3A_912, %broadcast_in_dim3A_913 : vector<16xi1>, vector<16xi32>
        %reduce_sum3A_915 = arith.constant true
        %reduce_sum3A_916 = vector.broadcast %reduce_sum3A_915 : i1 to vector<16xi1>
        %reduce_sum3A_917 = tpu.scan <sum>, %select_n3A_914 masked %reduce_sum3A_916 : vector<16xi32>, vector<16xi1> -> vector<16xi32>
        %reduce_sum3A_918 = vector.extract %reduce_sum3A_917[15] : i32 from vector<16xi32>
        %add3A_919 = vector.broadcast %reduce_sum3A_918 : i32 to vector<16xi32>
        %add3A_920 = arith.addi %scan3A_721, %add3A_919 : vector<16xi32>
        %lt3A = arith.constant 1024 : i32
        %lt3A_921 = vector.broadcast %lt3A : i32 to vector<16xi32>
        %lt3A_922 = arith.cmpi slt, %select_n3A_909, %lt3A_921 : vector<16xi32>
        %mul3A_923 = arith.constant 1024 : i32
        %mul3A_924 = vector.broadcast %mul3A_923 : i32 to vector<16xi32>
        %mul3A_925 = arith.muli %get3A_725, %mul3A_924 : vector<16xi32>
        %add3A_926 = arith.addi %mul3A_925, %select_n3A_909 : vector<16xi32>
        %jit3A_927 = arith.constant 8192 : i32
        %broadcast_in_dim3A_928 = vector.broadcast %jit3A_927 : i32 to vector<16xi32>
        %select_n3A_929 = arith.select %lt3A_922, %add3A_926, %broadcast_in_dim3A_928 : vector<16xi1>, vector<16xi32>
        %swap3A_930 = arith.index_cast %multiple_of3A : i32 to index
        %swap3A_931 = tpu.vector_load %arg11[%swap3A_930] {strides = array<i32>} : memref<512xi32, #tpu.memory_space<vmem>>, vector<16xi32>,
        tpu.vector_store %arg11[%swap3A_930], %select_n3A_929 {strides = array<i32>} : memref<512xi32, #tpu.memory_space<vmem>>, vector<16xi32>,
        %jit3A_932 = arith.constant 0.000000e+00 : f32
        %broadcast_in_dim3A_933 = vector.broadcast %jit3A_932 : f32 to vector<16xf32>
        %select_n3A_934 = arith.select %lt3A_922, %get3A_727, %broadcast_in_dim3A_933 : vector<16xi1>, vector<16xf32>
        %swap3A_935 = arith.index_cast %multiple_of3A : i32 to index
        %swap3A_936 = tpu.vector_load %arg12[%swap3A_935] {strides = array<i32>} : memref<512xf32, #tpu.memory_space<vmem>>, vector<16xf32>,
        tpu.vector_store %arg12[%swap3A_935], %select_n3A_934 {strides = array<i32>} : memref<512xf32, #tpu.memory_space<vmem>>, vector<16xf32>,
        scf.yield %add3A_752, %add3A_776, %add3A_800, %add3A_824, %add3A_848, %add3A_872, %add3A_896, %add3A_920 : vector<16xi32>, vector<16xi32>, vector<16xi32>, vector<16xi32>, vector<16xi32>, vector<16xi32>, vector<16xi32>, vector<16xi32>
      }
      %scan3A_317 = arith.constant 32 : i32
      %get3A_318 = arith.constant 0 : index
      %get3A_319 = tpu.vector_load %arg11[%get3A_318] {strides = array<i32>} : memref<512xi32, #tpu.memory_space<vmem>>, vector<16xi32>,
      %swap3A_320 = arith.constant 0 : i32
      %swap3A_321 = arith.index_cast %swap3A_320 : i32 to index
      %swap3A_322 = arith.constant 0 : index
      %swap3A_323 = tpu.vector_load %arg13[%swap3A_321, %swap3A_322] {strides = array<i32>} : memref<4x128xi32, #tpu.memory_space<vmem>>, vector<16xi32>,
      tpu.vector_store %arg13[%swap3A_321, %swap3A_322], %get3A_319 {strides = array<i32>} : memref<4x128xi32, #tpu.memory_space<vmem>>, vector<16xi32>,
      %get3A_324 = arith.constant 0 : index
      %get3A_325 = tpu.vector_load %arg12[%get3A_324] {strides = array<i32>} : memref<512xf32, #tpu.memory_space<vmem>>, vector<16xf32>,
      %swap3A_326 = arith.constant 0 : i32
      %swap3A_327 = arith.index_cast %swap3A_326 : i32 to index
      %swap3A_328 = arith.constant 0 : index
      %swap3A_329 = tpu.vector_load %arg14[%swap3A_327, %swap3A_328] {strides = array<i32>} : memref<4x128xf32, #tpu.memory_space<vmem>>, vector<16xf32>,
      tpu.vector_store %arg14[%swap3A_327, %swap3A_328], %get3A_325 {strides = array<i32>} : memref<4x128xf32, #tpu.memory_space<vmem>>, vector<16xf32>,
      %get3A_330 = arith.constant 16 : index
      %get3A_331 = tpu.vector_load %arg11[%get3A_330] {strides = array<i32>} : memref<512xi32, #tpu.memory_space<vmem>>, vector<16xi32>,
      %swap3A_332 = arith.constant 0 : i32
      %swap3A_333 = arith.index_cast %swap3A_332 : i32 to index
      %swap3A_334 = arith.constant 16 : index
      %swap3A_335 = tpu.vector_load %arg13[%swap3A_333, %swap3A_334] {strides = array<i32>} : memref<4x128xi32, #tpu.memory_space<vmem>>, vector<16xi32>,
      tpu.vector_store %arg13[%swap3A_333, %swap3A_334], %get3A_331 {strides = array<i32>} : memref<4x128xi32, #tpu.memory_space<vmem>>, vector<16xi32>,
      %get3A_336 = arith.constant 16 : index
      %get3A_337 = tpu.vector_load %arg12[%get3A_336] {strides = array<i32>} : memref<512xf32, #tpu.memory_space<vmem>>, vector<16xf32>,
      %swap3A_338 = arith.constant 0 : i32
      %swap3A_339 = arith.index_cast %swap3A_338 : i32 to index
      %swap3A_340 = arith.constant 16 : index
      %swap3A_341 = tpu.vector_load %arg14[%swap3A_339, %swap3A_340] {strides = array<i32>} : memref<4x128xf32, #tpu.memory_space<vmem>>, vector<16xf32>,
      tpu.vector_store %arg14[%swap3A_339, %swap3A_340], %get3A_337 {strides = array<i32>} : memref<4x128xf32, #tpu.memory_space<vmem>>, vector<16xf32>,
      %get3A_342 = arith.constant 32 : index
      %get3A_343 = tpu.vector_load %arg11[%get3A_342] {strides = array<i32>} : memref<512xi32, #tpu.memory_space<vmem>>, vector<16xi32>,
      %swap3A_344 = arith.constant 0 : i32
      %swap3A_345 = arith.index_cast %swap3A_344 : i32 to index
      %swap3A_346 = arith.constant 32 : index
      %swap3A_347 = tpu.vector_load %arg13[%swap3A_345, %swap3A_346] {strides = array<i32>} : memref<4x128xi32, #tpu.memory_space<vmem>>, vector<16xi32>,
      tpu.vector_store %arg13[%swap3A_345, %swap3A_346], %get3A_343 {strides = array<i32>} : memref<4x128xi32, #tpu.memory_space<vmem>>, vector<16xi32>,
      %get3A_348 = arith.constant 32 : index
      %get3A_349 = tpu.vector_load %arg12[%get3A_348] {strides = array<i32>} : memref<512xf32, #tpu.memory_space<vmem>>, vector<16xf32>,
      %swap3A_350 = arith.constant 0 : i32
      %swap3A_351 = arith.index_cast %swap3A_350 : i32 to index
      %swap3A_352 = arith.constant 32 : index
      %swap3A_353 = tpu.vector_load %arg14[%swap3A_351, %swap3A_352] {strides = array<i32>} : memref<4x128xf32, #tpu.memory_space<vmem>>, vector<16xf32>,
      tpu.vector_store %arg14[%swap3A_351, %swap3A_352], %get3A_349 {strides = array<i32>} : memref<4x128xf32, #tpu.memory_space<vmem>>, vector<16xf32>,
      %get3A_354 = arith.constant 48 : index
      %get3A_355 = tpu.vector_load %arg11[%get3A_354] {strides = array<i32>} : memref<512xi32, #tpu.memory_space<vmem>>, vector<16xi32>,
      %swap3A_356 = arith.constant 0 : i32
      %swap3A_357 = arith.index_cast %swap3A_356 : i32 to index
      %swap3A_358 = arith.constant 48 : index
      %swap3A_359 = tpu.vector_load %arg13[%swap3A_357, %swap3A_358] {strides = array<i32>} : memref<4x128xi32, #tpu.memory_space<vmem>>, vector<16xi32>,
      tpu.vector_store %arg13[%swap3A_357, %swap3A_358], %get3A_355 {strides = array<i32>} : memref<4x128xi32, #tpu.memory_space<vmem>>, vector<16xi32>,
      %get3A_360 = arith.constant 48 : index
      %get3A_361 = tpu.vector_load %arg12[%get3A_360] {strides = array<i32>} : memref<512xf32, #tpu.memory_space<vmem>>, vector<16xf32>,
      %swap3A_362 = arith.constant 0 : i32
      %swap3A_363 = arith.index_cast %swap3A_362 : i32 to index
      %swap3A_364 = arith.constant 48 : index
      %swap3A_365 = tpu.vector_load %arg14[%swap3A_363, %swap3A_364] {strides = array<i32>} : memref<4x128xf32, #tpu.memory_space<vmem>>, vector<16xf32>,
      tpu.vector_store %arg14[%swap3A_363, %swap3A_364], %get3A_361 {strides = array<i32>} : memref<4x128xf32, #tpu.memory_space<vmem>>, vector<16xf32>,
      %get3A_366 = arith.constant 64 : index
      %get3A_367 = tpu.vector_load %arg11[%get3A_366] {strides = array<i32>} : memref<512xi32, #tpu.memory_space<vmem>>, vector<16xi32>,
      %swap3A_368 = arith.constant 0 : i32
      %swap3A_369 = arith.index_cast %swap3A_368 : i32 to index
      %swap3A_370 = arith.constant 64 : index
      %swap3A_371 = tpu.vector_load %arg13[%swap3A_369, %swap3A_370] {strides = array<i32>} : memref<4x128xi32, #tpu.memory_space<vmem>>, vector<16xi32>,
      tpu.vector_store %arg13[%swap3A_369, %swap3A_370], %get3A_367 {strides = array<i32>} : memref<4x128xi32, #tpu.memory_space<vmem>>, vector<16xi32>,
      %get3A_372 = arith.constant 64 : index
      %get3A_373 = tpu.vector_load %arg12[%get3A_372] {strides = array<i32>} : memref<512xf32, #tpu.memory_space<vmem>>, vector<16xf32>,
      %swap3A_374 = arith.constant 0 : i32
      %swap3A_375 = arith.index_cast %swap3A_374 : i32 to index
      %swap3A_376 = arith.constant 64 : index
      %swap3A_377 = tpu.vector_load %arg14[%swap3A_375, %swap3A_376] {strides = array<i32>} : memref<4x128xf32, #tpu.memory_space<vmem>>, vector<16xf32>,
      tpu.vector_store %arg14[%swap3A_375, %swap3A_376], %get3A_373 {strides = array<i32>} : memref<4x128xf32, #tpu.memory_space<vmem>>, vector<16xf32>,
      %get3A_378 = arith.constant 80 : index
      %get3A_379 = tpu.vector_load %arg11[%get3A_378] {strides = array<i32>} : memref<512xi32, #tpu.memory_space<vmem>>, vector<16xi32>,
      %swap3A_380 = arith.constant 0 : i32
      %swap3A_381 = arith.index_cast %swap3A_380 : i32 to index
      %swap3A_382 = arith.constant 80 : index
      %swap3A_383 = tpu.vector_load %arg13[%swap3A_381, %swap3A_382] {strides = array<i32>} : memref<4x128xi32, #tpu.memory_space<vmem>>, vector<16xi32>,
      tpu.vector_store %arg13[%swap3A_381, %swap3A_382], %get3A_379 {strides = array<i32>} : memref<4x128xi32, #tpu.memory_space<vmem>>, vector<16xi32>,
      %get3A_384 = arith.constant 80 : index
      %get3A_385 = tpu.vector_load %arg12[%get3A_384] {strides = array<i32>} : memref<512xf32, #tpu.memory_space<vmem>>, vector<16xf32>,
      %swap3A_386 = arith.constant 0 : i32
      %swap3A_387 = arith.index_cast %swap3A_386 : i32 to index
      %swap3A_388 = arith.constant 80 : index
      %swap3A_389 = tpu.vector_load %arg14[%swap3A_387, %swap3A_388] {strides = array<i32>} : memref<4x128xf32, #tpu.memory_space<vmem>>, vector<16xf32>,
      tpu.vector_store %arg14[%swap3A_387, %swap3A_388], %get3A_385 {strides = array<i32>} : memref<4x128xf32, #tpu.memory_space<vmem>>, vector<16xf32>,
      %get3A_390 = arith.constant 96 : index
      %get3A_391 = tpu.vector_load %arg11[%get3A_390] {strides = array<i32>} : memref<512xi32, #tpu.memory_space<vmem>>, vector<16xi32>,
      %swap3A_392 = arith.constant 0 : i32
      %swap3A_393 = arith.index_cast %swap3A_392 : i32 to index
      %swap3A_394 = arith.constant 96 : index
      %swap3A_395 = tpu.vector_load %arg13[%swap3A_393, %swap3A_394] {strides = array<i32>} : memref<4x128xi32, #tpu.memory_space<vmem>>, vector<16xi32>,
      tpu.vector_store %arg13[%swap3A_393, %swap3A_394], %get3A_391 {strides = array<i32>} : memref<4x128xi32, #tpu.memory_space<vmem>>, vector<16xi32>,
      %get3A_396 = arith.constant 96 : index
      %get3A_397 = tpu.vector_load %arg12[%get3A_396] {strides = array<i32>} : memref<512xf32, #tpu.memory_space<vmem>>, vector<16xf32>,
      %swap3A_398 = arith.constant 0 : i32
      %swap3A_399 = arith.index_cast %swap3A_398 : i32 to index
      %swap3A_400 = arith.constant 96 : index
      %swap3A_401 = tpu.vector_load %arg14[%swap3A_399, %swap3A_400] {strides = array<i32>} : memref<4x128xf32, #tpu.memory_space<vmem>>, vector<16xf32>,
      tpu.vector_store %arg14[%swap3A_399, %swap3A_400], %get3A_397 {strides = array<i32>} : memref<4x128xf32, #tpu.memory_space<vmem>>, vector<16xf32>,
      %get3A_402 = arith.constant 112 : index
      %get3A_403 = tpu.vector_load %arg11[%get3A_402] {strides = array<i32>} : memref<512xi32, #tpu.memory_space<vmem>>, vector<16xi32>,
      %swap3A_404 = arith.constant 0 : i32
      %swap3A_405 = arith.index_cast %swap3A_404 : i32 to index
      %swap3A_406 = arith.constant 112 : index
      %swap3A_407 = tpu.vector_load %arg13[%swap3A_405, %swap3A_406] {strides = array<i32>} : memref<4x128xi32, #tpu.memory_space<vmem>>, vector<16xi32>,
      tpu.vector_store %arg13[%swap3A_405, %swap3A_406], %get3A_403 {strides = array<i32>} : memref<4x128xi32, #tpu.memory_space<vmem>>, vector<16xi32>,
      %get3A_408 = arith.constant 112 : index
      %get3A_409 = tpu.vector_load %arg12[%get3A_408] {strides = array<i32>} : memref<512xf32, #tpu.memory_space<vmem>>, vector<16xf32>,
      %swap3A_410 = arith.constant 0 : i32
      %swap3A_411 = arith.index_cast %swap3A_410 : i32 to index
      %swap3A_412 = arith.constant 112 : index
      %swap3A_413 = tpu.vector_load %arg14[%swap3A_411, %swap3A_412] {strides = array<i32>} : memref<4x128xf32, #tpu.memory_space<vmem>>, vector<16xf32>,
      tpu.vector_store %arg14[%swap3A_411, %swap3A_412], %get3A_409 {strides = array<i32>} : memref<4x128xf32, #tpu.memory_space<vmem>>, vector<16xf32>,
      %get3A_414 = arith.constant 128 : index
      %get3A_415 = tpu.vector_load %arg11[%get3A_414] {strides = array<i32>} : memref<512xi32, #tpu.memory_space<vmem>>, vector<16xi32>,
      %swap3A_416 = arith.constant 1 : i32
      %swap3A_417 = arith.index_cast %swap3A_416 : i32 to index
      %swap3A_418 = arith.constant 0 : index
      %swap3A_419 = tpu.vector_load %arg13[%swap3A_417, %swap3A_418] {strides = array<i32>} : memref<4x128xi32, #tpu.memory_space<vmem>>, vector<16xi32>,
      tpu.vector_store %arg13[%swap3A_417, %swap3A_418], %get3A_415 {strides = array<i32>} : memref<4x128xi32, #tpu.memory_space<vmem>>, vector<16xi32>,
      %get3A_420 = arith.constant 128 : index
      %get3A_421 = tpu.vector_load %arg12[%get3A_420] {strides = array<i32>} : memref<512xf32, #tpu.memory_space<vmem>>, vector<16xf32>,
      %swap3A_422 = arith.constant 1 : i32
      %swap3A_423 = arith.index_cast %swap3A_422 : i32 to index
      %swap3A_424 = arith.constant 0 : index
      %swap3A_425 = tpu.vector_load %arg14[%swap3A_423, %swap3A_424] {strides = array<i32>} : memref<4x128xf32, #tpu.memory_space<vmem>>, vector<16xf32>,
      tpu.vector_store %arg14[%swap3A_423, %swap3A_424], %get3A_421 {strides = array<i32>} : memref<4x128xf32, #tpu.memory_space<vmem>>, vector<16xf32>,
      %get3A_426 = arith.constant 144 : index
      %get3A_427 = tpu.vector_load %arg11[%get3A_426] {strides = array<i32>} : memref<512xi32, #tpu.memory_space<vmem>>, vector<16xi32>,
      %swap3A_428 = arith.constant 1 : i32
      %swap3A_429 = arith.index_cast %swap3A_428 : i32 to index
      %swap3A_430 = arith.constant 16 : index
      %swap3A_431 = tpu.vector_load %arg13[%swap3A_429, %swap3A_430] {strides = array<i32>} : memref<4x128xi32, #tpu.memory_space<vmem>>, vector<16xi32>,
      tpu.vector_store %arg13[%swap3A_429, %swap3A_430], %get3A_427 {strides = array<i32>} : memref<4x128xi32, #tpu.memory_space<vmem>>, vector<16xi32>,
      %get3A_432 = arith.constant 144 : index
      %get3A_433 = tpu.vector_load %arg12[%get3A_432] {strides = array<i32>} : memref<512xf32, #tpu.memory_space<vmem>>, vector<16xf32>,
      %swap3A_434 = arith.constant 1 : i32
      %swap3A_435 = arith.index_cast %swap3A_434 : i32 to index
      %swap3A_436 = arith.constant 16 : index
      %swap3A_437 = tpu.vector_load %arg14[%swap3A_435, %swap3A_436] {strides = array<i32>} : memref<4x128xf32, #tpu.memory_space<vmem>>, vector<16xf32>,
      tpu.vector_store %arg14[%swap3A_435, %swap3A_436], %get3A_433 {strides = array<i32>} : memref<4x128xf32, #tpu.memory_space<vmem>>, vector<16xf32>,
      %get3A_438 = arith.constant 160 : index
      %get3A_439 = tpu.vector_load %arg11[%get3A_438] {strides = array<i32>} : memref<512xi32, #tpu.memory_space<vmem>>, vector<16xi32>,
      %swap3A_440 = arith.constant 1 : i32
      %swap3A_441 = arith.index_cast %swap3A_440 : i32 to index
      %swap3A_442 = arith.constant 32 : index
      %swap3A_443 = tpu.vector_load %arg13[%swap3A_441, %swap3A_442] {strides = array<i32>} : memref<4x128xi32, #tpu.memory_space<vmem>>, vector<16xi32>,
      tpu.vector_store %arg13[%swap3A_441, %swap3A_442], %get3A_439 {strides = array<i32>} : memref<4x128xi32, #tpu.memory_space<vmem>>, vector<16xi32>,
      %get3A_444 = arith.constant 160 : index
      %get3A_445 = tpu.vector_load %arg12[%get3A_444] {strides = array<i32>} : memref<512xf32, #tpu.memory_space<vmem>>, vector<16xf32>,
      %swap3A_446 = arith.constant 1 : i32
      %swap3A_447 = arith.index_cast %swap3A_446 : i32 to index
      %swap3A_448 = arith.constant 32 : index
      %swap3A_449 = tpu.vector_load %arg14[%swap3A_447, %swap3A_448] {strides = array<i32>} : memref<4x128xf32, #tpu.memory_space<vmem>>, vector<16xf32>,
      tpu.vector_store %arg14[%swap3A_447, %swap3A_448], %get3A_445 {strides = array<i32>} : memref<4x128xf32, #tpu.memory_space<vmem>>, vector<16xf32>,
      %get3A_450 = arith.constant 176 : index
      %get3A_451 = tpu.vector_load %arg11[%get3A_450] {strides = array<i32>} : memref<512xi32, #tpu.memory_space<vmem>>, vector<16xi32>,
      %swap3A_452 = arith.constant 1 : i32
      %swap3A_453 = arith.index_cast %swap3A_452 : i32 to index
      %swap3A_454 = arith.constant 48 : index
      %swap3A_455 = tpu.vector_load %arg13[%swap3A_453, %swap3A_454] {strides = array<i32>} : memref<4x128xi32, #tpu.memory_space<vmem>>, vector<16xi32>,
      tpu.vector_store %arg13[%swap3A_453, %swap3A_454], %get3A_451 {strides = array<i32>} : memref<4x128xi32, #tpu.memory_space<vmem>>, vector<16xi32>,
      %get3A_456 = arith.constant 176 : index
      %get3A_457 = tpu.vector_load %arg12[%get3A_456] {strides = array<i32>} : memref<512xf32, #tpu.memory_space<vmem>>, vector<16xf32>,
      %swap3A_458 = arith.constant 1 : i32
      %swap3A_459 = arith.index_cast %swap3A_458 : i32 to index
      %swap3A_460 = arith.constant 48 : index
      %swap3A_461 = tpu.vector_load %arg14[%swap3A_459, %swap3A_460] {strides = array<i32>} : memref<4x128xf32, #tpu.memory_space<vmem>>, vector<16xf32>,
      tpu.vector_store %arg14[%swap3A_459, %swap3A_460], %get3A_457 {strides = array<i32>} : memref<4x128xf32, #tpu.memory_space<vmem>>, vector<16xf32>,
      %get3A_462 = arith.constant 192 : index
      %get3A_463 = tpu.vector_load %arg11[%get3A_462] {strides = array<i32>} : memref<512xi32, #tpu.memory_space<vmem>>, vector<16xi32>,
      %swap3A_464 = arith.constant 1 : i32
      %swap3A_465 = arith.index_cast %swap3A_464 : i32 to index
      %swap3A_466 = arith.constant 64 : index
      %swap3A_467 = tpu.vector_load %arg13[%swap3A_465, %swap3A_466] {strides = array<i32>} : memref<4x128xi32, #tpu.memory_space<vmem>>, vector<16xi32>,
      tpu.vector_store %arg13[%swap3A_465, %swap3A_466], %get3A_463 {strides = array<i32>} : memref<4x128xi32, #tpu.memory_space<vmem>>, vector<16xi32>,
      %get3A_468 = arith.constant 192 : index
      %get3A_469 = tpu.vector_load %arg12[%get3A_468] {strides = array<i32>} : memref<512xf32, #tpu.memory_space<vmem>>, vector<16xf32>,
      %swap3A_470 = arith.constant 1 : i32
      %swap3A_471 = arith.index_cast %swap3A_470 : i32 to index
      %swap3A_472 = arith.constant 64 : index
      %swap3A_473 = tpu.vector_load %arg14[%swap3A_471, %swap3A_472] {strides = array<i32>} : memref<4x128xf32, #tpu.memory_space<vmem>>, vector<16xf32>,
      tpu.vector_store %arg14[%swap3A_471, %swap3A_472], %get3A_469 {strides = array<i32>} : memref<4x128xf32, #tpu.memory_space<vmem>>, vector<16xf32>,
      %get3A_474 = arith.constant 208 : index
      %get3A_475 = tpu.vector_load %arg11[%get3A_474] {strides = array<i32>} : memref<512xi32, #tpu.memory_space<vmem>>, vector<16xi32>,
      %swap3A_476 = arith.constant 1 : i32
      %swap3A_477 = arith.index_cast %swap3A_476 : i32 to index
      %swap3A_478 = arith.constant 80 : index
      %swap3A_479 = tpu.vector_load %arg13[%swap3A_477, %swap3A_478] {strides = array<i32>} : memref<4x128xi32, #tpu.memory_space<vmem>>, vector<16xi32>,
      tpu.vector_store %arg13[%swap3A_477, %swap3A_478], %get3A_475 {strides = array<i32>} : memref<4x128xi32, #tpu.memory_space<vmem>>, vector<16xi32>,
      %get3A_480 = arith.constant 208 : index
      %get3A_481 = tpu.vector_load %arg12[%get3A_480] {strides = array<i32>} : memref<512xf32, #tpu.memory_space<vmem>>, vector<16xf32>,
      %swap3A_482 = arith.constant 1 : i32
      %swap3A_483 = arith.index_cast %swap3A_482 : i32 to index
      %swap3A_484 = arith.constant 80 : index
      %swap3A_485 = tpu.vector_load %arg14[%swap3A_483, %swap3A_484] {strides = array<i32>} : memref<4x128xf32, #tpu.memory_space<vmem>>, vector<16xf32>,
      tpu.vector_store %arg14[%swap3A_483, %swap3A_484], %get3A_481 {strides = array<i32>} : memref<4x128xf32, #tpu.memory_space<vmem>>, vector<16xf32>,
      %get3A_486 = arith.constant 224 : index
      %get3A_487 = tpu.vector_load %arg11[%get3A_486] {strides = array<i32>} : memref<512xi32, #tpu.memory_space<vmem>>, vector<16xi32>,
      %swap3A_488 = arith.constant 1 : i32
      %swap3A_489 = arith.index_cast %swap3A_488 : i32 to index
      %swap3A_490 = arith.constant 96 : index
      %swap3A_491 = tpu.vector_load %arg13[%swap3A_489, %swap3A_490] {strides = array<i32>} : memref<4x128xi32, #tpu.memory_space<vmem>>, vector<16xi32>,
      tpu.vector_store %arg13[%swap3A_489, %swap3A_490], %get3A_487 {strides = array<i32>} : memref<4x128xi32, #tpu.memory_space<vmem>>, vector<16xi32>,
      %get3A_492 = arith.constant 224 : index
      %get3A_493 = tpu.vector_load %arg12[%get3A_492] {strides = array<i32>} : memref<512xf32, #tpu.memory_space<vmem>>, vector<16xf32>,
      %swap3A_494 = arith.constant 1 : i32
      %swap3A_495 = arith.index_cast %swap3A_494 : i32 to index
      %swap3A_496 = arith.constant 96 : index
      %swap3A_497 = tpu.vector_load %arg14[%swap3A_495, %swap3A_496] {strides = array<i32>} : memref<4x128xf32, #tpu.memory_space<vmem>>, vector<16xf32>,
      tpu.vector_store %arg14[%swap3A_495, %swap3A_496], %get3A_493 {strides = array<i32>} : memref<4x128xf32, #tpu.memory_space<vmem>>, vector<16xf32>,
      %get3A_498 = arith.constant 240 : index
      %get3A_499 = tpu.vector_load %arg11[%get3A_498] {strides = array<i32>} : memref<512xi32, #tpu.memory_space<vmem>>, vector<16xi32>,
      %swap3A_500 = arith.constant 1 : i32
      %swap3A_501 = arith.index_cast %swap3A_500 : i32 to index
      %swap3A_502 = arith.constant 112 : index
      %swap3A_503 = tpu.vector_load %arg13[%swap3A_501, %swap3A_502] {strides = array<i32>} : memref<4x128xi32, #tpu.memory_space<vmem>>, vector<16xi32>,
      tpu.vector_store %arg13[%swap3A_501, %swap3A_502], %get3A_499 {strides = array<i32>} : memref<4x128xi32, #tpu.memory_space<vmem>>, vector<16xi32>,
      %get3A_504 = arith.constant 240 : index
      %get3A_505 = tpu.vector_load %arg12[%get3A_504] {strides = array<i32>} : memref<512xf32, #tpu.memory_space<vmem>>, vector<16xf32>,
      %swap3A_506 = arith.constant 1 : i32
      %swap3A_507 = arith.index_cast %swap3A_506 : i32 to index
      %swap3A_508 = arith.constant 112 : index
      %swap3A_509 = tpu.vector_load %arg14[%swap3A_507, %swap3A_508] {strides = array<i32>} : memref<4x128xf32, #tpu.memory_space<vmem>>, vector<16xf32>,
      tpu.vector_store %arg14[%swap3A_507, %swap3A_508], %get3A_505 {strides = array<i32>} : memref<4x128xf32, #tpu.memory_space<vmem>>, vector<16xf32>,
      %get3A_510 = arith.constant 256 : index
      %get3A_511 = tpu.vector_load %arg11[%get3A_510] {strides = array<i32>} : memref<512xi32, #tpu.memory_space<vmem>>, vector<16xi32>,
      %swap3A_512 = arith.constant 2 : i32
      %swap3A_513 = arith.index_cast %swap3A_512 : i32 to index
      %swap3A_514 = arith.constant 0 : index
      %swap3A_515 = tpu.vector_load %arg13[%swap3A_513, %swap3A_514] {strides = array<i32>} : memref<4x128xi32, #tpu.memory_space<vmem>>, vector<16xi32>,
      tpu.vector_store %arg13[%swap3A_513, %swap3A_514], %get3A_511 {strides = array<i32>} : memref<4x128xi32, #tpu.memory_space<vmem>>, vector<16xi32>,
      %get3A_516 = arith.constant 256 : index
      %get3A_517 = tpu.vector_load %arg12[%get3A_516] {strides = array<i32>} : memref<512xf32, #tpu.memory_space<vmem>>, vector<16xf32>,
      %swap3A_518 = arith.constant 2 : i32
      %swap3A_519 = arith.index_cast %swap3A_518 : i32 to index
      %swap3A_520 = arith.constant 0 : index
      %swap3A_521 = tpu.vector_load %arg14[%swap3A_519, %swap3A_520] {strides = array<i32>} : memref<4x128xf32, #tpu.memory_space<vmem>>, vector<16xf32>,
      tpu.vector_store %arg14[%swap3A_519, %swap3A_520], %get3A_517 {strides = array<i32>} : memref<4x128xf32, #tpu.memory_space<vmem>>, vector<16xf32>,
      %get3A_522 = arith.constant 272 : index
      %get3A_523 = tpu.vector_load %arg11[%get3A_522] {strides = array<i32>} : memref<512xi32, #tpu.memory_space<vmem>>, vector<16xi32>,
      %swap3A_524 = arith.constant 2 : i32
      %swap3A_525 = arith.index_cast %swap3A_524 : i32 to index
      %swap3A_526 = arith.constant 16 : index
      %swap3A_527 = tpu.vector_load %arg13[%swap3A_525, %swap3A_526] {strides = array<i32>} : memref<4x128xi32, #tpu.memory_space<vmem>>, vector<16xi32>,
      tpu.vector_store %arg13[%swap3A_525, %swap3A_526], %get3A_523 {strides = array<i32>} : memref<4x128xi32, #tpu.memory_space<vmem>>, vector<16xi32>,
      %get3A_528 = arith.constant 272 : index
      %get3A_529 = tpu.vector_load %arg12[%get3A_528] {strides = array<i32>} : memref<512xf32, #tpu.memory_space<vmem>>, vector<16xf32>,
      %swap3A_530 = arith.constant 2 : i32
      %swap3A_531 = arith.index_cast %swap3A_530 : i32 to index
      %swap3A_532 = arith.constant 16 : index
      %swap3A_533 = tpu.vector_load %arg14[%swap3A_531, %swap3A_532] {strides = array<i32>} : memref<4x128xf32, #tpu.memory_space<vmem>>, vector<16xf32>,
      tpu.vector_store %arg14[%swap3A_531, %swap3A_532], %get3A_529 {strides = array<i32>} : memref<4x128xf32, #tpu.memory_space<vmem>>, vector<16xf32>,
      %get3A_534 = arith.constant 288 : index
      %get3A_535 = tpu.vector_load %arg11[%get3A_534] {strides = array<i32>} : memref<512xi32, #tpu.memory_space<vmem>>, vector<16xi32>,
      %swap3A_536 = arith.constant 2 : i32
      %swap3A_537 = arith.index_cast %swap3A_536 : i32 to index
      %swap3A_538 = arith.constant 32 : index
      %swap3A_539 = tpu.vector_load %arg13[%swap3A_537, %swap3A_538] {strides = array<i32>} : memref<4x128xi32, #tpu.memory_space<vmem>>, vector<16xi32>,
      tpu.vector_store %arg13[%swap3A_537, %swap3A_538], %get3A_535 {strides = array<i32>} : memref<4x128xi32, #tpu.memory_space<vmem>>, vector<16xi32>,
      %get3A_540 = arith.constant 288 : index
      %get3A_541 = tpu.vector_load %arg12[%get3A_540] {strides = array<i32>} : memref<512xf32, #tpu.memory_space<vmem>>, vector<16xf32>,
      %swap3A_542 = arith.constant 2 : i32
      %swap3A_543 = arith.index_cast %swap3A_542 : i32 to index
      %swap3A_544 = arith.constant 32 : index
      %swap3A_545 = tpu.vector_load %arg14[%swap3A_543, %swap3A_544] {strides = array<i32>} : memref<4x128xf32, #tpu.memory_space<vmem>>, vector<16xf32>,
      tpu.vector_store %arg14[%swap3A_543, %swap3A_544], %get3A_541 {strides = array<i32>} : memref<4x128xf32, #tpu.memory_space<vmem>>, vector<16xf32>,
      %get3A_546 = arith.constant 304 : index
      %get3A_547 = tpu.vector_load %arg11[%get3A_546] {strides = array<i32>} : memref<512xi32, #tpu.memory_space<vmem>>, vector<16xi32>,
      %swap3A_548 = arith.constant 2 : i32
      %swap3A_549 = arith.index_cast %swap3A_548 : i32 to index
      %swap3A_550 = arith.constant 48 : index
      %swap3A_551 = tpu.vector_load %arg13[%swap3A_549, %swap3A_550] {strides = array<i32>} : memref<4x128xi32, #tpu.memory_space<vmem>>, vector<16xi32>,
      tpu.vector_store %arg13[%swap3A_549, %swap3A_550], %get3A_547 {strides = array<i32>} : memref<4x128xi32, #tpu.memory_space<vmem>>, vector<16xi32>,
      %get3A_552 = arith.constant 304 : index
      %get3A_553 = tpu.vector_load %arg12[%get3A_552] {strides = array<i32>} : memref<512xf32, #tpu.memory_space<vmem>>, vector<16xf32>,
      %swap3A_554 = arith.constant 2 : i32
      %swap3A_555 = arith.index_cast %swap3A_554 : i32 to index
      %swap3A_556 = arith.constant 48 : index
      %swap3A_557 = tpu.vector_load %arg14[%swap3A_555, %swap3A_556] {strides = array<i32>} : memref<4x128xf32, #tpu.memory_space<vmem>>, vector<16xf32>,
      tpu.vector_store %arg14[%swap3A_555, %swap3A_556], %get3A_553 {strides = array<i32>} : memref<4x128xf32, #tpu.memory_space<vmem>>, vector<16xf32>,
      %get3A_558 = arith.constant 320 : index
      %get3A_559 = tpu.vector_load %arg11[%get3A_558] {strides = array<i32>} : memref<512xi32, #tpu.memory_space<vmem>>, vector<16xi32>,
      %swap3A_560 = arith.constant 2 : i32
      %swap3A_561 = arith.index_cast %swap3A_560 : i32 to index
      %swap3A_562 = arith.constant 64 : index
      %swap3A_563 = tpu.vector_load %arg13[%swap3A_561, %swap3A_562] {strides = array<i32>} : memref<4x128xi32, #tpu.memory_space<vmem>>, vector<16xi32>,
      tpu.vector_store %arg13[%swap3A_561, %swap3A_562], %get3A_559 {strides = array<i32>} : memref<4x128xi32, #tpu.memory_space<vmem>>, vector<16xi32>,
      %get3A_564 = arith.constant 320 : index
      %get3A_565 = tpu.vector_load %arg12[%get3A_564] {strides = array<i32>} : memref<512xf32, #tpu.memory_space<vmem>>, vector<16xf32>,
      %swap3A_566 = arith.constant 2 : i32
      %swap3A_567 = arith.index_cast %swap3A_566 : i32 to index
      %swap3A_568 = arith.constant 64 : index
      %swap3A_569 = tpu.vector_load %arg14[%swap3A_567, %swap3A_568] {strides = array<i32>} : memref<4x128xf32, #tpu.memory_space<vmem>>, vector<16xf32>,
      tpu.vector_store %arg14[%swap3A_567, %swap3A_568], %get3A_565 {strides = array<i32>} : memref<4x128xf32, #tpu.memory_space<vmem>>, vector<16xf32>,
      %get3A_570 = arith.constant 336 : index
      %get3A_571 = tpu.vector_load %arg11[%get3A_570] {strides = array<i32>} : memref<512xi32, #tpu.memory_space<vmem>>, vector<16xi32>,
      %swap3A_572 = arith.constant 2 : i32
      %swap3A_573 = arith.index_cast %swap3A_572 : i32 to index
      %swap3A_574 = arith.constant 80 : index
      %swap3A_575 = tpu.vector_load %arg13[%swap3A_573, %swap3A_574] {strides = array<i32>} : memref<4x128xi32, #tpu.memory_space<vmem>>, vector<16xi32>,
      tpu.vector_store %arg13[%swap3A_573, %swap3A_574], %get3A_571 {strides = array<i32>} : memref<4x128xi32, #tpu.memory_space<vmem>>, vector<16xi32>,
      %get3A_576 = arith.constant 336 : index
      %get3A_577 = tpu.vector_load %arg12[%get3A_576] {strides = array<i32>} : memref<512xf32, #tpu.memory_space<vmem>>, vector<16xf32>,
      %swap3A_578 = arith.constant 2 : i32
      %swap3A_579 = arith.index_cast %swap3A_578 : i32 to index
      %swap3A_580 = arith.constant 80 : index
      %swap3A_581 = tpu.vector_load %arg14[%swap3A_579, %swap3A_580] {strides = array<i32>} : memref<4x128xf32, #tpu.memory_space<vmem>>, vector<16xf32>,
      tpu.vector_store %arg14[%swap3A_579, %swap3A_580], %get3A_577 {strides = array<i32>} : memref<4x128xf32, #tpu.memory_space<vmem>>, vector<16xf32>,
      %get3A_582 = arith.constant 352 : index
      %get3A_583 = tpu.vector_load %arg11[%get3A_582] {strides = array<i32>} : memref<512xi32, #tpu.memory_space<vmem>>, vector<16xi32>,
      %swap3A_584 = arith.constant 2 : i32
      %swap3A_585 = arith.index_cast %swap3A_584 : i32 to index
      %swap3A_586 = arith.constant 96 : index
      %swap3A_587 = tpu.vector_load %arg13[%swap3A_585, %swap3A_586] {strides = array<i32>} : memref<4x128xi32, #tpu.memory_space<vmem>>, vector<16xi32>,
      tpu.vector_store %arg13[%swap3A_585, %swap3A_586], %get3A_583 {strides = array<i32>} : memref<4x128xi32, #tpu.memory_space<vmem>>, vector<16xi32>,
      %get3A_588 = arith.constant 352 : index
      %get3A_589 = tpu.vector_load %arg12[%get3A_588] {strides = array<i32>} : memref<512xf32, #tpu.memory_space<vmem>>, vector<16xf32>,
      %swap3A_590 = arith.constant 2 : i32
      %swap3A_591 = arith.index_cast %swap3A_590 : i32 to index
      %swap3A_592 = arith.constant 96 : index
      %swap3A_593 = tpu.vector_load %arg14[%swap3A_591, %swap3A_592] {strides = array<i32>} : memref<4x128xf32, #tpu.memory_space<vmem>>, vector<16xf32>,
      tpu.vector_store %arg14[%swap3A_591, %swap3A_592], %get3A_589 {strides = array<i32>} : memref<4x128xf32, #tpu.memory_space<vmem>>, vector<16xf32>,
      %get3A_594 = arith.constant 368 : index
      %get3A_595 = tpu.vector_load %arg11[%get3A_594] {strides = array<i32>} : memref<512xi32, #tpu.memory_space<vmem>>, vector<16xi32>,
      %swap3A_596 = arith.constant 2 : i32
      %swap3A_597 = arith.index_cast %swap3A_596 : i32 to index
      %swap3A_598 = arith.constant 112 : index
      %swap3A_599 = tpu.vector_load %arg13[%swap3A_597, %swap3A_598] {strides = array<i32>} : memref<4x128xi32, #tpu.memory_space<vmem>>, vector<16xi32>,
      tpu.vector_store %arg13[%swap3A_597, %swap3A_598], %get3A_595 {strides = array<i32>} : memref<4x128xi32, #tpu.memory_space<vmem>>, vector<16xi32>,
      %get3A_600 = arith.constant 368 : index
      %get3A_601 = tpu.vector_load %arg12[%get3A_600] {strides = array<i32>} : memref<512xf32, #tpu.memory_space<vmem>>, vector<16xf32>,
      %swap3A_602 = arith.constant 2 : i32
      %swap3A_603 = arith.index_cast %swap3A_602 : i32 to index
      %swap3A_604 = arith.constant 112 : index
      %swap3A_605 = tpu.vector_load %arg14[%swap3A_603, %swap3A_604] {strides = array<i32>} : memref<4x128xf32, #tpu.memory_space<vmem>>, vector<16xf32>,
      tpu.vector_store %arg14[%swap3A_603, %swap3A_604], %get3A_601 {strides = array<i32>} : memref<4x128xf32, #tpu.memory_space<vmem>>, vector<16xf32>,
      %get3A_606 = arith.constant 384 : index
      %get3A_607 = tpu.vector_load %arg11[%get3A_606] {strides = array<i32>} : memref<512xi32, #tpu.memory_space<vmem>>, vector<16xi32>,
      %swap3A_608 = arith.constant 3 : i32
      %swap3A_609 = arith.index_cast %swap3A_608 : i32 to index
      %swap3A_610 = arith.constant 0 : index
      %swap3A_611 = tpu.vector_load %arg13[%swap3A_609, %swap3A_610] {strides = array<i32>} : memref<4x128xi32, #tpu.memory_space<vmem>>, vector<16xi32>,
      tpu.vector_store %arg13[%swap3A_609, %swap3A_610], %get3A_607 {strides = array<i32>} : memref<4x128xi32, #tpu.memory_space<vmem>>, vector<16xi32>,
      %get3A_612 = arith.constant 384 : index
      %get3A_613 = tpu.vector_load %arg12[%get3A_612] {strides = array<i32>} : memref<512xf32, #tpu.memory_space<vmem>>, vector<16xf32>,
      %swap3A_614 = arith.constant 3 : i32
      %swap3A_615 = arith.index_cast %swap3A_614 : i32 to index
      %swap3A_616 = arith.constant 0 : index
      %swap3A_617 = tpu.vector_load %arg14[%swap3A_615, %swap3A_616] {strides = array<i32>} : memref<4x128xf32, #tpu.memory_space<vmem>>, vector<16xf32>,
      tpu.vector_store %arg14[%swap3A_615, %swap3A_616], %get3A_613 {strides = array<i32>} : memref<4x128xf32, #tpu.memory_space<vmem>>, vector<16xf32>,
      %get3A_618 = arith.constant 400 : index
      %get3A_619 = tpu.vector_load %arg11[%get3A_618] {strides = array<i32>} : memref<512xi32, #tpu.memory_space<vmem>>, vector<16xi32>,
      %swap3A_620 = arith.constant 3 : i32
      %swap3A_621 = arith.index_cast %swap3A_620 : i32 to index
      %swap3A_622 = arith.constant 16 : index
      %swap3A_623 = tpu.vector_load %arg13[%swap3A_621, %swap3A_622] {strides = array<i32>} : memref<4x128xi32, #tpu.memory_space<vmem>>, vector<16xi32>,
      tpu.vector_store %arg13[%swap3A_621, %swap3A_622], %get3A_619 {strides = array<i32>} : memref<4x128xi32, #tpu.memory_space<vmem>>, vector<16xi32>,
      %get3A_624 = arith.constant 400 : index
      %get3A_625 = tpu.vector_load %arg12[%get3A_624] {strides = array<i32>} : memref<512xf32, #tpu.memory_space<vmem>>, vector<16xf32>,
      %swap3A_626 = arith.constant 3 : i32
      %swap3A_627 = arith.index_cast %swap3A_626 : i32 to index
      %swap3A_628 = arith.constant 16 : index
      %swap3A_629 = tpu.vector_load %arg14[%swap3A_627, %swap3A_628] {strides = array<i32>} : memref<4x128xf32, #tpu.memory_space<vmem>>, vector<16xf32>,
      tpu.vector_store %arg14[%swap3A_627, %swap3A_628], %get3A_625 {strides = array<i32>} : memref<4x128xf32, #tpu.memory_space<vmem>>, vector<16xf32>,
      %get3A_630 = arith.constant 416 : index
      %get3A_631 = tpu.vector_load %arg11[%get3A_630] {strides = array<i32>} : memref<512xi32, #tpu.memory_space<vmem>>, vector<16xi32>,
      %swap3A_632 = arith.constant 3 : i32
      %swap3A_633 = arith.index_cast %swap3A_632 : i32 to index
      %swap3A_634 = arith.constant 32 : index
      %swap3A_635 = tpu.vector_load %arg13[%swap3A_633, %swap3A_634] {strides = array<i32>} : memref<4x128xi32, #tpu.memory_space<vmem>>, vector<16xi32>,
      tpu.vector_store %arg13[%swap3A_633, %swap3A_634], %get3A_631 {strides = array<i32>} : memref<4x128xi32, #tpu.memory_space<vmem>>, vector<16xi32>,
      %get3A_636 = arith.constant 416 : index
      %get3A_637 = tpu.vector_load %arg12[%get3A_636] {strides = array<i32>} : memref<512xf32, #tpu.memory_space<vmem>>, vector<16xf32>,
      %swap3A_638 = arith.constant 3 : i32
      %swap3A_639 = arith.index_cast %swap3A_638 : i32 to index
      %swap3A_640 = arith.constant 32 : index
      %swap3A_641 = tpu.vector_load %arg14[%swap3A_639, %swap3A_640] {strides = array<i32>} : memref<4x128xf32, #tpu.memory_space<vmem>>, vector<16xf32>,
      tpu.vector_store %arg14[%swap3A_639, %swap3A_640], %get3A_637 {strides = array<i32>} : memref<4x128xf32, #tpu.memory_space<vmem>>, vector<16xf32>,
      %get3A_642 = arith.constant 432 : index
      %get3A_643 = tpu.vector_load %arg11[%get3A_642] {strides = array<i32>} : memref<512xi32, #tpu.memory_space<vmem>>, vector<16xi32>,
      %swap3A_644 = arith.constant 3 : i32
      %swap3A_645 = arith.index_cast %swap3A_644 : i32 to index
      %swap3A_646 = arith.constant 48 : index
      %swap3A_647 = tpu.vector_load %arg13[%swap3A_645, %swap3A_646] {strides = array<i32>} : memref<4x128xi32, #tpu.memory_space<vmem>>, vector<16xi32>,
      tpu.vector_store %arg13[%swap3A_645, %swap3A_646], %get3A_643 {strides = array<i32>} : memref<4x128xi32, #tpu.memory_space<vmem>>, vector<16xi32>,
      %get3A_648 = arith.constant 432 : index
      %get3A_649 = tpu.vector_load %arg12[%get3A_648] {strides = array<i32>} : memref<512xf32, #tpu.memory_space<vmem>>, vector<16xf32>,
      %swap3A_650 = arith.constant 3 : i32
      %swap3A_651 = arith.index_cast %swap3A_650 : i32 to index
      %swap3A_652 = arith.constant 48 : index
      %swap3A_653 = tpu.vector_load %arg14[%swap3A_651, %swap3A_652] {strides = array<i32>} : memref<4x128xf32, #tpu.memory_space<vmem>>, vector<16xf32>,
      tpu.vector_store %arg14[%swap3A_651, %swap3A_652], %get3A_649 {strides = array<i32>} : memref<4x128xf32, #tpu.memory_space<vmem>>, vector<16xf32>,
      %get3A_654 = arith.constant 448 : index
      %get3A_655 = tpu.vector_load %arg11[%get3A_654] {strides = array<i32>} : memref<512xi32, #tpu.memory_space<vmem>>, vector<16xi32>,
      %swap3A_656 = arith.constant 3 : i32
      %swap3A_657 = arith.index_cast %swap3A_656 : i32 to index
      %swap3A_658 = arith.constant 64 : index
      %swap3A_659 = tpu.vector_load %arg13[%swap3A_657, %swap3A_658] {strides = array<i32>} : memref<4x128xi32, #tpu.memory_space<vmem>>, vector<16xi32>,
      tpu.vector_store %arg13[%swap3A_657, %swap3A_658], %get3A_655 {strides = array<i32>} : memref<4x128xi32, #tpu.memory_space<vmem>>, vector<16xi32>,
      %get3A_660 = arith.constant 448 : index
      %get3A_661 = tpu.vector_load %arg12[%get3A_660] {strides = array<i32>} : memref<512xf32, #tpu.memory_space<vmem>>, vector<16xf32>,
      %swap3A_662 = arith.constant 3 : i32
      %swap3A_663 = arith.index_cast %swap3A_662 : i32 to index
      %swap3A_664 = arith.constant 64 : index
      %swap3A_665 = tpu.vector_load %arg14[%swap3A_663, %swap3A_664] {strides = array<i32>} : memref<4x128xf32, #tpu.memory_space<vmem>>, vector<16xf32>,
      tpu.vector_store %arg14[%swap3A_663, %swap3A_664], %get3A_661 {strides = array<i32>} : memref<4x128xf32, #tpu.memory_space<vmem>>, vector<16xf32>,
      %get3A_666 = arith.constant 464 : index
      %get3A_667 = tpu.vector_load %arg11[%get3A_666] {strides = array<i32>} : memref<512xi32, #tpu.memory_space<vmem>>, vector<16xi32>,
      %swap3A_668 = arith.constant 3 : i32
      %swap3A_669 = arith.index_cast %swap3A_668 : i32 to index
      %swap3A_670 = arith.constant 80 : index
      %swap3A_671 = tpu.vector_load %arg13[%swap3A_669, %swap3A_670] {strides = array<i32>} : memref<4x128xi32, #tpu.memory_space<vmem>>, vector<16xi32>,
      tpu.vector_store %arg13[%swap3A_669, %swap3A_670], %get3A_667 {strides = array<i32>} : memref<4x128xi32, #tpu.memory_space<vmem>>, vector<16xi32>,
      %get3A_672 = arith.constant 464 : index
      %get3A_673 = tpu.vector_load %arg12[%get3A_672] {strides = array<i32>} : memref<512xf32, #tpu.memory_space<vmem>>, vector<16xf32>,
      %swap3A_674 = arith.constant 3 : i32
      %swap3A_675 = arith.index_cast %swap3A_674 : i32 to index
      %swap3A_676 = arith.constant 80 : index
      %swap3A_677 = tpu.vector_load %arg14[%swap3A_675, %swap3A_676] {strides = array<i32>} : memref<4x128xf32, #tpu.memory_space<vmem>>, vector<16xf32>,
      tpu.vector_store %arg14[%swap3A_675, %swap3A_676], %get3A_673 {strides = array<i32>} : memref<4x128xf32, #tpu.memory_space<vmem>>, vector<16xf32>,
      %get3A_678 = arith.constant 480 : index
      %get3A_679 = tpu.vector_load %arg11[%get3A_678] {strides = array<i32>} : memref<512xi32, #tpu.memory_space<vmem>>, vector<16xi32>,
      %swap3A_680 = arith.constant 3 : i32
      %swap3A_681 = arith.index_cast %swap3A_680 : i32 to index
      %swap3A_682 = arith.constant 96 : index
      %swap3A_683 = tpu.vector_load %arg13[%swap3A_681, %swap3A_682] {strides = array<i32>} : memref<4x128xi32, #tpu.memory_space<vmem>>, vector<16xi32>,
      tpu.vector_store %arg13[%swap3A_681, %swap3A_682], %get3A_679 {strides = array<i32>} : memref<4x128xi32, #tpu.memory_space<vmem>>, vector<16xi32>,
      %get3A_684 = arith.constant 480 : index
      %get3A_685 = tpu.vector_load %arg12[%get3A_684] {strides = array<i32>} : memref<512xf32, #tpu.memory_space<vmem>>, vector<16xf32>,
      %swap3A_686 = arith.constant 3 : i32
      %swap3A_687 = arith.index_cast %swap3A_686 : i32 to index
      %swap3A_688 = arith.constant 96 : index
      %swap3A_689 = tpu.vector_load %arg14[%swap3A_687, %swap3A_688] {strides = array<i32>} : memref<4x128xf32, #tpu.memory_space<vmem>>, vector<16xf32>,
      tpu.vector_store %arg14[%swap3A_687, %swap3A_688], %get3A_685 {strides = array<i32>} : memref<4x128xf32, #tpu.memory_space<vmem>>, vector<16xf32>,
      %get3A_690 = arith.constant 496 : index
      %get3A_691 = tpu.vector_load %arg11[%get3A_690] {strides = array<i32>} : memref<512xi32, #tpu.memory_space<vmem>>, vector<16xi32>,
      %swap3A_692 = arith.constant 3 : i32
      %swap3A_693 = arith.index_cast %swap3A_692 : i32 to index
      %swap3A_694 = arith.constant 112 : index
      %swap3A_695 = tpu.vector_load %arg13[%swap3A_693, %swap3A_694] {strides = array<i32>} : memref<4x128xi32, #tpu.memory_space<vmem>>, vector<16xi32>,
      tpu.vector_store %arg13[%swap3A_693, %swap3A_694], %get3A_691 {strides = array<i32>} : memref<4x128xi32, #tpu.memory_space<vmem>>, vector<16xi32>,
      %get3A_696 = arith.constant 496 : index
      %get3A_697 = tpu.vector_load %arg12[%get3A_696] {strides = array<i32>} : memref<512xf32, #tpu.memory_space<vmem>>, vector<16xf32>,
      %swap3A_698 = arith.constant 3 : i32
      %swap3A_699 = arith.index_cast %swap3A_698 : i32 to index
      %swap3A_700 = arith.constant 112 : index
      %swap3A_701 = tpu.vector_load %arg14[%swap3A_699, %swap3A_700] {strides = array<i32>} : memref<4x128xf32, #tpu.memory_space<vmem>>, vector<16xf32>,
      tpu.vector_store %arg14[%swap3A_699, %swap3A_700], %get3A_697 {strides = array<i32>} : memref<4x128xf32, #tpu.memory_space<vmem>>, vector<16xf32>,
      "tpu.region"() ({
        %run_scoped3A_713 = tpu.sem_alloc : memref<!tpu.dma_semaphore, #tpu.memory_space<semaphore_mem>>
        %dma_start3A = arith.constant 0 : i32
        %dma_start3A_714 = arith.constant 0 : i32
        %dma_start3A_715 = tpu.memref_slice %arg6[%arg1, %dma_start3A, %dma_start3A_714] : memref<16x4x128xi32, #tpu.memory_space<hbm>> -> memref<1x4x128xi32, #tpu.memory_space<hbm>>
        %dma_start3A_716 = tpu.memref_squeeze %dma_start3A_715 : memref<1x4x128xi32, #tpu.memory_space<hbm>> -> memref<4x128xi32, #tpu.memory_space<hbm>>
        %dma_start3A_717 = arith.constant 0 : i32
        %dma_start3A_718 = arith.constant 0 : i32
        %dma_start3A_719 = tpu.memref_slice %arg6[%arg1, %dma_start3A_717, %dma_start3A_718] : memref<16x4x128xi32, #tpu.memory_space<hbm>> -> memref<1x4x128xi32, #tpu.memory_space<hbm>>
        %dma_start3A_720 = tpu.memref_squeeze %dma_start3A_719 : memref<1x4x128xi32, #tpu.memory_space<hbm>> -> memref<4x128xi32, #tpu.memory_space<hbm>>
        tpu.enqueue_dma source(%arg13 : memref<4x128xi32, #tpu.memory_space<vmem>>) target(%dma_start3A_720 : memref<4x128xi32, #tpu.memory_space<hbm>>) target_semaphore(%run_scoped3A_713 : memref<!tpu.dma_semaphore, #tpu.memory_space<semaphore_mem>>)
        %dma_wait3A = arith.constant 0 : i32
        %dma_wait3A_721 = arith.constant 0 : i32
        %dma_wait3A_722 = tpu.memref_slice %arg6[%arg1, %dma_wait3A, %dma_wait3A_721] : memref<16x4x128xi32, #tpu.memory_space<hbm>> -> memref<1x4x128xi32, #tpu.memory_space<hbm>>
        %dma_wait3A_723 = tpu.memref_squeeze %dma_wait3A_722 : memref<1x4x128xi32, #tpu.memory_space<hbm>> -> memref<4x128xi32, #tpu.memory_space<hbm>>
        %dma_wait3A_724 = arith.constant 0 : i32
        %dma_wait3A_725 = arith.constant 0 : i32
        %dma_wait3A_726 = tpu.memref_slice %arg6[%arg1, %dma_wait3A_724, %dma_wait3A_725] : memref<16x4x128xi32, #tpu.memory_space<hbm>> -> memref<1x4x128xi32, #tpu.memory_space<hbm>>
        %dma_wait3A_727 = tpu.memref_squeeze %dma_wait3A_726 : memref<1x4x128xi32, #tpu.memory_space<hbm>> -> memref<4x128xi32, #tpu.memory_space<hbm>>
        tpu.wait_dma2 semaphore(%run_scoped3A_713 : memref<!tpu.dma_semaphore, #tpu.memory_space<semaphore_mem>>) src(%arg13 : memref<4x128xi32, #tpu.memory_space<vmem>>) dst(%dma_wait3A_727 : memref<4x128xi32, #tpu.memory_space<hbm>>)
        tpu.yield
      }) : () -> ()
      %run_scoped3A = arith.constant 0 : i32
      "tpu.region"() ({
        %run_scoped3A_713 = tpu.sem_alloc : memref<!tpu.dma_semaphore, #tpu.memory_space<semaphore_mem>>
        %dma_start3A = arith.constant 0 : i32
        %dma_start3A_714 = arith.constant 0 : i32
        %dma_start3A_715 = tpu.memref_slice %arg10[%dma_start3A, %dma_start3A_714] : memref<512x64xf32, #tpu.memory_space<vmem>> -> memref<128x64xf32, #tpu.memory_space<vmem>>
        %dma_start3A_716 = arith.constant 0 : i32
        %dma_start3A_717 = tpu.memref_slice %arg13[%run_scoped3A, %dma_start3A_716] : memref<4x128xi32, #tpu.memory_space<vmem>> -> memref<1x128xi32, #tpu.memory_space<vmem>>
        %dma_start3A_718 = tpu.memref_squeeze %dma_start3A_717 : memref<1x128xi32, #tpu.memory_space<vmem>> -> memref<128xi32, #tpu.memory_space<vmem>>
        %dma_start3A_719 = arith.constant 0 : i32
        %dma_start3A_720 = arith.constant 0 : i32
        %dma_start3A_721 = tpu.memref_slice %arg5[%dma_start3A_719, %dma_start3A_720] : memref<9216x64xf32, #tpu.memory_space<hbm>> -> memref<9216x64xf32, #tpu.memory_space<hbm>>
        tpu.enqueue_indirect_dma source(%dma_start3A_715 : memref<128x64xf32, #tpu.memory_space<vmem>>) target(%dma_start3A_721 : memref<9216x64xf32, #tpu.memory_space<hbm>>) offsets(%dma_start3A_718 : memref<128xi32, #tpu.memory_space<vmem>>) semaphore(%run_scoped3A_713 : memref<!tpu.dma_semaphore, #tpu.memory_space<semaphore_mem>>)
        %dma_wait3A = arith.constant 0 : i32
        %dma_wait3A_722 = arith.constant 0 : i32
        %dma_wait3A_723 = tpu.memref_slice %arg10[%dma_wait3A, %dma_wait3A_722] : memref<512x64xf32, #tpu.memory_space<vmem>> -> memref<128x64xf32, #tpu.memory_space<vmem>>
        %dma_wait3A_724 = arith.constant 0 : i32
        %dma_wait3A_725 = tpu.memref_slice %arg13[%run_scoped3A, %dma_wait3A_724] : memref<4x128xi32, #tpu.memory_space<vmem>> -> memref<1x128xi32, #tpu.memory_space<vmem>>
        %dma_wait3A_726 = tpu.memref_squeeze %dma_wait3A_725 : memref<1x128xi32, #tpu.memory_space<vmem>> -> memref<128xi32, #tpu.memory_space<vmem>>
        %dma_wait3A_727 = arith.constant 0 : i32
        %dma_wait3A_728 = arith.constant 0 : i32
        %dma_wait3A_729 = tpu.memref_slice %arg5[%dma_wait3A_727, %dma_wait3A_728] : memref<9216x64xf32, #tpu.memory_space<hbm>> -> memref<9216x64xf32, #tpu.memory_space<hbm>>
        tpu.wait_indirect_dma semaphore(%run_scoped3A_713 : memref<!tpu.dma_semaphore, #tpu.memory_space<semaphore_mem>>) src(%dma_wait3A_723 : memref<128x64xf32, #tpu.memory_space<vmem>>) dst(%dma_wait3A_729 : memref<9216x64xf32, #tpu.memory_space<hbm>>)
        tpu.yield
      }) : () -> ()
      %run_scoped3A_702 = arith.constant 0 : i32
      %run_scoped3A_703 = arith.constant 0 : i32
      "tpu.region"() ({
        %run_scoped3A_713 = tpu.sem_alloc : memref<!tpu.dma_semaphore, #tpu.memory_space<semaphore_mem>>
        %dma_start3A = arith.constant 0 : i32
        %dma_start3A_714 = tpu.memref_slice %arg14[%run_scoped3A_702, %dma_start3A] : memref<4x128xf32, #tpu.memory_space<vmem>> -> memref<1x128xf32, #tpu.memory_space<vmem>>
        %dma_start3A_715 = tpu.memref_squeeze %dma_start3A_714 : memref<1x128xf32, #tpu.memory_space<vmem>> -> memref<128xf32, #tpu.memory_space<vmem>>
        %dma_start3A_716 = arith.constant 0 : i32
        %dma_start3A_717 = tpu.memref_slice %arg13[%run_scoped3A_703, %dma_start3A_716] : memref<4x128xi32, #tpu.memory_space<vmem>> -> memref<1x128xi32, #tpu.memory_space<vmem>>
        %dma_start3A_718 = tpu.memref_squeeze %dma_start3A_717 : memref<1x128xi32, #tpu.memory_space<vmem>> -> memref<128xi32, #tpu.memory_space<vmem>>
        %dma_start3A_719 = arith.constant 0 : i32
        %dma_start3A_720 = tpu.memref_slice %arg7[%dma_start3A_719] : memref<9216xf32, #tpu.memory_space<hbm>> -> memref<9216xf32, #tpu.memory_space<hbm>>
        tpu.enqueue_indirect_dma source(%dma_start3A_715 : memref<128xf32, #tpu.memory_space<vmem>>) target(%dma_start3A_720 : memref<9216xf32, #tpu.memory_space<hbm>>) offsets(%dma_start3A_718 : memref<128xi32, #tpu.memory_space<vmem>>) semaphore(%run_scoped3A_713 : memref<!tpu.dma_semaphore, #tpu.memory_space<semaphore_mem>>)
        %dma_wait3A = arith.constant 0 : i32
        %dma_wait3A_721 = tpu.memref_slice %arg14[%run_scoped3A_702, %dma_wait3A] : memref<4x128xf32, #tpu.memory_space<vmem>> -> memref<1x128xf32, #tpu.memory_space<vmem>>
        %dma_wait3A_722 = tpu.memref_squeeze %dma_wait3A_721 : memref<1x128xf32, #tpu.memory_space<vmem>> -> memref<128xf32, #tpu.memory_space<vmem>>
        %dma_wait3A_723 = arith.constant 0 : i32
        %dma_wait3A_724 = tpu.memref_slice %arg13[%run_scoped3A_703, %dma_wait3A_723] : memref<4x128xi32, #tpu.memory_space<vmem>> -> memref<1x128xi32, #tpu.memory_space<vmem>>
        %dma_wait3A_725 = tpu.memref_squeeze %dma_wait3A_724 : memref<1x128xi32, #tpu.memory_space<vmem>> -> memref<128xi32, #tpu.memory_space<vmem>>
        %dma_wait3A_726 = arith.constant 0 : i32
        %dma_wait3A_727 = tpu.memref_slice %arg7[%dma_wait3A_726] : memref<9216xf32, #tpu.memory_space<hbm>> -> memref<9216xf32, #tpu.memory_space<hbm>>
        tpu.wait_indirect_dma semaphore(%run_scoped3A_713 : memref<!tpu.dma_semaphore, #tpu.memory_space<semaphore_mem>>) src(%dma_wait3A_722 : memref<128xf32, #tpu.memory_space<vmem>>) dst(%dma_wait3A_727 : memref<9216xf32, #tpu.memory_space<hbm>>)
        tpu.yield
      }) : () -> ()
      %run_scoped3A_704 = arith.constant 1 : i32
      "tpu.region"() ({
        %run_scoped3A_713 = tpu.sem_alloc : memref<!tpu.dma_semaphore, #tpu.memory_space<semaphore_mem>>
        %dma_start3A = arith.constant 128 : i32
        %dma_start3A_714 = arith.constant 0 : i32
        %dma_start3A_715 = tpu.memref_slice %arg10[%dma_start3A, %dma_start3A_714] : memref<512x64xf32, #tpu.memory_space<vmem>> -> memref<128x64xf32, #tpu.memory_space<vmem>>
        %dma_start3A_716 = arith.constant 0 : i32
        %dma_start3A_717 = tpu.memref_slice %arg13[%run_scoped3A_704, %dma_start3A_716] : memref<4x128xi32, #tpu.memory_space<vmem>> -> memref<1x128xi32, #tpu.memory_space<vmem>>
        %dma_start3A_718 = tpu.memref_squeeze %dma_start3A_717 : memref<1x128xi32, #tpu.memory_space<vmem>> -> memref<128xi32, #tpu.memory_space<vmem>>
        %dma_start3A_719 = arith.constant 0 : i32
        %dma_start3A_720 = arith.constant 0 : i32
        %dma_start3A_721 = tpu.memref_slice %arg5[%dma_start3A_719, %dma_start3A_720] : memref<9216x64xf32, #tpu.memory_space<hbm>> -> memref<9216x64xf32, #tpu.memory_space<hbm>>
        tpu.enqueue_indirect_dma source(%dma_start3A_715 : memref<128x64xf32, #tpu.memory_space<vmem>>) target(%dma_start3A_721 : memref<9216x64xf32, #tpu.memory_space<hbm>>) offsets(%dma_start3A_718 : memref<128xi32, #tpu.memory_space<vmem>>) semaphore(%run_scoped3A_713 : memref<!tpu.dma_semaphore, #tpu.memory_space<semaphore_mem>>)
        %dma_wait3A = arith.constant 128 : i32
        %dma_wait3A_722 = arith.constant 0 : i32
        %dma_wait3A_723 = tpu.memref_slice %arg10[%dma_wait3A, %dma_wait3A_722] : memref<512x64xf32, #tpu.memory_space<vmem>> -> memref<128x64xf32, #tpu.memory_space<vmem>>
        %dma_wait3A_724 = arith.constant 0 : i32
        %dma_wait3A_725 = tpu.memref_slice %arg13[%run_scoped3A_704, %dma_wait3A_724] : memref<4x128xi32, #tpu.memory_space<vmem>> -> memref<1x128xi32, #tpu.memory_space<vmem>>
        %dma_wait3A_726 = tpu.memref_squeeze %dma_wait3A_725 : memref<1x128xi32, #tpu.memory_space<vmem>> -> memref<128xi32, #tpu.memory_space<vmem>>
        %dma_wait3A_727 = arith.constant 0 : i32
        %dma_wait3A_728 = arith.constant 0 : i32
        %dma_wait3A_729 = tpu.memref_slice %arg5[%dma_wait3A_727, %dma_wait3A_728] : memref<9216x64xf32, #tpu.memory_space<hbm>> -> memref<9216x64xf32, #tpu.memory_space<hbm>>
        tpu.wait_indirect_dma semaphore(%run_scoped3A_713 : memref<!tpu.dma_semaphore, #tpu.memory_space<semaphore_mem>>) src(%dma_wait3A_723 : memref<128x64xf32, #tpu.memory_space<vmem>>) dst(%dma_wait3A_729 : memref<9216x64xf32, #tpu.memory_space<hbm>>)
        tpu.yield
      }) : () -> ()
      %run_scoped3A_705 = arith.constant 1 : i32
      %run_scoped3A_706 = arith.constant 1 : i32
      "tpu.region"() ({
        %run_scoped3A_713 = tpu.sem_alloc : memref<!tpu.dma_semaphore, #tpu.memory_space<semaphore_mem>>
        %dma_start3A = arith.constant 0 : i32
        %dma_start3A_714 = tpu.memref_slice %arg14[%run_scoped3A_705, %dma_start3A] : memref<4x128xf32, #tpu.memory_space<vmem>> -> memref<1x128xf32, #tpu.memory_space<vmem>>
        %dma_start3A_715 = tpu.memref_squeeze %dma_start3A_714 : memref<1x128xf32, #tpu.memory_space<vmem>> -> memref<128xf32, #tpu.memory_space<vmem>>
        %dma_start3A_716 = arith.constant 0 : i32
        %dma_start3A_717 = tpu.memref_slice %arg13[%run_scoped3A_706, %dma_start3A_716] : memref<4x128xi32, #tpu.memory_space<vmem>> -> memref<1x128xi32, #tpu.memory_space<vmem>>
        %dma_start3A_718 = tpu.memref_squeeze %dma_start3A_717 : memref<1x128xi32, #tpu.memory_space<vmem>> -> memref<128xi32, #tpu.memory_space<vmem>>
        %dma_start3A_719 = arith.constant 0 : i32
        %dma_start3A_720 = tpu.memref_slice %arg7[%dma_start3A_719] : memref<9216xf32, #tpu.memory_space<hbm>> -> memref<9216xf32, #tpu.memory_space<hbm>>
        tpu.enqueue_indirect_dma source(%dma_start3A_715 : memref<128xf32, #tpu.memory_space<vmem>>) target(%dma_start3A_720 : memref<9216xf32, #tpu.memory_space<hbm>>) offsets(%dma_start3A_718 : memref<128xi32, #tpu.memory_space<vmem>>) semaphore(%run_scoped3A_713 : memref<!tpu.dma_semaphore, #tpu.memory_space<semaphore_mem>>)
        %dma_wait3A = arith.constant 0 : i32
        %dma_wait3A_721 = tpu.memref_slice %arg14[%run_scoped3A_705, %dma_wait3A] : memref<4x128xf32, #tpu.memory_space<vmem>> -> memref<1x128xf32, #tpu.memory_space<vmem>>
        %dma_wait3A_722 = tpu.memref_squeeze %dma_wait3A_721 : memref<1x128xf32, #tpu.memory_space<vmem>> -> memref<128xf32, #tpu.memory_space<vmem>>
        %dma_wait3A_723 = arith.constant 0 : i32
        %dma_wait3A_724 = tpu.memref_slice %arg13[%run_scoped3A_706, %dma_wait3A_723] : memref<4x128xi32, #tpu.memory_space<vmem>> -> memref<1x128xi32, #tpu.memory_space<vmem>>
        %dma_wait3A_725 = tpu.memref_squeeze %dma_wait3A_724 : memref<1x128xi32, #tpu.memory_space<vmem>> -> memref<128xi32, #tpu.memory_space<vmem>>
        %dma_wait3A_726 = arith.constant 0 : i32
        %dma_wait3A_727 = tpu.memref_slice %arg7[%dma_wait3A_726] : memref<9216xf32, #tpu.memory_space<hbm>> -> memref<9216xf32, #tpu.memory_space<hbm>>
        tpu.wait_indirect_dma semaphore(%run_scoped3A_713 : memref<!tpu.dma_semaphore, #tpu.memory_space<semaphore_mem>>) src(%dma_wait3A_722 : memref<128xf32, #tpu.memory_space<vmem>>) dst(%dma_wait3A_727 : memref<9216xf32, #tpu.memory_space<hbm>>)
        tpu.yield
      }) : () -> ()
      %run_scoped3A_707 = arith.constant 2 : i32
      "tpu.region"() ({
        %run_scoped3A_713 = tpu.sem_alloc : memref<!tpu.dma_semaphore, #tpu.memory_space<semaphore_mem>>
        %dma_start3A = arith.constant 256 : i32
        %dma_start3A_714 = arith.constant 0 : i32
        %dma_start3A_715 = tpu.memref_slice %arg10[%dma_start3A, %dma_start3A_714] : memref<512x64xf32, #tpu.memory_space<vmem>> -> memref<128x64xf32, #tpu.memory_space<vmem>>
        %dma_start3A_716 = arith.constant 0 : i32
        %dma_start3A_717 = tpu.memref_slice %arg13[%run_scoped3A_707, %dma_start3A_716] : memref<4x128xi32, #tpu.memory_space<vmem>> -> memref<1x128xi32, #tpu.memory_space<vmem>>
        %dma_start3A_718 = tpu.memref_squeeze %dma_start3A_717 : memref<1x128xi32, #tpu.memory_space<vmem>> -> memref<128xi32, #tpu.memory_space<vmem>>
        %dma_start3A_719 = arith.constant 0 : i32
        %dma_start3A_720 = arith.constant 0 : i32
        %dma_start3A_721 = tpu.memref_slice %arg5[%dma_start3A_719, %dma_start3A_720] : memref<9216x64xf32, #tpu.memory_space<hbm>> -> memref<9216x64xf32, #tpu.memory_space<hbm>>
        tpu.enqueue_indirect_dma source(%dma_start3A_715 : memref<128x64xf32, #tpu.memory_space<vmem>>) target(%dma_start3A_721 : memref<9216x64xf32, #tpu.memory_space<hbm>>) offsets(%dma_start3A_718 : memref<128xi32, #tpu.memory_space<vmem>>) semaphore(%run_scoped3A_713 : memref<!tpu.dma_semaphore, #tpu.memory_space<semaphore_mem>>)
        %dma_wait3A = arith.constant 256 : i32
        %dma_wait3A_722 = arith.constant 0 : i32
        %dma_wait3A_723 = tpu.memref_slice %arg10[%dma_wait3A, %dma_wait3A_722] : memref<512x64xf32, #tpu.memory_space<vmem>> -> memref<128x64xf32, #tpu.memory_space<vmem>>
        %dma_wait3A_724 = arith.constant 0 : i32
        %dma_wait3A_725 = tpu.memref_slice %arg13[%run_scoped3A_707, %dma_wait3A_724] : memref<4x128xi32, #tpu.memory_space<vmem>> -> memref<1x128xi32, #tpu.memory_space<vmem>>
        %dma_wait3A_726 = tpu.memref_squeeze %dma_wait3A_725 : memref<1x128xi32, #tpu.memory_space<vmem>> -> memref<128xi32, #tpu.memory_space<vmem>>
        %dma_wait3A_727 = arith.constant 0 : i32
        %dma_wait3A_728 = arith.constant 0 : i32
        %dma_wait3A_729 = tpu.memref_slice %arg5[%dma_wait3A_727, %dma_wait3A_728] : memref<9216x64xf32, #tpu.memory_space<hbm>> -> memref<9216x64xf32, #tpu.memory_space<hbm>>
        tpu.wait_indirect_dma semaphore(%run_scoped3A_713 : memref<!tpu.dma_semaphore, #tpu.memory_space<semaphore_mem>>) src(%dma_wait3A_723 : memref<128x64xf32, #tpu.memory_space<vmem>>) dst(%dma_wait3A_729 : memref<9216x64xf32, #tpu.memory_space<hbm>>)
        tpu.yield
      }) : () -> ()
      %run_scoped3A_708 = arith.constant 2 : i32
      %run_scoped3A_709 = arith.constant 2 : i32
      "tpu.region"() ({
        %run_scoped3A_713 = tpu.sem_alloc : memref<!tpu.dma_semaphore, #tpu.memory_space<semaphore_mem>>
        %dma_start3A = arith.constant 0 : i32
        %dma_start3A_714 = tpu.memref_slice %arg14[%run_scoped3A_708, %dma_start3A] : memref<4x128xf32, #tpu.memory_space<vmem>> -> memref<1x128xf32, #tpu.memory_space<vmem>>
        %dma_start3A_715 = tpu.memref_squeeze %dma_start3A_714 : memref<1x128xf32, #tpu.memory_space<vmem>> -> memref<128xf32, #tpu.memory_space<vmem>>
        %dma_start3A_716 = arith.constant 0 : i32
        %dma_start3A_717 = tpu.memref_slice %arg13[%run_scoped3A_709, %dma_start3A_716] : memref<4x128xi32, #tpu.memory_space<vmem>> -> memref<1x128xi32, #tpu.memory_space<vmem>>
        %dma_start3A_718 = tpu.memref_squeeze %dma_start3A_717 : memref<1x128xi32, #tpu.memory_space<vmem>> -> memref<128xi32, #tpu.memory_space<vmem>>
        %dma_start3A_719 = arith.constant 0 : i32
        %dma_start3A_720 = tpu.memref_slice %arg7[%dma_start3A_719] : memref<9216xf32, #tpu.memory_space<hbm>> -> memref<9216xf32, #tpu.memory_space<hbm>>
        tpu.enqueue_indirect_dma source(%dma_start3A_715 : memref<128xf32, #tpu.memory_space<vmem>>) target(%dma_start3A_720 : memref<9216xf32, #tpu.memory_space<hbm>>) offsets(%dma_start3A_718 : memref<128xi32, #tpu.memory_space<vmem>>) semaphore(%run_scoped3A_713 : memref<!tpu.dma_semaphore, #tpu.memory_space<semaphore_mem>>)
        %dma_wait3A = arith.constant 0 : i32
        %dma_wait3A_721 = tpu.memref_slice %arg14[%run_scoped3A_708, %dma_wait3A] : memref<4x128xf32, #tpu.memory_space<vmem>> -> memref<1x128xf32, #tpu.memory_space<vmem>>
        %dma_wait3A_722 = tpu.memref_squeeze %dma_wait3A_721 : memref<1x128xf32, #tpu.memory_space<vmem>> -> memref<128xf32, #tpu.memory_space<vmem>>
        %dma_wait3A_723 = arith.constant 0 : i32
        %dma_wait3A_724 = tpu.memref_slice %arg13[%run_scoped3A_709, %dma_wait3A_723] : memref<4x128xi32, #tpu.memory_space<vmem>> -> memref<1x128xi32, #tpu.memory_space<vmem>>
        %dma_wait3A_725 = tpu.memref_squeeze %dma_wait3A_724 : memref<1x128xi32, #tpu.memory_space<vmem>> -> memref<128xi32, #tpu.memory_space<vmem>>
        %dma_wait3A_726 = arith.constant 0 : i32
        %dma_wait3A_727 = tpu.memref_slice %arg7[%dma_wait3A_726] : memref<9216xf32, #tpu.memory_space<hbm>> -> memref<9216xf32, #tpu.memory_space<hbm>>
        tpu.wait_indirect_dma semaphore(%run_scoped3A_713 : memref<!tpu.dma_semaphore, #tpu.memory_space<semaphore_mem>>) src(%dma_wait3A_722 : memref<128xf32, #tpu.memory_space<vmem>>) dst(%dma_wait3A_727 : memref<9216xf32, #tpu.memory_space<hbm>>)
        tpu.yield
      }) : () -> ()
      %run_scoped3A_710 = arith.constant 3 : i32
      "tpu.region"() ({
        %run_scoped3A_713 = tpu.sem_alloc : memref<!tpu.dma_semaphore, #tpu.memory_space<semaphore_mem>>
        %dma_start3A = arith.constant 384 : i32
        %dma_start3A_714 = arith.constant 0 : i32
        %dma_start3A_715 = tpu.memref_slice %arg10[%dma_start3A, %dma_start3A_714] : memref<512x64xf32, #tpu.memory_space<vmem>> -> memref<128x64xf32, #tpu.memory_space<vmem>>
        %dma_start3A_716 = arith.constant 0 : i32
        %dma_start3A_717 = tpu.memref_slice %arg13[%run_scoped3A_710, %dma_start3A_716] : memref<4x128xi32, #tpu.memory_space<vmem>> -> memref<1x128xi32, #tpu.memory_space<vmem>>
        %dma_start3A_718 = tpu.memref_squeeze %dma_start3A_717 : memref<1x128xi32, #tpu.memory_space<vmem>> -> memref<128xi32, #tpu.memory_space<vmem>>
        %dma_start3A_719 = arith.constant 0 : i32
        %dma_start3A_720 = arith.constant 0 : i32
        %dma_start3A_721 = tpu.memref_slice %arg5[%dma_start3A_719, %dma_start3A_720] : memref<9216x64xf32, #tpu.memory_space<hbm>> -> memref<9216x64xf32, #tpu.memory_space<hbm>>
        tpu.enqueue_indirect_dma source(%dma_start3A_715 : memref<128x64xf32, #tpu.memory_space<vmem>>) target(%dma_start3A_721 : memref<9216x64xf32, #tpu.memory_space<hbm>>) offsets(%dma_start3A_718 : memref<128xi32, #tpu.memory_space<vmem>>) semaphore(%run_scoped3A_713 : memref<!tpu.dma_semaphore, #tpu.memory_space<semaphore_mem>>)
        %dma_wait3A = arith.constant 384 : i32
        %dma_wait3A_722 = arith.constant 0 : i32
        %dma_wait3A_723 = tpu.memref_slice %arg10[%dma_wait3A, %dma_wait3A_722] : memref<512x64xf32, #tpu.memory_space<vmem>> -> memref<128x64xf32, #tpu.memory_space<vmem>>
        %dma_wait3A_724 = arith.constant 0 : i32
        %dma_wait3A_725 = tpu.memref_slice %arg13[%run_scoped3A_710, %dma_wait3A_724] : memref<4x128xi32, #tpu.memory_space<vmem>> -> memref<1x128xi32, #tpu.memory_space<vmem>>
        %dma_wait3A_726 = tpu.memref_squeeze %dma_wait3A_725 : memref<1x128xi32, #tpu.memory_space<vmem>> -> memref<128xi32, #tpu.memory_space<vmem>>
        %dma_wait3A_727 = arith.constant 0 : i32
        %dma_wait3A_728 = arith.constant 0 : i32
        %dma_wait3A_729 = tpu.memref_slice %arg5[%dma_wait3A_727, %dma_wait3A_728] : memref<9216x64xf32, #tpu.memory_space<hbm>> -> memref<9216x64xf32, #tpu.memory_space<hbm>>
        tpu.wait_indirect_dma semaphore(%run_scoped3A_713 : memref<!tpu.dma_semaphore, #tpu.memory_space<semaphore_mem>>) src(%dma_wait3A_723 : memref<128x64xf32, #tpu.memory_space<vmem>>) dst(%dma_wait3A_729 : memref<9216x64xf32, #tpu.memory_space<hbm>>)
        tpu.yield
      }) : () -> ()
      %run_scoped3A_711 = arith.constant 3 : i32
      %run_scoped3A_712 = arith.constant 3 : i32
      "tpu.region"() ({
        %run_scoped3A_713 = tpu.sem_alloc : memref<!tpu.dma_semaphore, #tpu.memory_space<semaphore_mem>>
        %dma_start3A = arith.constant 0 : i32
        %dma_start3A_714 = tpu.memref_slice %arg14[%run_scoped3A_711, %dma_start3A] : memref<4x128xf32, #tpu.memory_space<vmem>> -> memref<1x128xf32, #tpu.memory_space<vmem>>
        %dma_start3A_715 = tpu.memref_squeeze %dma_start3A_714 : memref<1x128xf32, #tpu.memory_space<vmem>> -> memref<128xf32, #tpu.memory_space<vmem>>
        %dma_start3A_716 = arith.constant 0 : i32
        %dma_start3A_717 = tpu.memref_slice %arg13[%run_scoped3A_712, %dma_start3A_716] : memref<4x128xi32, #tpu.memory_space<vmem>> -> memref<1x128xi32, #tpu.memory_space<vmem>>
        %dma_start3A_718 = tpu.memref_squeeze %dma_start3A_717 : memref<1x128xi32, #tpu.memory_space<vmem>> -> memref<128xi32, #tpu.memory_space<vmem>>
        %dma_start3A_719 = arith.constant 0 : i32
        %dma_start3A_720 = tpu.memref_slice %arg7[%dma_start3A_719] : memref<9216xf32, #tpu.memory_space<hbm>> -> memref<9216xf32, #tpu.memory_space<hbm>>
        tpu.enqueue_indirect_dma source(%dma_start3A_715 : memref<128xf32, #tpu.memory_space<vmem>>) target(%dma_start3A_720 : memref<9216xf32, #tpu.memory_space<hbm>>) offsets(%dma_start3A_718 : memref<128xi32, #tpu.memory_space<vmem>>) semaphore(%run_scoped3A_713 : memref<!tpu.dma_semaphore, #tpu.memory_space<semaphore_mem>>)
        %dma_wait3A = arith.constant 0 : i32
        %dma_wait3A_721 = tpu.memref_slice %arg14[%run_scoped3A_711, %dma_wait3A] : memref<4x128xf32, #tpu.memory_space<vmem>> -> memref<1x128xf32, #tpu.memory_space<vmem>>
        %dma_wait3A_722 = tpu.memref_squeeze %dma_wait3A_721 : memref<1x128xf32, #tpu.memory_space<vmem>> -> memref<128xf32, #tpu.memory_space<vmem>>
        %dma_wait3A_723 = arith.constant 0 : i32
        %dma_wait3A_724 = tpu.memref_slice %arg13[%run_scoped3A_712, %dma_wait3A_723] : memref<4x128xi32, #tpu.memory_space<vmem>> -> memref<1x128xi32, #tpu.memory_space<vmem>>
        %dma_wait3A_725 = tpu.memref_squeeze %dma_wait3A_724 : memref<1x128xi32, #tpu.memory_space<vmem>> -> memref<128xi32, #tpu.memory_space<vmem>>
        %dma_wait3A_726 = arith.constant 0 : i32
        %dma_wait3A_727 = tpu.memref_slice %arg7[%dma_wait3A_726] : memref<9216xf32, #tpu.memory_space<hbm>> -> memref<9216xf32, #tpu.memory_space<hbm>>
        tpu.wait_indirect_dma semaphore(%run_scoped3A_713 : memref<!tpu.dma_semaphore, #tpu.memory_space<semaphore_mem>>) src(%dma_wait3A_722 : memref<128xf32, #tpu.memory_space<vmem>>) dst(%dma_wait3A_727 : memref<9216xf32, #tpu.memory_space<hbm>>)
        tpu.yield
      }) : () -> ()
    } else {
    }
    return
  }
}

#map = affine_map<(d0, d1) -> (0, 0, 0)>
#map1 = affine_map<(d0, d1) -> (0, 0)>
module attributes {stable_mosaic.version = 14 : i64} {
  func.func @k4(%arg0: i32, %arg1: i32, %arg2: memref<32x2x128xi32, #tpu.memory_space<hbm>>, %arg3: memref<9216x64xf32, #tpu.memory_space<hbm>>, %arg4: memref<8192x64xf32, #tpu.memory_space<hbm>>, %arg5: memref<2x128xi32, #tpu.memory_space<vmem>>, %arg6: memref<256x64xf32, #tpu.memory_space<vmem>>, %arg7: memref<!tpu.dma_semaphore, #tpu.memory_space<semaphore_mem>>, %arg8: memref<!tpu.dma_semaphore, #tpu.memory_space<semaphore_mem>>) attributes {dimension_semantics = [#tpu.dimension_semantics<core_parallel>, #tpu.dimension_semantics<subcore_parallel>], iteration_bounds = array<i64: 2, 16>, scalar_prefetch = 0 : i64, scratch_operands = 4 : i64, tpu.core_type = #tpu.core_type<sc_vector_subcore>, window_params = [{transform_indices = #map}, {transform_indices = #map1}, {transform_indices = #map1}]} {
    %mul3A = arith.constant 2 : i32
    %mul3A_0 = arith.muli %arg1, %mul3A : i32
    %add3A = arith.addi %mul3A_0, %arg0 : i32
    "tpu.region"() ({
      %run_scoped3A = tpu.sem_alloc : memref<!tpu.dma_semaphore, #tpu.memory_space<semaphore_mem>>
      %dma_start3A_41 = arith.constant 0 : i32
      %dma_start3A_42 = arith.constant 0 : i32
      %dma_start3A_43 = tpu.memref_slice %arg2[%add3A, %dma_start3A_41, %dma_start3A_42] : memref<32x2x128xi32, #tpu.memory_space<hbm>> -> memref<1x2x128xi32, #tpu.memory_space<hbm>>
      %dma_start3A_44 = tpu.memref_squeeze %dma_start3A_43 : memref<1x2x128xi32, #tpu.memory_space<hbm>> -> memref<2x128xi32, #tpu.memory_space<hbm>>
      %dma_start3A_45 = arith.constant 0 : i32
      %dma_start3A_46 = arith.constant 0 : i32
      %dma_start3A_47 = tpu.memref_slice %arg2[%add3A, %dma_start3A_45, %dma_start3A_46] : memref<32x2x128xi32, #tpu.memory_space<hbm>> -> memref<1x2x128xi32, #tpu.memory_space<hbm>>
      %dma_start3A_48 = tpu.memref_squeeze %dma_start3A_47 : memref<1x2x128xi32, #tpu.memory_space<hbm>> -> memref<2x128xi32, #tpu.memory_space<hbm>>
      tpu.enqueue_dma source(%dma_start3A_48 : memref<2x128xi32, #tpu.memory_space<hbm>>) target(%arg5 : memref<2x128xi32, #tpu.memory_space<vmem>>) target_semaphore(%run_scoped3A : memref<!tpu.dma_semaphore, #tpu.memory_space<semaphore_mem>>)
      %dma_wait3A_49 = arith.constant 0 : i32
      %dma_wait3A_50 = arith.constant 0 : i32
      %dma_wait3A_51 = tpu.memref_slice %arg2[%add3A, %dma_wait3A_49, %dma_wait3A_50] : memref<32x2x128xi32, #tpu.memory_space<hbm>> -> memref<1x2x128xi32, #tpu.memory_space<hbm>>
      %dma_wait3A_52 = tpu.memref_squeeze %dma_wait3A_51 : memref<1x2x128xi32, #tpu.memory_space<hbm>> -> memref<2x128xi32, #tpu.memory_space<hbm>>
      %dma_wait3A_53 = arith.constant 0 : i32
      %dma_wait3A_54 = arith.constant 0 : i32
      %dma_wait3A_55 = tpu.memref_slice %arg2[%add3A, %dma_wait3A_53, %dma_wait3A_54] : memref<32x2x128xi32, #tpu.memory_space<hbm>> -> memref<1x2x128xi32, #tpu.memory_space<hbm>>
      %dma_wait3A_56 = tpu.memref_squeeze %dma_wait3A_55 : memref<1x2x128xi32, #tpu.memory_space<hbm>> -> memref<2x128xi32, #tpu.memory_space<hbm>>
      tpu.wait_dma2 semaphore(%run_scoped3A : memref<!tpu.dma_semaphore, #tpu.memory_space<semaphore_mem>>) src(%dma_wait3A_56 : memref<2x128xi32, #tpu.memory_space<hbm>>) dst(%arg5 : memref<2x128xi32, #tpu.memory_space<vmem>>)
      tpu.yield
    }) : () -> ()
    %dma_start3A = arith.constant 0 : i32
    %dma_start3A_1 = arith.constant 0 : i32
    %dma_start3A_2 = arith.constant 0 : i32
    %dma_start3A_3 = tpu.memref_slice %arg6[%dma_start3A_1, %dma_start3A_2] : memref<256x64xf32, #tpu.memory_space<vmem>> -> memref<128x64xf32, #tpu.memory_space<vmem>>
    %dma_start3A_4 = arith.constant 0 : i32
    %dma_start3A_5 = tpu.memref_slice %arg5[%dma_start3A, %dma_start3A_4] : memref<2x128xi32, #tpu.memory_space<vmem>> -> memref<1x128xi32, #tpu.memory_space<vmem>>
    %dma_start3A_6 = tpu.memref_squeeze %dma_start3A_5 : memref<1x128xi32, #tpu.memory_space<vmem>> -> memref<128xi32, #tpu.memory_space<vmem>>
    %dma_start3A_7 = arith.constant 0 : i32
    %dma_start3A_8 = arith.constant 0 : i32
    %dma_start3A_9 = tpu.memref_slice %arg3[%dma_start3A_7, %dma_start3A_8] : memref<9216x64xf32, #tpu.memory_space<hbm>> -> memref<9216x64xf32, #tpu.memory_space<hbm>>
    tpu.enqueue_indirect_dma source(%dma_start3A_9 : memref<9216x64xf32, #tpu.memory_space<hbm>>) target(%dma_start3A_3 : memref<128x64xf32, #tpu.memory_space<vmem>>) offsets(%dma_start3A_6 : memref<128xi32, #tpu.memory_space<vmem>>) semaphore(%arg7 : memref<!tpu.dma_semaphore, #tpu.memory_space<semaphore_mem>>)
    %dma_start3A_10 = arith.constant 1 : i32
    %dma_start3A_11 = arith.constant 128 : i32
    %dma_start3A_12 = arith.constant 0 : i32
    %dma_start3A_13 = tpu.memref_slice %arg6[%dma_start3A_11, %dma_start3A_12] : memref<256x64xf32, #tpu.memory_space<vmem>> -> memref<128x64xf32, #tpu.memory_space<vmem>>
    %dma_start3A_14 = arith.constant 0 : i32
    %dma_start3A_15 = tpu.memref_slice %arg5[%dma_start3A_10, %dma_start3A_14] : memref<2x128xi32, #tpu.memory_space<vmem>> -> memref<1x128xi32, #tpu.memory_space<vmem>>
    %dma_start3A_16 = tpu.memref_squeeze %dma_start3A_15 : memref<1x128xi32, #tpu.memory_space<vmem>> -> memref<128xi32, #tpu.memory_space<vmem>>
    %dma_start3A_17 = arith.constant 0 : i32
    %dma_start3A_18 = arith.constant 0 : i32
    %dma_start3A_19 = tpu.memref_slice %arg3[%dma_start3A_17, %dma_start3A_18] : memref<9216x64xf32, #tpu.memory_space<hbm>> -> memref<9216x64xf32, #tpu.memory_space<hbm>>
    tpu.enqueue_indirect_dma source(%dma_start3A_19 : memref<9216x64xf32, #tpu.memory_space<hbm>>) target(%dma_start3A_13 : memref<128x64xf32, #tpu.memory_space<vmem>>) offsets(%dma_start3A_16 : memref<128xi32, #tpu.memory_space<vmem>>) semaphore(%arg8 : memref<!tpu.dma_semaphore, #tpu.memory_space<semaphore_mem>>)
    %dma_wait3A = arith.constant 0 : i32
    %dma_wait3A_20 = arith.constant 0 : i32
    %dma_wait3A_21 = arith.constant 0 : i32
    %dma_wait3A_22 = tpu.memref_slice %arg6[%dma_wait3A_20, %dma_wait3A_21] : memref<256x64xf32, #tpu.memory_space<vmem>> -> memref<128x64xf32, #tpu.memory_space<vmem>>
    %dma_wait3A_23 = arith.constant 0 : i32
    %dma_wait3A_24 = tpu.memref_slice %arg5[%dma_wait3A, %dma_wait3A_23] : memref<2x128xi32, #tpu.memory_space<vmem>> -> memref<1x128xi32, #tpu.memory_space<vmem>>
    %dma_wait3A_25 = tpu.memref_squeeze %dma_wait3A_24 : memref<1x128xi32, #tpu.memory_space<vmem>> -> memref<128xi32, #tpu.memory_space<vmem>>
    %dma_wait3A_26 = arith.constant 0 : i32
    %dma_wait3A_27 = arith.constant 0 : i32
    %dma_wait3A_28 = tpu.memref_slice %arg3[%dma_wait3A_26, %dma_wait3A_27] : memref<9216x64xf32, #tpu.memory_space<hbm>> -> memref<9216x64xf32, #tpu.memory_space<hbm>>
    tpu.wait_indirect_dma semaphore(%arg7 : memref<!tpu.dma_semaphore, #tpu.memory_space<semaphore_mem>>) src(%dma_wait3A_28 : memref<9216x64xf32, #tpu.memory_space<hbm>>) dst(%dma_wait3A_22 : memref<128x64xf32, #tpu.memory_space<vmem>>)
    %dma_wait3A_29 = arith.constant 1 : i32
    %dma_wait3A_30 = arith.constant 128 : i32
    %dma_wait3A_31 = arith.constant 0 : i32
    %dma_wait3A_32 = tpu.memref_slice %arg6[%dma_wait3A_30, %dma_wait3A_31] : memref<256x64xf32, #tpu.memory_space<vmem>> -> memref<128x64xf32, #tpu.memory_space<vmem>>
    %dma_wait3A_33 = arith.constant 0 : i32
    %dma_wait3A_34 = tpu.memref_slice %arg5[%dma_wait3A_29, %dma_wait3A_33] : memref<2x128xi32, #tpu.memory_space<vmem>> -> memref<1x128xi32, #tpu.memory_space<vmem>>
    %dma_wait3A_35 = tpu.memref_squeeze %dma_wait3A_34 : memref<1x128xi32, #tpu.memory_space<vmem>> -> memref<128xi32, #tpu.memory_space<vmem>>
    %dma_wait3A_36 = arith.constant 0 : i32
    %dma_wait3A_37 = arith.constant 0 : i32
    %dma_wait3A_38 = tpu.memref_slice %arg3[%dma_wait3A_36, %dma_wait3A_37] : memref<9216x64xf32, #tpu.memory_space<hbm>> -> memref<9216x64xf32, #tpu.memory_space<hbm>>
    tpu.wait_indirect_dma semaphore(%arg8 : memref<!tpu.dma_semaphore, #tpu.memory_space<semaphore_mem>>) src(%dma_wait3A_38 : memref<9216x64xf32, #tpu.memory_space<hbm>>) dst(%dma_wait3A_32 : memref<128x64xf32, #tpu.memory_space<vmem>>)
    %mul3A_39 = arith.constant 256 : i32
    %mul3A_40 = arith.muli %add3A, %mul3A_39 : i32
    "tpu.region"() ({
      %run_scoped3A = tpu.sem_alloc : memref<!tpu.dma_semaphore, #tpu.memory_space<semaphore_mem>>
      %dma_start3A_41 = arith.constant 0 : i32
      %dma_start3A_42 = tpu.memref_slice %arg4[%mul3A_40, %dma_start3A_41] : memref<8192x64xf32, #tpu.memory_space<hbm>> -> memref<256x64xf32, #tpu.memory_space<hbm>>
      %dma_start3A_43 = arith.constant 0 : i32
      %dma_start3A_44 = tpu.memref_slice %arg4[%mul3A_40, %dma_start3A_43] : memref<8192x64xf32, #tpu.memory_space<hbm>> -> memref<256x64xf32, #tpu.memory_space<hbm>>
      tpu.enqueue_dma source(%arg6 : memref<256x64xf32, #tpu.memory_space<vmem>>) target(%dma_start3A_44 : memref<256x64xf32, #tpu.memory_space<hbm>>) target_semaphore(%run_scoped3A : memref<!tpu.dma_semaphore, #tpu.memory_space<semaphore_mem>>)
      %dma_wait3A_45 = arith.constant 0 : i32
      %dma_wait3A_46 = tpu.memref_slice %arg4[%mul3A_40, %dma_wait3A_45] : memref<8192x64xf32, #tpu.memory_space<hbm>> -> memref<256x64xf32, #tpu.memory_space<hbm>>
      %dma_wait3A_47 = arith.constant 0 : i32
      %dma_wait3A_48 = tpu.memref_slice %arg4[%mul3A_40, %dma_wait3A_47] : memref<8192x64xf32, #tpu.memory_space<hbm>> -> memref<256x64xf32, #tpu.memory_space<hbm>>
      tpu.wait_dma2 semaphore(%run_scoped3A : memref<!tpu.dma_semaphore, #tpu.memory_space<semaphore_mem>>) src(%arg6 : memref<256x64xf32, #tpu.memory_space<vmem>>) dst(%dma_wait3A_48 : memref<256x64xf32, #tpu.memory_space<hbm>>)
      tpu.yield
    }) : () -> ()
    return
  }
}

module attributes {stable_mosaic.version = 14 : i64} {
  func.func @_router_body(%arg0: i32, %arg1: memref<1024x64xf32, #tpu.memory_space<vmem>>, %arg2: memref<64x8xf32, #tpu.memory_space<vmem>>, %arg3: memref<1x8xf32, #tpu.memory_space<vmem>>, %arg4: memref<1024x64xf32, #tpu.memory_space<vmem>>, %arg5: memref<1024x1xf32, #tpu.memory_space<vmem>>, %arg6: memref<1024x1xi32, #tpu.memory_space<vmem>>) attributes {dimension_semantics = [#tpu.dimension_semantics<arbitrary>], iteration_bounds = array<i64: 8>, scalar_prefetch = 0 : i64, scratch_operands = 0 : i64, tpu.core_type = #tpu.core_type<tc>, window_params = [{transform_indices = @transform_0, window_bounds = array<i64: 1024, 64>}, {pipeline_mode = #tpu.pipeline_mode<synchronous>, transform_indices = @transform_1, window_bounds = array<i64: 64, 8>}, {pipeline_mode = #tpu.pipeline_mode<synchronous>, transform_indices = @transform_2, window_bounds = array<i64: 1, 8>}, {transform_indices = @transform_3, window_bounds = array<i64: 1024, 64>}, {transform_indices = @transform_4, window_bounds = array<i64: 1024, 1>}, {transform_indices = @transform_5, window_bounds = array<i64: 1024, 1>}]} {
    %get3A = arith.constant 0 : index
    %get3A_0 = arith.constant 0 : index
    %get3A_1 = vector.load %arg1[%get3A, %get3A_0] : memref<1024x64xf32, #tpu.memory_space<vmem>>, vector<1024x64xf32>
    %get3A_2 = arith.constant 0 : index
    %get3A_3 = arith.constant 0 : index
    %get3A_4 = vector.load %arg2[%get3A_2, %get3A_3] : memref<64x8xf32, #tpu.memory_space<vmem>>, vector<64x8xf32>
    %dot_general3A = arith.constant dense<0.000000e+00> : vector<1024x8xf32>
    %dot_general3A_5 = tpu.matmul %get3A_1, %get3A_4, %dot_general3A {dimension_numbers = #tpu.dot_dimension_numbers<[1], [0], [0], [1], [0, 0, 1, 1], [], []>, transpose_lhs_hint = false} : vector<1024x64xf32>, vector<64x8xf32>, vector<1024x8xf32> -> vector<1024x8xf32>
    %get3A_6 = arith.constant 0 : index
    %get3A_7 = arith.constant 0 : index
    %get3A_8 = vector.load %arg3[%get3A_6, %get3A_7] : memref<1x8xf32, #tpu.memory_space<vmem>>, vector<1x8xf32>
    %add3A = vector.broadcast %get3A_8 : vector<1x8xf32> to vector<1024x8xf32>
    %add3A_9 = arith.addf %dot_general3A_5, %add3A : vector<1024x8xf32>
    %reduce_max3A = arith.constant dense<0xFF800000> : vector<1024xf32>
    %reduce_max3A_10 = vector.multi_reduction <maximumf>, %add3A_9, %reduce_max3A [1] : vector<1024x8xf32> to vector<1024xf32>
    %broadcast_in_dim3A = vector.shape_cast %reduce_max3A_10 : vector<1024xf32> to vector<1024x1xf32>
    %sub3A = vector.broadcast %broadcast_in_dim3A : vector<1024x1xf32> to vector<1024x8xf32>
    %sub3A_11 = arith.subf %add3A_9, %sub3A : vector<1024x8xf32>
    %exp3A = math.exp %sub3A_11 : vector<1024x8xf32>
    %reduce_sum3A = arith.constant dense<0.000000e+00> : vector<1024xf32>
    %reduce_sum3A_12 = vector.multi_reduction <add>, %exp3A, %reduce_sum3A [1] : vector<1024x8xf32> to vector<1024xf32>
    %broadcast_in_dim3A_13 = vector.shape_cast %reduce_sum3A_12 : vector<1024xf32> to vector<1024x1xf32>
    %div3A = arith.constant 1.000000e+00 : f32
    %div3A_14 = vector.broadcast %div3A : f32 to vector<1024x1xf32>
    %div3A_15 = arith.divf %div3A_14, %broadcast_in_dim3A_13 : vector<1024x1xf32>
    %iota3A = tpu.iota {dimensions = array<i32: 1>} : vector<1024x8xi32>
    %ge3A = vector.broadcast %broadcast_in_dim3A : vector<1024x1xf32> to vector<1024x8xf32>
    %ge3A_16 = arith.cmpf oge, %add3A_9, %ge3A : vector<1024x8xf32>
    %jit3A = arith.constant 8 : i32
    %broadcast_in_dim3A_17 = vector.broadcast %jit3A : i32 to vector<1024x8xi32>
    %select_n3A = arith.select %ge3A_16, %iota3A, %broadcast_in_dim3A_17 : vector<1024x8xi1>, vector<1024x8xi32>
    %reduce_min3A = arith.constant dense<2147483647> : vector<1024xi32>
    %reduce_min3A_18 = vector.multi_reduction <minsi>, %select_n3A, %reduce_min3A [1] : vector<1024x8xi32> to vector<1024xi32>
    %broadcast_in_dim3A_19 = vector.shape_cast %reduce_min3A_18 : vector<1024xi32> to vector<1024x1xi32>
    %mul3A = vector.broadcast %div3A_15 : vector<1024x1xf32> to vector<1024x64xf32>
    %mul3A_20 = arith.mulf %get3A_1, %mul3A : vector<1024x64xf32>
    %swap3A = arith.constant 0 : index
    %swap3A_21 = arith.constant 0 : index
    %swap3A_22 = vector.load %arg4[%swap3A, %swap3A_21] : memref<1024x64xf32, #tpu.memory_space<vmem>>, vector<1024x64xf32>
    tpu.vector_store %arg4[%swap3A, %swap3A_21], %mul3A_20 {strides = array<i32>} : memref<1024x64xf32, #tpu.memory_space<vmem>>, vector<1024x64xf32>,
    %swap3A_23 = arith.constant 0 : index
    %swap3A_24 = arith.constant 0 : index
    %swap3A_25 = vector.load %arg5[%swap3A_23, %swap3A_24] : memref<1024x1xf32, #tpu.memory_space<vmem>>, vector<1024x1xf32>
    tpu.vector_store %arg5[%swap3A_23, %swap3A_24], %div3A_15 {strides = array<i32>} : memref<1024x1xf32, #tpu.memory_space<vmem>>, vector<1024x1xf32>,
    %swap3A_26 = arith.constant 0 : index
    %swap3A_27 = arith.constant 0 : index
    %swap3A_28 = vector.load %arg6[%swap3A_26, %swap3A_27] : memref<1024x1xi32, #tpu.memory_space<vmem>>, vector<1024x1xi32>
    tpu.vector_store %arg6[%swap3A_26, %swap3A_27], %broadcast_in_dim3A_19 {strides = array<i32>} : memref<1024x1xi32, #tpu.memory_space<vmem>>, vector<1024x1xi32>,
    return
  }
  func.func @transform_0(%arg0: i32) -> (i32, i32) {
    %c0_i32 = arith.constant 0 : i32
    %c0_i32_0 = arith.constant 0 : i32
    return %arg0, %c0_i32 : i32, i32
  }
  func.func @transform_1(%arg0: i32) -> (i32, i32) {
    %c0_i32 = arith.constant 0 : i32
    %c0_i32_0 = arith.constant 0 : i32
    %c0_i32_1 = arith.constant 0 : i32
    return %c0_i32, %c0_i32_0 : i32, i32
  }
  func.func @transform_2(%arg0: i32) -> (i32, i32) {
    %c0_i32 = arith.constant 0 : i32
    %c0_i32_0 = arith.constant 0 : i32
    %c0_i32_1 = arith.constant 0 : i32
    return %c0_i32, %c0_i32_0 : i32, i32
  }
  func.func @transform_3(%arg0: i32) -> (i32, i32) {
    %c0_i32 = arith.constant 0 : i32
    %c0_i32_0 = arith.constant 0 : i32
    return %arg0, %c0_i32 : i32, i32
  }
  func.func @transform_4(%arg0: i32) -> (i32, i32) {
    %c0_i32 = arith.constant 0 : i32
    %c0_i32_0 = arith.constant 0 : i32
    return %arg0, %c0_i32 : i32, i32
  }
  func.func @transform_5(%arg0: i32) -> (i32, i32) {
    %c0_i32 = arith.constant 0 : i32
    %c0_i32_0 = arith.constant 0 : i32
    return %arg0, %c0_i32 : i32, i32
  }
}

module attributes {stable_mosaic.version = 14 : i64} {
  func.func @_ffn_body(%arg0: i32, %arg1: memref<1024x64xf32, #tpu.memory_space<vmem>>, %arg2: memref<1024x1xf32, #tpu.memory_space<vmem>>, %arg3: memref<1x64x64xf32, #tpu.memory_space<vmem>>, %arg4: memref<1x1x64xf32, #tpu.memory_space<vmem>>, %arg5: memref<1x64x64xf32, #tpu.memory_space<vmem>>, %arg6: memref<1x1x64xf32, #tpu.memory_space<vmem>>, %arg7: memref<1024x64xf32, #tpu.memory_space<vmem>>) attributes {dimension_semantics = [#tpu.dimension_semantics<arbitrary>], iteration_bounds = array<i64: 9>, scalar_prefetch = 0 : i64, scratch_operands = 0 : i64, tpu.core_type = #tpu.core_type<tc>, window_params = [{transform_indices = @transform_0, window_bounds = array<i64: 1024, 64>}, {transform_indices = @transform_1, window_bounds = array<i64: 1024, 1>}, {transform_indices = @transform_2, window_bounds = array<i64: 1, 64, 64>}, {transform_indices = @transform_3, window_bounds = array<i64: 1, 1, 64>}, {transform_indices = @transform_4, window_bounds = array<i64: 1, 64, 64>}, {transform_indices = @transform_5, window_bounds = array<i64: 1, 1, 64>}, {transform_indices = @transform_6, window_bounds = array<i64: 1024, 64>}]} {
    %get3A = arith.constant 0 : index
    %get3A_0 = arith.constant 0 : index
    %get3A_1 = vector.load %arg1[%get3A, %get3A_0] : memref<1024x64xf32, #tpu.memory_space<vmem>>, vector<1024x64xf32>
    %get3A_2 = arith.constant 0 : index
    %get3A_3 = arith.constant 0 : index
    %get3A_4 = vector.load %arg2[%get3A_2, %get3A_3] : memref<1024x1xf32, #tpu.memory_space<vmem>>, vector<1024x1xf32>
    %get3A_5 = arith.constant 0 : index
    %get3A_6 = arith.constant 0 : index
    %get3A_7 = arith.constant 0 : index
    %get3A_8 = vector.load %arg3[%get3A_5, %get3A_6, %get3A_7] : memref<1x64x64xf32, #tpu.memory_space<vmem>>, vector<1x64x64xf32>
    %get3A_9 = vector.shape_cast %get3A_8 : vector<1x64x64xf32> to vector<64x64xf32>
    %dot_general3A = arith.constant dense<0.000000e+00> : vector<1024x64xf32>
    %dot_general3A_10 = tpu.matmul %get3A_1, %get3A_9, %dot_general3A {dimension_numbers = #tpu.dot_dimension_numbers<[1], [0], [0], [1], [0, 0, 1, 1], [], []>, transpose_lhs_hint = false} : vector<1024x64xf32>, vector<64x64xf32>, vector<1024x64xf32> -> vector<1024x64xf32>
    %get3A_11 = arith.constant 0 : index
    %get3A_12 = arith.constant 0 : index
    %get3A_13 = arith.constant 0 : index
    %get3A_14 = vector.load %arg4[%get3A_11, %get3A_12, %get3A_13] : memref<1x1x64xf32, #tpu.memory_space<vmem>>, vector<1x1x64xf32>
    %get3A_15 = vector.shape_cast %get3A_14 : vector<1x1x64xf32> to vector<1x64xf32>
    %add3A = vector.broadcast %get3A_15 : vector<1x64xf32> to vector<1024x64xf32>
    %add3A_16 = arith.addf %dot_general3A_10, %add3A : vector<1024x64xf32>
    %max3A = arith.constant 0.000000e+00 : f32
    %max3A_17 = vector.broadcast %max3A : f32 to vector<1024x64xf32>
    %max3A_18 = arith.maximumf %add3A_16, %max3A_17 : vector<1024x64xf32>
    %get3A_19 = arith.constant 0 : index
    %get3A_20 = arith.constant 0 : index
    %get3A_21 = arith.constant 0 : index
    %get3A_22 = vector.load %arg5[%get3A_19, %get3A_20, %get3A_21] : memref<1x64x64xf32, #tpu.memory_space<vmem>>, vector<1x64x64xf32>
    %get3A_23 = vector.shape_cast %get3A_22 : vector<1x64x64xf32> to vector<64x64xf32>
    %dot_general3A_24 = arith.constant dense<0.000000e+00> : vector<1024x64xf32>
    %dot_general3A_25 = tpu.matmul %max3A_18, %get3A_23, %dot_general3A_24 {dimension_numbers = #tpu.dot_dimension_numbers<[1], [0], [0], [1], [0, 0, 1, 1], [], []>, transpose_lhs_hint = false} : vector<1024x64xf32>, vector<64x64xf32>, vector<1024x64xf32> -> vector<1024x64xf32>
    %get3A_26 = arith.constant 0 : index
    %get3A_27 = arith.constant 0 : index
    %get3A_28 = arith.constant 0 : index
    %get3A_29 = vector.load %arg6[%get3A_26, %get3A_27, %get3A_28] : memref<1x1x64xf32, #tpu.memory_space<vmem>>, vector<1x1x64xf32>
    %get3A_30 = vector.shape_cast %get3A_29 : vector<1x1x64xf32> to vector<1x64xf32>
    %add3A_31 = vector.broadcast %get3A_30 : vector<1x64xf32> to vector<1024x64xf32>
    %add3A_32 = arith.addf %dot_general3A_25, %add3A_31 : vector<1024x64xf32>
    %mul3A = vector.broadcast %get3A_4 : vector<1024x1xf32> to vector<1024x64xf32>
    %mul3A_33 = arith.mulf %add3A_32, %mul3A : vector<1024x64xf32>
    %swap3A = arith.constant 0 : index
    %swap3A_34 = arith.constant 0 : index
    %swap3A_35 = vector.load %arg7[%swap3A, %swap3A_34] : memref<1024x64xf32, #tpu.memory_space<vmem>>, vector<1024x64xf32>
    tpu.vector_store %arg7[%swap3A, %swap3A_34], %mul3A_33 {strides = array<i32>} : memref<1024x64xf32, #tpu.memory_space<vmem>>, vector<1024x64xf32>,
    return
  }
  func.func @transform_0(%arg0: i32) -> (i32, i32) {
    %c0_i32 = arith.constant 0 : i32
    %c0_i32_0 = arith.constant 0 : i32
    return %arg0, %c0_i32 : i32, i32
  }
  func.func @transform_1(%arg0: i32) -> (i32, i32) {
    %c0_i32 = arith.constant 0 : i32
    %c0_i32_0 = arith.constant 0 : i32
    return %arg0, %c0_i32 : i32, i32
  }
  func.func @transform_2(%arg0: i32) -> (i32, i32, i32) {
    %min3A = arith.constant 7 : i32
    %min3A_0 = arith.minsi %arg0, %min3A : i32
    %c0_i32 = arith.constant 0 : i32
    %c0_i32_1 = arith.constant 0 : i32
    %c0_i32_2 = arith.constant 0 : i32
    return %min3A_0, %c0_i32, %c0_i32_1 : i32, i32, i32
  }
  func.func @transform_3(%arg0: i32) -> (i32, i32, i32) {
    %min3A = arith.constant 7 : i32
    %min3A_0 = arith.minsi %arg0, %min3A : i32
    %c0_i32 = arith.constant 0 : i32
    %c0_i32_1 = arith.constant 0 : i32
    %c0_i32_2 = arith.constant 0 : i32
    return %min3A_0, %c0_i32, %c0_i32_1 : i32, i32, i32
  }
  func.func @transform_4(%arg0: i32) -> (i32, i32, i32) {
    %min3A = arith.constant 7 : i32
    %min3A_0 = arith.minsi %arg0, %min3A : i32
    %c0_i32 = arith.constant 0 : i32
    %c0_i32_1 = arith.constant 0 : i32
    %c0_i32_2 = arith.constant 0 : i32
    return %min3A_0, %c0_i32, %c0_i32_1 : i32, i32, i32
  }
  func.func @transform_5(%arg0: i32) -> (i32, i32, i32) {
    %min3A = arith.constant 7 : i32
    %min3A_0 = arith.minsi %arg0, %min3A : i32
    %c0_i32 = arith.constant 0 : i32
    %c0_i32_1 = arith.constant 0 : i32
    %c0_i32_2 = arith.constant 0 : i32
    return %min3A_0, %c0_i32, %c0_i32_1 : i32, i32, i32
  }
  func.func @transform_6(%arg0: i32) -> (i32, i32) {
    %c0_i32 = arith.constant 0 : i32
    %c0_i32_0 = arith.constant 0 : i32
    return %arg0, %c0_i32 : i32, i32
  }
}

</mosaic_0001>

<sc_bundles>
// kernel: kernel.6.cloned.1.call-start
scs
__scs_entry_jumppad:
0x0: {  	(pc) =	sbr.rel $0x88, $3  }
0x1: {  	(tag) =	ssettag $0x0;
	lr =	simm.s32 $0x1  }
0x2: {  	[smem:$0x3F9A] =	sst lr;
	_ =	strace $0xD0000000  }
0x3: {  	_ = 	snop  }
0x4: {  	_ = 	snop  }
0x5: {  	_ = 	snop  }
0x6: {  	_ = 	snop  }
0x7: {  	_ = 	snop  }
__scs_overlays_trampoline_lowered:
0x8: {  	[smem:$0x3FA9] =	sst s0  }
0x9: {  	[smem:$0x3FAA] =	sst s1  }
0xa: {  	[smem:$0x3FAB] =	sst s2  }
0xb: {  	[smem:$0x3FAC] =	sst s3  }
0xc: {  	[smem:$0x3FAD] =	sst s4  }
0xd: {  	[smem:$0x3FAE] =	sst s5  }
0xe: {  	[smem:$0x3FAF] =	sst s6  }
0xf: {  	[smem:$0x3FB0] =	sst s7  }
0x10: {  	[smem:$0x3FB1] =	sst s8  }
0x11: {  	[smem:$0x3FB2] =	sst s9;
	s0 =	simm.s32 @!p0 $0x0  }
0x12: {  	s1 =	sld [smem:$0x3F98];
	s0 =	simm.s32 @p0 $0x1  }
0x13: {  	[smem:$0x3FB3] =	sst s0;
	s0 =	simm.s32 @!p1 $0x0  }
0x14: {  	s2 =	sld [smem:$0x3F97];
	s0 =	simm.s32 @p1 $0x1  }
0x15: {  	[smem:$0x3FB4] =	sst s0;
	s0 =	simm.s32 @!p2 $0x0  }
0x16: {  	s3 =	sld [smem:$0x3FDB];
	s0 =	simm.s32 @p2 $0x1  }
0x17: {  	s4 =	simm.s32 $0x1BF5;
	[smem:$0x3FB6] =	sst s0  }
0x18: {  	s0 =	sld [smem:$0x3F99];
	_ =	swait.ge [sflag:s4], $0x0  }
0x19: {  	s7 =	sld [smem:$0x3F9A]  }
0x1a: {  	s8 =	sadd.s32 $0xFFFFE003, lr  }
0x1b: {  	s9 =	sadd.s32 $0xFFFFFEF7, lr;
	s5 =	simm.s32 $0xFFFFFFFF;
	p2 =	slt.u32 s8, $0xFFFFF086  }
0x1c: {  	p1 =	slt.u32 s9, $0xF7A;
	s5 =	simm.s32 @!p2 $0x0  }
0x1d: {  	s5 =	simm.s32 @p1 $0x1;
	p0 =	seq.s32 s7, s2  }
0x1e: {  	s7 =	smul.u32 @!p0 $0xF7A, s2;
	p2 =	seq.s32 @!p0 s5, $0x0  }
0x1f: {  	s9 =	smul.u32 $0xF7A, s1;
	s8 =	simm.s32 @!p0 $0x1BF5;
	p2 =	por !p2, p0  }
0x20: {  	[sflag:s8] =	ssyncset.s32 @!p0 $0xFFFFF086;
	s6 =	sadd.s32 @!p0 s3, s7;
	s7 =	simm.s32 @!p0 $0x108  }
0x21: {  	s3 =	sadd.s32 s3, s9;
	s6 =	sadd.s32 @!p0 $0x88, s6;
	s7 =	simm.s32 @p2 $0x1082  }
0x22: {  	[simem:s7], [sflag:s8] =	dma.local @!p0 [hbm:s6], $0xF7A  }
0x23: {  	s9 =	sor.u32 $0xD0000000, s2;
	s6 =	simm.s32 $0x108;
	_ =	swait.ge @!p0 [sflag:s8], $0x0  }
0x24: {  	s3 =	sadd.s32 $0x88, s3;
	s6 =	simm.s32 @!p1 $0x1082;
	[sflag:s4] =	ssyncset.s32 $0xFFFFF086  }
0x25: {  	[simem:s6], [sflag:s4] =	dma.local [hbm:s3], $0xF7A  }
0x26: {  	[smem:$0x3F9A] =	sst s1;
	(tag) =	ssettag s2;
	_ =	strace s9  }
0x27: {  	s1 =	sld [smem:$0x3FAA]  }
0x28: {  	s2 =	sld [smem:$0x3FAB]  }
0x29: {  	s4 =	sld [smem:$0x3FAD]  }
0x2a: {  	p0 =	seq.s32 s5, $0x0;
	s5 =	sld [smem:$0x3FAE]  }
0x2b: {  	s6 =	sld [smem:$0x3FAF]  }
0x2c: {  	s7 =	sld [smem:$0x3FB0]  }
0x2d: {  	s3 =	simm.s32 $0x108;
	s8 =	sld [smem:$0x3FB1]  }
0x2e: {  	s3 =	simm.s32 @!p0 $0x1082;
	s9 =	sld [smem:$0x3FB2]  }
0x2f: {  	lr =	sadd.s32 s0, s3;
	s0 =	sld [smem:$0x3FA9]  }
0x30: {  	s3 =	sld [smem:$0x3FAC]  }
0x31: {  	[smem:$0x3FB5] =	sst s10  }
0x32: {  	s10 =	sld [smem:$0x3FB3];
	_ =	sdelay $0x3  }
0x33: {  	p0 =	seq.s32 s10, $0x1;
	s10 =	sld [smem:$0x3FB5];
	_ =	sdelay $0x3  }
0x34: {  	[smem:$0x3FB5] =	sst s10  }
0x35: {  	s10 =	sld [smem:$0x3FB4];
	_ =	sdelay $0x3  }
0x36: {  	p1 =	seq.s32 s10, $0x1;
	s10 =	sld [smem:$0x3FB5];
	_ =	sdelay $0x3  }
0x37: {  	[smem:$0x3FB5] =	sst s10  }
0x38: {  	s10 =	sld [smem:$0x3FB6]  }
0x39: {  	_ = 	snop;
	(pc) =	sbr.ind lr, $3  }
0x3a: {  	_ = 	snop  }
0x3b: {  	_ = 	snop  }
0x3c: {  	p2 =	seq.s32 s10, $0x1;
	s10 =	sld [smem:$0x3FB5]  }
0x3d: {  	_ =	shalt  }
0x3e: {  	_ =	shalt  }
0x3f: {  	_ =	shalt  }
0x40: {  	_ =	shalt  }
0x41: {  	_ =	shalt  }
0x42: {  	_ =	shalt  }
0x43: {  	_ =	shalt  }
0x44: {  	_ =	shalt  }
0x45: {  	_ =	shalt  }
0x46: {  	_ =	shalt  }
0x47: {  	_ =	shalt  }
0x48: {  	_ =	shalt  }
0x49: {  	_ =	shalt  }
0x4a: {  	_ =	shalt  }
0x4b: {  	_ =	shalt  }
0x4c: {  	_ =	shalt  }
0x4d: {  	_ =	shalt  }
0x4e: {  	_ =	shalt  }
0x4f: {  	_ =	shalt  }
0x50: {  	_ =	shalt  }
0x51: {  	_ =	shalt  }
0x52: {  	_ =	shalt  }
0x53: {  	_ =	shalt  }
0x54: {  	_ =	shalt  }
0x55: {  	_ =	shalt  }
0x56: {  	_ =	shalt  }
0x57: {  	_ =	shalt  }
0x58: {  	_ =	shalt  }
0x59: {  	_ =	shalt  }
0x5a: {  	_ =	shalt  }
0x5b: {  	_ =	shalt  }
0x5c: {  	_ =	shalt  }
0x5d: {  	_ =	shalt  }
0x5e: {  	_ =	shalt  }
0x5f: {  	_ =	shalt  }
0x60: {  	_ =	shalt  }
0x61: {  	_ =	shalt  }
0x62: {  	_ =	shalt  }
0x63: {  	_ =	shalt  }
0x64: {  	_ =	shalt  }
0x65: {  	_ =	shalt  }
0x66: {  	_ =	shalt  }
0x67: {  	_ =	shalt  }
0x68: {  	_ =	shalt  }
0x69: {  	_ =	shalt  }
0x6a: {  	_ =	shalt  }
0x6b: {  	_ =	shalt  }
0x6c: {  	_ =	shalt  }
0x6d: {  	_ =	shalt  }
0x6e: {  	_ =	shalt  }
0x6f: {  	_ =	shalt  }
0x70: {  	_ =	shalt  }
0x71: {  	_ =	shalt  }
0x72: {  	_ =	shalt  }
0x73: {  	_ =	shalt  }
0x74: {  	_ =	shalt  }
0x75: {  	_ =	shalt  }
0x76: {  	_ =	shalt  }
0x77: {  	_ =	shalt  }
0x78: {  	_ =	shalt  }
0x79: {  	_ =	shalt  }
0x7a: {  	_ =	shalt  }
0x7b: {  	_ =	shalt  }
0x7c: {  	_ =	shalt  }
0x7d: {  	_ =	shalt  }
0x7e: {  	_ =	shalt  }
0x7f: {  	_ =	shalt  }
0x80: {  	_ =	shalt  }
0x81: {  	_ =	shalt  }
0x82: {  	_ =	shalt  }
0x83: {  	_ =	shalt  }
0x84: {  	_ =	shalt  }
0x85: {  	_ =	shalt  }
0x86: {  	_ =	shalt  }
0x87: {  	_ =	shalt  }
.Lfunc_end0:
.L_simem_size_0:
called_computation_lowered:
.L_overlay_start_0:
0x88: {  	s2 =	sld [smem:$0x3FD9]  }
0x89: {  	s3 =	sld [smem:$0x3FFE];
	_ =	sdelay $0x1  }
0x8a: {  	s1 =	srdreg.scid  }
0x8b: {  	s0 =	sand.u32 $0x1, s1  }
0x8c: {  	s17 =	sshll.u32 s0, $0xA;
	s2 =	sadd.s32 s3, s2  }
0x8d: {  	s2 =	sadd.s32 s2, s17  }
0x8e: {  	[smem:$0x3FC1] =	sst s2  }
0x8f: {  	_ = 	snop  }
0x90: {  	s2 =	sld [smem:$0x3FD0];
	(tm) =	ssettm $0x1  }
0x91: {  	s18 =	sld [smem:$0x3FFB];
	_ =	sdelay $0x3  }
0x92: {  	_ =	strace s18  }
0x93: {  	s3 =	sld [smem:$0x3FFC];
	_ =	sdelay $0x3  }
0x94: {  	_ =	strace s3  }
0x95: {  	s3 =	sld [smem:$0x3FFD];
	_ =	sdelay $0x3  }
0x96: {  	_ =	strace s3  }
0x97: {  	_ =	strace $0x8FFFFFFF  }
0x98: {  	s19 =	sld [smem:$0x3FDB];
	_ =	sdelay $0x1  }
0x99: {  	s4 =	simm.s32 $_scs_section_size  }
0x9a: {  	s5 =	simm.s32 $_size__tile_overlayer_lowered;
	s6 =	simm.s32 $_tile_overlayer_lowered  }
0x9b: {  	s22 =	simm.s32 $0x1BFF;
	s21 =	sshll.u32 s6, $0x1;
	s3 =	sadd.s32 s4, s19  }
0x9c: {  	s7 =	simm.s32 $0x0;
	s20 =	sshll.u32 s5, $0x1;
	s5 =	sadd.s32 s21, s3  }
0x9d: {  	[timem:s7], [sflag:s22] =	dma.local [hbm:s5], s20  }
0x9e: {  	_ =	swait.ge [sflag:s22], s20  }
0x9f: {  	s4 =	ssub.s32 $0x0, s20;
	[sflag:s22] =	ssyncset.done $0x0  }
0xa0: {  	[sflag:s22] =	ssyncadd.s32 s4;
	_ =	sdelay $0x1  }
0xa1: {  	s23 =	simm.s32 $0x1B8B  }
0xa2: {  	_ =	swait.ge [sflag:s23], $0x1  }
0xa3: {  	[sflag:s23] =	ssyncset.done $0x0  }
0xa4: {  	s25 =	simm.s32 $0x1B8E;
	s24 =	sld [smem:$0x3FFE];
	[sflag:s23] =	ssyncadd.s32 $0xFFFFFFFF  }
0xa5: {  	s26 =	simm.s32 $execute0_lowered;
	[smem:$0x3FD2] =	sst s25  }
0xa6: {  	s5 =	sshll.u32 s26, $0x1;
	_ =	strace $0x80000046;
	[dreg:$0x1] =	wrdreg $0xFFFFFFFF  }
0xa7: {  	s28 =	simm.s32 $_size_execute0_lowered;
	s3 =	sadd.s32 s3, s5;
	[dreg:$0x0] =	wrdreg $0x0  }
0xa8: {  	s5 =	sshll.u32 s28, $0x1;
	[dreg:$0x2] =	wrdreg s3  }
0xa9: {  	[dreg:$0x3] =	wrdreg s5  }
0xaa: {  	[dreg:$0x4] =	wrdreg $0xC0  }
0xab: {  	_ =	task [dreg:s7], $0x5FFFF  }
0xac: {  	[dreg:$0x1] =	wrdreg $0xFFFFFFFF  }
0xad: {  	[dreg:$0x0] =	wrdreg $0x60  }
0xae: {  	[dreg:$0x2] =	wrdreg s24  }
0xaf: {  	[dreg:$0x3] =	wrdreg s2  }
0xb0: {  	[dreg:$0x4] =	wrdreg $0x8D100  }
0xb1: {  	[dreg:$0x5] =	wrdreg $0x9  }
0xb2: {  	_ =	task.clear_ibuf [dreg:s7], $0x6FFFF;
	_ =	strace $0x90000046  }
0xb3: {  	s29 =	simm.s32 $0x9;
	_ =	strace $0x80000048  }
0xb4: {  	_ =	swait.ge [sflag:s29], $0x1  }
0xb5: {  	[sflag:s29] =	ssyncadd.s32 $0xFFFFFFFF  }
0xb6: {  	_ =	strace $0x90000048  }
0xb7: {  	_ =	sfence  }
0xb8: {  	s30 =	sld [smem:$0x0];
	_ =	sdelay $0x2  }
0xb9: {  	s31 =	sshll.u32 s1, $0xD;
	s1 =	sshrl.u32 s1, $0x2  }
0xba: {  	s3 =	sand.u32 $0x4000, s31;
	s1 =	sadd.s32 s1, s30  }
0xbb: {  	s0 =	sor.u32 s3, s0;
	s1 =	sshll.u32 s1, $0x11  }
0xbc: {  	s0 =	sor.u32 s1, s0  }
0xbd: {  	s0 =	sadd.s32 $0x8F2B, s0  }
0xbe: {  	[sflag:s0] =	ssyncadd.remote.s32 $0x1  }
0xbf: {  	_ =	sfence.sel $0xFFFF  }
0xc0: {  	[dreg:$0x0] =	wrdreg $0xFFFFFFFF;
	(pc) =	sbr.abs _section_cstart, $3  }
0xc1: {  	[dreg:$0x1] =	wrdreg $0xFFFFFFFF  }
0xc2: {  	_ =	task.clear_ibuf [dreg:s7], $0x2FFFF;
	_ =	strace $0x9FFFFFFF  }
0xc3: {  	(tm) =	ssettm $0x7FFFFFFF  }
tec
execute0_lowered:
.L_overlay_start_1:
0x0: {  	(tag) =	ssettag $0x1  }
0x1: {  	s1 =	srdreg.scid  }
0x2: {  	s1 =	sand.u32 $0x1, s1  }
0x3: {  	p0 =	seq.s32 s1, $0x1  }
.Ltmp0:
0x4: {  	s3 =	rddreg [dreg:$0x0];
	(pc) =	sbr.rel @p0 .LBB2_6-.Ltmp0, $4  }
0x5: {  	s4 =	rddreg [dreg:$0x1]  }
0x6: {  	s7 =	rddreg [dreg:$0x2];
	s2 =	simm.s32 $0x0  }
0x7: {  	[smem:$0x7FF] =	sst s2  }
0x8: {  	s0 =	rddreg [dreg:$0x3];
	_ =	strace $0x80000047;
	s1 =	stileid.u32  }
0x9: {  	s5 =	sadd.s32 $0x1000, s3;
	s6 =	sshll.u32 s1, $0x6  }
0xa: {  	s28 =	simm.s32 $0x1;
	s5 =	sadd.s32 s5, s6  }
0xb: {  	[tilespmem:s2], [sflag:$0x1] =	stream.linear.gather [hbm4b:s5+s2], $0x200, $0x38;
	[tilespmem:$0x8D20] =	vst v63  }
0xc: {  	_ =	swait.ge [sflag:s28], $0x200  }
0xd: {  	[sflag:s28] =	ssyncset.done $0x0  }
0xe: {  	s29 =	simm.s32 $0x0;
	[sflag:s28] =	ssyncadd.s32 $0xFFFFFE00  }
0xf: {  	v1 =	vld [tilespmem:s29+$0x0];
	_ =	sdelay $0x4  }
0x10: {  	v0 =	vimm.s32 $0x0;
	vm0 =	veq.s32 v1, $0x7  }
0x11: {  	v2 =	vsel vm0, $0x1, v0  }
0x12: {  	(xrf0) =	vadd.scan.msk.s32 $0xffff, v2  }
0x13: {  	vm6 =	veq.s32 v1, $0x0  }
0x14: {  	vm7 =	veq.s32 v1, $0x2;
	v2 =	vsel vm6, $0x1, v0  }
0x15: {  	vm1 =	veq.s32 v1, $0x1;
	(xrf0) =	vadd.scan.msk.s32 $0xffff, v2;
	v2 =	vsel vm7, $0x1, v0  }
0x16: {  	s30 =	simm.s32 $0x10;
	v4 =	vsel vm1, $0x1, v0  }
0x17: {  	v3 =	vld [tilespmem:s30+$0x0];
	(xrf0) =	vadd.scan.msk.s32 $0xffff, v4  }
0x18: {  	vm8 =	veq.s32 v1, $0x3;
	(xrf0) =	vadd.scan.msk.s32 $0xffff, v2;
	v2, _, _ =	vpop (xrf0)  }
0x19: {  	vm9 =	veq.s32 v1, $0x4;
	v4 =	vsel vm8, $0x1, v0;
	v2 =	vbroadcast v2, $0xF  }
0x1a: {  	vm2 =	veq.s32 v1, $0x5;
	vm10 =	veq.s32 v1, $0x6;
	v1 =	vsel vm9, $0x1, v0;
	(xrf0) =	vadd.scan.msk.s32 $0xffff, v4  }
0x1b: {  	v7 =	vimm.s32 $0x0;
	v8 =	vimm.s32 $0x0;
	v4 =	vsel vm2, $0x1, v0;
	(xrf0) =	vadd.scan.msk.s32 $0xffff, v1  }
0x1c: {  	v6 =	vimm.s32 $0x0;
	vm11 =	veq.s32 v3, $0x0;
	v5 =	vsel vm10, $0x1, v0;
	(xrf0) =	vadd.scan.msk.s32 $0xffff, v4  }
0x1d: {  	vm12 =	veq.s32 v3, $0x7;
	vm13 =	veq.s32 v3, $0x1;
	v1 =	vadd.s32 v0, v2;
	(xrf0) =	vadd.scan.msk.s32 $0xffff, v5;
	v2, _, _ =	vpop (xrf0)  }
0x1e: {  	vm3 =	veq.s32 v3, $0x2;
	vm14 =	veq.s32 v3, $0x3;
	vm4 =	veq.s32 v3, $0x4;
	v9, _, _ =	vpop (xrf0)  }
0x1f: {  	vm5 =	veq.s32 v3, $0x5;
	vm15 =	veq.s32 v3, $0x6;
	v4 =	vsel vm12, $0x1, v0;
	v10, _, _ =	vpop (xrf0)  }
0x20: {  	s10 =	sshll.u32 s1, $0xC;
	s9 =	sadd.s32 s6, s3;
	v3 =	vimm.s32 $0x0;
	v20 =	vsel vm13, $0x1, v0;
	v17 =	vsel vm3, $0x1, v0;
	v12, _, _ =	vpop (xrf0);
	(xrf0) =	vadd.scan.msk.s32 $0xffff, v4  }
0x21: {  	s31 =	sshrl.u32 s6, $0x2;
	s2 =	sadd.s32 $0x1800, s3;
	s3 =	sadd.s32 $0x13800, s3;
	v16 =	vsel vm14, $0x1, v0;
	v14 =	vsel vm4, $0x1, v0;
	v5 =	vsel vm11, $0x1, v0;
	v15, _, _ =	vpop (xrf0)  }
0x22: {  	s8 =	sadd.s32 s31, s7;
	s6 =	sadd.s32 $0x1400, s9;
	s5 =	sadd.s32 s4, s10;
	v13 =	vsel vm5, $0x1, v0;
	v11 =	vsel vm15, $0x1, v0;
	v19 =	vbroadcast v2, $0xF;
	(xrf0) =	vadd.scan.msk.s32 $0xffff, v5;
	v18, _, _ =	vpop (xrf0)  }
0x23: {  	s4 =	sadd.s32 $0x13E00, s9;
	s10 =	simm.s32 $0x20;
	s9 =	simm.s32 $0xC0;
	v2 =	vimm.s32 $0x0;
	v4 =	vimm.s32 $0x0;
	v5 =	vimm.s32 $0x0;
	(xrf0) =	vadd.scan.msk.s32 $0xffff, v20;
	v20, _, _ =	vpop (xrf0)  }
.LBB2_2:
0x24: {  	p0 =	sne.s32 s9, $0x7C0;
	v21 =	vld [tilespmem:s10+$0x0];
	(xrf0) =	vadd.scan.msk.s32 $0xffff, v17;
	v9 =	vbroadcast v9, $0xF;
	v10 =	vbroadcast v10, $0xF  }
0x25: {  	v12 =	vbroadcast v12, $0xF;
	v15 =	vbroadcast v15, $0xF;
	(xrf0) =	vadd.scan.msk.s32 $0xffff, v16;
	v7 =	vadd.s32 v7, v19  }
0x26: {  	v17 =	vbroadcast v18, $0xF;
	v16 =	vbroadcast v20, $0xF;
	(xrf0) =	vadd.scan.msk.s32 $0xffff, v14;
	v14, _, _ =	vpop (xrf0);
	v8 =	vadd.s32 v8, v9  }
0x27: {  	v6 =	vadd.s32 v6, v10;
	v4 =	vadd.s32 v4, v12;
	v14 =	vbroadcast v14, $0xF;
	(xrf0) =	vadd.scan.msk.s32 $0xffff, v13  }
0x28: {  	v5 =	vadd.s32 v5, v15;
	v3 =	vadd.s32 v3, v17;
	v2 =	vadd.s32 v2, v16;
	v19, _, _ =	vpop (xrf0);
	(xrf0) =	vadd.scan.msk.s32 $0xffff, v11  }
0x29: {  	vm0 =	veq.s32 v21, $0x0;
	vm1 =	veq.s32 v21, $0x7;
	v1 =	vadd.s32 v1, v14;
	v9, _, _ =	vpop (xrf0)  }
.Ltmp1:
0x2a: {  	vm2 =	veq.s32 v21, $0x1;
	vm3 =	veq.s32 v21, $0x2;
	v11 =	vsel vm1, $0x1, v0;
	v10, _, _ =	vpop (xrf0);
	(pc) =	sbr.rel @p0 .LBB2_2-.Ltmp1, $4  }
0x2b: {  	vm4 =	veq.s32 v21, $0x4;
	vm5 =	veq.s32 v21, $0x5;
	vm1 =	veq.s32 v21, $0x3;
	(xrf0) =	vadd.scan.msk.s32 $0xffff, v11;
	v12, _, _ =	vpop (xrf0)  }
0x2c: {  	v22 =	vsel vm2, $0x1, v0;
	v11 =	vsel vm0, $0x1, v0;
	vm0 =	veq.s32 v21, $0x6;
	v15, _, _ =	vpop (xrf0)  }
0x2d: {  	v17 =	vsel vm3, $0x1, v0;
	v14 =	vsel vm4, $0x1, v0;
	v16 =	vsel vm1, $0x1, v0;
	(xrf0) =	vadd.scan.msk.s32 $0xffff, v11;
	v18, _, _ =	vpop (xrf0)  }
0x2e: {  	s10 =	sshra.s32 s9, $0x2;
	s9 =	sadd.s32 $0x40, s9;
	v19 =	vbroadcast v19, $0xF;
	v13 =	vsel vm5, $0x1, v0;
	v11 =	vsel vm0, $0x1, v0;
	(xrf0) =	vadd.scan.msk.s32 $0xffff, v22;
	v20, _, _ =	vpop (xrf0)  }
0x2f: {  	v21 =	vld [tilespmem:s10+$0x0]  }
0x30: {  	v9 =	vbroadcast v9, $0xF;
	v10 =	vbroadcast v10, $0xF  }
0x31: {  	(xrf0) =	vadd.scan.msk.s32 $0xffff, v17;
	v12 =	vbroadcast v12, $0xF;
	v15 =	vbroadcast v15, $0xF  }
0x32: {  	(xrf0) =	vadd.scan.msk.s32 $0xffff, v16;
	v7 =	vadd.s32 v7, v19;
	v16 =	vbroadcast v20, $0xF;
	v8 =	vadd.s32 v8, v9  }
0x33: {  	(xrf0) =	vadd.scan.msk.s32 $0xffff, v14;
	v14, _, _ =	vpop (xrf0);
	v9 =	vbroadcast v18, $0xF;
	v6 =	vadd.s32 v6, v10;
	v4 =	vadd.s32 v4, v12  }
0x34: {  	v5 =	vadd.s32 v5, v15;
	v14 =	vbroadcast v14, $0xF;
	(xrf0) =	vadd.scan.msk.s32 $0xffff, v13;
	vm0 =	veq.s32 v21, $0x7  }
0x35: {  	v10, _, _ =	vpop (xrf0);
	(xrf0) =	vadd.scan.msk.s32 $0xffff, v11;
	vm1 =	veq.s32 v21, $0x0;
	v11 =	vsel vm0, $0x1, v0;
	vm0 =	veq.s32 v21, $0x1  }
0x36: {  	v2 =	vadd.s32 v2, v16;
	v12, _, _ =	vpop (xrf0);
	(xrf0) =	vadd.scan.msk.s32 $0xffff, v11;
	v11 =	vsel vm1, $0x1, v0;
	v15 =	vsel vm0, $0x1, v0  }
0x37: {  	v3 =	vadd.s32 v3, v9;
	v10 =	vbroadcast v10, $0xF;
	v13, _, _ =	vpop (xrf0);
	vm1 =	veq.s32 v21, $0x2;
	(xrf0) =	vadd.scan.msk.s32 $0xffff, v11  }
0x38: {  	v1 =	vadd.s32 v1, v14;
	vm0 =	veq.s32 v21, $0x3;
	v9, _, _ =	vpop (xrf0);
	v11 =	vsel vm1, $0x1, v0;
	(xrf0) =	vadd.scan.msk.s32 $0xffff, v15  }
0x39: {  	v7 =	vadd.s32 v7, v10;
	vm1 =	veq.s32 v21, $0x4;
	v16 =	vsel vm0, $0x1, v0;
	v15, _, _ =	vpop (xrf0);
	(xrf0) =	vadd.scan.msk.s32 $0xffff, v11  }
0x3a: {  	vm0 =	veq.s32 v21, $0x5;
	v9 =	vbroadcast v9, $0xF;
	v11 =	vsel vm1, $0x1, v0;
	v14, _, _ =	vpop (xrf0);
	(xrf0) =	vadd.scan.msk.s32 $0xffff, v16  }
0x3b: {  	vm1 =	veq.s32 v21, $0x6;
	v16 =	vsel vm0, $0x1, v0;
	v17, _, _ =	vpop (xrf0);
	(xrf0) =	vadd.scan.msk.s32 $0xffff, v11;
	v11 =	vbroadcast v12, $0xF  }
0x3c: {  	v4 =	vadd.s32 v4, v9;
	v0 =	vsel vm1, $0x1, v0;
	v12 =	vbroadcast v13, $0xF;
	v13, _, _ =	vpop (xrf0);
	(xrf0) =	vadd.scan.msk.s32 $0xffff, v16  }
0x3d: {  	v10 =	vbroadcast v15, $0xF;
	v15, _, _ =	vpop (xrf0);
	(xrf0) =	vadd.scan.msk.s32 $0xffff, v0;
	v0 =	vadd.s32 v8, v11;
	v8 =	vbroadcast v14, $0xF  }
0x3e: {  	vm0 =	vmmov $0x1;
	vm1 =	vcmask $0x320;
	v11 =	vbroadcast v17, $0xF  }
0x3f: {  	v5 =	vadd.s32 v5, v10;
	v13 =	vbroadcast v13, $0xF;
	v14, _, _ =	vpop (xrf0);
	v10 =	vbroadcast v15, $0xF  }
0x40: {  	v6 =	vadd.s32 v6, v12;
	v9, _, _ =	vpop (xrf0);
	v3 =	vadd.s32 v3, v8;
	v12 =	vbroadcast v14, $0xF  }
0x41: {  	v2 =	vadd.s32 v2, v11;
	v9 =	vbroadcast v9, $0xF;
	v7 =	vadd.s32 v7, v10;
	v8, _, _ =	vpop (xrf0)  }
0x42: {  	v0 =	vadd.s32 v0, v12;
	v7 =	vnsel vm0, $0x0, v7;
	v11, _, _ =	vpop (xrf0);
	v8 =	vbroadcast v8, $0xF  }
0x43: {  	v6 =	vadd.s32 v6, v9;
	v0 =	vsel vm1, v7, v0;
	vm1 =	vcmask $0x720;
	v14, _, _ =	vpop (xrf0)  }
0x44: {  	v10 =	vbroadcast v11, $0xF;
	v0 =	vsel vm1, v0, v6;
	vm1 =	vcmask $0xB20;
	v11, _, _ =	vpop (xrf0)  }
0x45: {  	v12 =	vbroadcast v14, $0xF;
	v4 =	vadd.s32 v4, v8;
	v11 =	vbroadcast v11, $0xF  }
0x46: {  	v5 =	vadd.s32 v5, v10;
	v0 =	vsel vm1, v0, v4;
	vm1 =	vcmask $0xF20  }
0x47: {  	v3 =	vadd.s32 v3, v12;
	v0 =	vsel vm1, v0, v5;
	vm1 =	vcmask $0x1320  }
0x48: {  	v2 =	vadd.s32 v2, v11;
	v0 =	vsel vm1, v0, v3;
	vm1 =	vcmask $0x1720  }
0x49: {  	v1 =	vadd.s32 v1, v13;
	v0 =	vsel vm1, v0, v2;
	vm1 =	vcmask $0x1B20  }
0x4a: {  	v0 =	vsel vm1, v0, v1  }
0x4b: {  	s9 =	simm.s32 $0x8C00;
	s26 =	simm.s32 $0x1;
	[tilespmem:$0x8C00] =	vst v0  }
0x4c: {  	[spmem:s8] =	stream.linear.scatter [tilespmem:s9], [sflag:$0x1], $0x10, $0x38;
	[tilespmem:$0x8D20] =	vst v63  }
0x4d: {  	_ =	swait.ge [sflag:s26], $0x10  }
0x4e: {  	[sflag:s26] =	ssyncset.done $0x0  }
0x4f: {  	[sflag:s26] =	ssyncadd.s32 $0xFFFFFFF0  }
0x50: {  	s28 =	simm.s32 $0x8C10;
	[bflag:$0x0] =	sbarrier.arrive $0xFFFF  }
0x51: {  	[tilespmem:s28], [sflag:$0x1] =	stream.linear.gather [spmem:s7], $0x100, $0x38;
	[tilespmem:$0x8D20] =	vst v63  }
0x52: {  	_ =	swait.ge [sflag:s26], $0x100  }
0x53: {  	[sflag:s26] =	ssyncset.done $0x0  }
0x54: {  	[sflag:s26] =	ssyncadd.s32 $0xFFFFFF00  }
0x55: {  	v0 =	vld [tilespmem:$0x8C10]  }
0x56: {  	v1 =	vld [tilespmem:$0x8C20]  }
0x57: {  	v2 =	vld [tilespmem:$0x8C30]  }
0x58: {  	v3 =	vld [tilespmem:$0x8C40]  }
0x59: {  	v4 =	vld [tilespmem:$0x8C50]  }
0x5a: {  	p0 =	sgt.u32 s1, $0x1;
	p1 =	seq.s32 s1, $0x0;
	v5 =	vld [tilespmem:$0x8C60]  }
0x5b: {  	p6 =	sgt.u32 s1, $0x2;
	v6 =	vld [tilespmem:$0x8C70];
	v0 =	vpsel p1, $0x0, v0;
	v1 =	vpsel !p0, $0x0, v1  }
0x5c: {  	v2 =	vpsel !p6, $0x0, v2;
	p1 =	sgt.u32 s1, $0x3;
	v0 =	vadd.s32 v0, v1;
	v1 =	vld [tilespmem:$0x8C80]  }
0x5d: {  	p2 =	sgt.u32 s1, $0x4;
	v3 =	vpsel !p1, $0x0, v3;
	v0 =	vadd.s32 v2, v0;
	v2 =	vld [tilespmem:$0x8C90]  }
0x5e: {  	p3 =	sgt.u32 s1, $0x5;
	v4 =	vpsel !p2, $0x0, v4;
	v0 =	vadd.s32 v3, v0;
	v3 =	vld [tilespmem:$0x8CA0]  }
0x5f: {  	p4 =	sgt.u32 s1, $0x6;
	v5 =	vpsel !p3, $0x0, v5;
	v0 =	vadd.s32 v4, v0;
	v4 =	vld [tilespmem:$0x8CB0]  }
0x60: {  	p5 =	sgt.u32 s1, $0x7;
	v6 =	vpsel !p4, $0x0, v6;
	v0 =	vadd.s32 v5, v0;
	v5 =	vld [tilespmem:$0x8CC0]  }
0x61: {  	p6 =	sgt.u32 s1, $0x8;
	v1 =	vpsel !p5, $0x0, v1;
	v0 =	vadd.s32 v6, v0;
	v6 =	vld [tilespmem:$0x8CD0]  }
0x62: {  	p1 =	sgt.u32 s1, $0x9;
	v2 =	vpsel !p6, $0x0, v2;
	v0 =	vadd.s32 v1, v0;
	v1 =	vld [tilespmem:$0x8CE0]  }
0x63: {  	p2 =	sgt.u32 s1, $0xA;
	v3 =	vpsel !p1, $0x0, v3;
	v0 =	vadd.s32 v2, v0;
	v2 =	vld [tilespmem:$0x8CF0]  }
0x64: {  	p3 =	sgt.u32 s1, $0xB;
	v4 =	vpsel !p2, $0x0, v4;
	v0 =	vadd.s32 v3, v0  }
0x65: {  	p4 =	sgt.u32 s1, $0xC;
	v3 =	vpsel !p3, $0x0, v5;
	v0 =	vadd.s32 v4, v0  }
0x66: {  	p5 =	sgt.u32 s1, $0xD;
	v4 =	vpsel !p4, $0x0, v6;
	v0 =	vadd.s32 v3, v0  }
0x67: {  	p6 =	seq.s32 s1, $0xF;
	v1 =	vpsel !p5, $0x0, v1;
	v0 =	vadd.s32 v4, v0  }
0x68: {  	v2 =	vpsel !p6, $0x0, v2;
	v0 =	vadd.s32 v1, v0  }
0x69: {  	v0 =	vadd.s32 v2, v0  }
0x6a: {  	v1 =	vnsel vm0, $0x0, v0;
	vm0 =	vcmask $0x308  }
0x6b: {  	(xrf0) =	vadd.scan.msk.s32 $0xffff, v1;
	v1 =	vsel vm0, $0x0, v0;
	vm0 =	vcmask $0x70C  }
0x6c: {  	(xrf0) =	vadd.scan.msk.s32 $0xffff, v1;
	v1 =	vsel vm0, $0x0, v0;
	vm0 =	vcmask $0xB10  }
0x6d: {  	(xrf0) =	vadd.scan.msk.s32 $0xffff, v1;
	v1 =	vsel vm0, $0x0, v0;
	vm0 =	vcmask $0xF14  }
0x6e: {  	(xrf0) =	vadd.scan.msk.s32 $0xffff, v1;
	v1 =	vsel vm0, $0x0, v0;
	vm0 =	vcmask $0x1318  }
0x6f: {  	(xrf0) =	vadd.scan.msk.s32 $0xffff, v1;
	v1 =	vsel vm0, $0x0, v0;
	vm0 =	vcmask $0x171C  }
0x70: {  	(xrf0) =	vadd.scan.msk.s32 $0xffff, v1;
	v1 =	vsel vm0, $0x0, v0;
	_ =	sdelay $0x1  }
0x71: {  	v0 =	vsel vm1, $0x0, v0;
	v2, _, _ =	vpop (xrf0);
	(xrf0) =	vadd.scan.msk.s32 $0xffff, v1  }
0x72: {  	v1, _, _ =	vpop (xrf0);
	(xrf0) =	vadd.scan.msk.s32 $0xffff, v0  }
0x73: {  	v3, _, _ =	vpop (xrf0)  }
0x74: {  	v4, _, _ =	vpop (xrf0)  }
0x75: {  	v5, _, _ =	vpop (xrf0)  }
0x76: {  	v6, _, _ =	vpop (xrf0)  }
0x77: {  	s29 =	simm.s32 $0x0;
	s30 =	simm.s32 $0x200;
	v7, _, _ =	vpop (xrf0)  }
0x78: {  	[tilespmem:s30], [sflag:$0x1] =	stream.linear.gather [hbm4b:s6+s29], $0x200, $0x38;
	v8, _, _ =	vpop (xrf0);
	[tilespmem:$0x8D20] =	vst v63  }
0x79: {  	_ =	swait.ge [sflag:s26], $0x200  }
0x7a: {  	[sflag:s26] =	ssyncset.done $0x0  }
0x7b: {  	s31 =	simm.s32 $0x400;
	[sflag:s26] =	ssyncadd.s32 $0xFFFFFE00  }
0x7c: {  	[tilespmem:s31], [sflag:$0x1] =	stream.linear.gather [hbm4b:s5+s29], $0x8000, $0x38;
	[tilespmem:$0x8D20] =	vst v63  }
0x7d: {  	_ =	swait.ge [sflag:s26], $0x8000  }
0x7e: {  	[sflag:s26] =	ssyncset.done $0x0  }
0x7f: {  	s5 =	simm.s32 $0x0;
	[sflag:s26] =	ssyncadd.s32 $0xFFFF8000  }
0x80: {  	v10 =	vld [tilespmem:s5+$0x0];
	_ =	sdelay $0x4  }
0x81: {  	v0 =	vimm.s32 $0x0;
	vm7 =	veq.s32 v10, $0x0  }
0x82: {  	vm6 =	veq.s32 v10, $0x1;
	v9 =	vsel vm7, $0x1, v0  }
0x83: {  	vm5 =	veq.s32 v10, $0x2;
	v11 =	vsel vm6, $0x1, v0;
	(xrf0) =	vadd.scan.msk.s32 $0xffff, v9  }
0x84: {  	vm4 =	veq.s32 v10, $0x3;
	v9 =	vsel vm5, $0x1, v0;
	(xrf0) =	vadd.scan.msk.s32 $0xffff, v11  }
0x85: {  	vm2 =	veq.s32 v10, $0x4;
	v11 =	vsel vm4, $0x1, v0;
	(xrf0) =	vadd.scan.msk.s32 $0xffff, v9  }
0x86: {  	vm1 =	veq.s32 v10, $0x5;
	v9 =	vsel vm2, $0x1, v0;
	(xrf0) =	vadd.scan.msk.s32 $0xffff, v11  }
0x87: {  	vm0 =	veq.s32 v10, $0x6;
	v11 =	vsel vm1, $0x1, v0;
	(xrf0) =	vadd.scan.msk.s32 $0xffff, v9  }
0x88: {  	v2 =	vbroadcast v2, $0xF;
	vm3 =	veq.s32 v10, $0x7;
	v9 =	vsel vm0, $0x1, v0;
	(xrf0) =	vadd.scan.msk.s32 $0xffff, v11  }
0x89: {  	v1 =	vbroadcast v1, $0xF;
	v11 =	vsel vm3, $0x1, v0;
	v12, _, _ =	vpop (xrf0);
	(xrf0) =	vadd.scan.msk.s32 $0xffff, v9  }
0x8a: {  	v3 =	vbroadcast v3, $0xF;
	v9 =	vadd.s32 v2, v12;
	v13, _, _ =	vpop (xrf0);
	(xrf0) =	vadd.scan.msk.s32 $0xffff, v11  }
0x8b: {  	s6 =	simm.s32 $0x10;
	v4 =	vbroadcast v4, $0xF;
	v9 =	vnsel vm7, $0x0, v9;
	v11 =	vadd.s32 v1, v13;
	v14, _, _ =	vpop (xrf0)  }
0x8c: {  	v5 =	vbroadcast v5, $0xF;
	v17 =	vld [tilespmem:s6+$0x0];
	v9 =	vsel vm6, v11, v9;
	v11 =	vadd.s32 v3, v14;
	v15, _, _ =	vpop (xrf0)  }
0x8d: {  	v6 =	vbroadcast v6, $0xF;
	v9 =	vsel vm5, v11, v9;
	v11 =	vadd.s32 v4, v15;
	v16, _, _ =	vpop (xrf0)  }
0x8e: {  	v7 =	vbroadcast v7, $0xF;
	v9 =	vsel vm4, v11, v9;
	v11 =	vadd.s32 v5, v16;
	v18, _, _ =	vpop (xrf0)  }
0x8f: {  	v8 =	vbroadcast v8, $0xF;
	v9 =	vsel vm2, v11, v9;
	v11 =	vadd.s32 v6, v18;
	v20, _, _ =	vpop (xrf0)  }
0x90: {  	v9 =	vsel vm1, v11, v9;
	v11 =	vadd.s32 v7, v20;
	v21, _, _ =	vpop (xrf0)  }
0x91: {  	vm7 =	veq.s32 v17, $0x0;
	v9 =	vsel vm0, v11, v9;
	v11 =	vadd.s32 v8, v21  }
0x92: {  	vm8 =	veq.s32 v17, $0x1;
	v11 =	vsel vm3, v11, v9;
	v9 =	vsel vm7, $0x1, v0  }
0x93: {  	v22 =	vsel vm8, $0x1, v0;
	vm6 =	veq.s32 v17, $0x2;
	(xrf0) =	vadd.scan.msk.s32 $0xffff, v9  }
0x94: {  	vm4 =	veq.s32 v17, $0x3;
	v9 =	vsel vm6, $0x1, v0;
	(xrf0) =	vadd.scan.msk.s32 $0xffff, v22  }
0x95: {  	v12 =	vbroadcast v12, $0xF;
	vm3 =	veq.s32 v17, $0x5;
	v22 =	vsel vm4, $0x1, v0;
	(xrf0) =	vadd.scan.msk.s32 $0xffff, v9  }
0x96: {  	vm5 =	veq.s32 v17, $0x4;
	(xrf0) =	vadd.scan.msk.s32 $0xffff, v22;
	v22 =	vsel vm3, $0x1, v0  }
0x97: {  	v19 =	vld [tilespmem:s5+$0x200];
	v2 =	vadd.s32 v2, v12;
	v9 =	vsel vm5, $0x1, v0  }
0x98: {  	v15 =	vbroadcast v15, $0xF;
	v16 =	vbroadcast v16, $0xF;
	vm2 =	veq.s32 v17, $0x6;
	(xrf0) =	vadd.scan.msk.s32 $0xffff, v9  }
0x99: {  	v12 =	vbroadcast v18, $0xF;
	vm0 =	veq.s32 v17, $0x7;
	v9 =	vbroadcast v13, $0xF;
	(xrf0) =	vadd.scan.msk.s32 $0xffff, v22;
	v22, _, _ =	vpop (xrf0)  }
0x9a: {  	v13 =	vbroadcast v14, $0xF;
	v14 =	vsel vm2, $0x1, v0;
	v18 =	vadd.s32 v2, v22  }
0x9b: {  	v25 =	vadd.s32 v4, v15;
	v23 =	vsel vm0, $0x1, v0;
	vm1 =	vlt.s32 v11, $0x400;
	(xrf0) =	vadd.scan.msk.s32 $0xffff, v14  }
0x9c: {  	v19 =	vnsel vm1, $0x0, v19;
	v14 =	vbroadcast v20, $0xF;
	v20, _, _ =	vpop (xrf0);
	(xrf0) =	vadd.scan.msk.s32 $0xffff, v23;
	v23 =	vadd.s32 v1, v9  }
0x9d: {  	v24 =	vadd.s32 v3, v13;
	v1 =	vnsel vm7, $0x0, v18;
	v9 =	vadd.s32 v23, v20;
	v18, _, _ =	vpop (xrf0)  }
0x9e: {  	s7 =	simm.s32 $0x20;
	v26 =	vadd.s32 v5, v16;
	[tilespmem:s5+$0x8600] =	vst v19;
	v1 =	vsel vm8, v9, v1;
	v3 =	vadd.s32 v24, v18;
	v13, _, _ =	vpop (xrf0)  }
0x9f: {  	v21 =	vbroadcast v21, $0xF;
	v3 =	vsel vm6, v3, v1;
	v4 =	vadd.s32 v25, v13;
	v15, _, _ =	vpop (xrf0);
	v1 =	vld [tilespmem:s7+$0x0]  }
0xa0: {  	v9 =	vadd.s32 v6, v12;
	v3 =	vsel vm4, v4, v3;
	v4 =	vadd.s32 v26, v15;
	v16, _, _ =	vpop (xrf0)  }
0xa1: {  	v5 =	vadd.s32 v7, v14;
	v7 =	vld [tilespmem:s6+$0x200];
	v3 =	vsel vm5, v4, v3;
	v4 =	vadd.s32 v9, v16;
	v12, _, _ =	vpop (xrf0)  }
0xa2: {  	v6 =	vadd.s32 v8, v21;
	v3 =	vsel vm3, v4, v3;
	v4 =	vadd.s32 v5, v12;
	v19, _, _ =	vpop (xrf0)  }
0xa3: {  	vm1 =	vmmov vm1;
	v3 =	vsel vm2, v4, v3;
	v4 =	vadd.s32 v6, v19  }
0xa4: {  	v14 =	vshll.u32 v10, $0xA;
	v10 =	vsel vm0, v4, v3;
	vm9 =	veq.s32 v1, $0x0  }
0xa5: {  	vm8 =	veq.s32 v1, $0x1;
	vm2 =	vlt.s32 v10, $0x400;
	v3 =	vsel vm9, $0x1, v0  }
0xa6: {  	v8 =	vshll.u32 v17, $0xA;
	v4 =	vnsel vm2, $0x0, v7;
	v7 =	vsel vm8, $0x1, v0;
	(xrf0) =	vadd.scan.msk.s32 $0xffff, v3  }
0xa7: {  	v11 =	vadd.s32 v14, v11;
	v28 =	vbroadcast v13, $0xF;
	vm7 =	veq.s32 v1, $0x2;
	(xrf0) =	vadd.scan.msk.s32 $0xffff, v7  }
0xa8: {  	v29 =	vbroadcast v15, $0xF;
	vm6 =	veq.s32 v1, $0x3;
	v3 =	vsel vm7, $0x1, v0  }
0xa9: {  	v19 =	vbroadcast v19, $0xF;
	vm5 =	veq.s32 v1, $0x4;
	v7 =	vsel vm6, $0x1, v0;
	(xrf0) =	vadd.scan.msk.s32 $0xffff, v3  }
0xaa: {  	vm0 =	veq.s32 v1, $0x7;
	vm3 =	veq.s32 v1, $0x6;
	v3 =	vsel vm5, $0x1, v0;
	(xrf0) =	vadd.scan.msk.s32 $0xffff, v7  }
0xab: {  	vm4 =	veq.s32 v1, $0x5;
	v17 =	vsel vm0, $0x1, v0;
	v7 =	vbroadcast v22, $0xF;
	(xrf0) =	vadd.scan.msk.s32 $0xffff, v3  }
0xac: {  	v21 =	vsel vm4, $0x1, v0;
	v27 =	vsel vm3, $0x1, v0;
	[tilespmem:s6+$0x8600] =	vst v4;
	v3 =	vbroadcast v20, $0xF;
	v13, _, _ =	vpop (xrf0)  }
0xad: {  	v22 =	vbroadcast v18, $0xF;
	v18 =	vbroadcast v12, $0xF;
	v2 =	vadd.s32 v2, v7;
	v14, _, _ =	vpop (xrf0);
	(xrf0) =	vadd.scan.msk.s32 $0xffff, v21  }
0xae: {  	v20 =	vbroadcast v16, $0xF;
	v3 =	vadd.s32 v23, v3;
	v4 =	vadd.s32 v2, v13;
	(xrf0) =	vadd.scan.msk.s32 $0xffff, v27  }
0xaf: {  	v7 =	vnsel vm9, $0x0, v4;
	v12 =	vadd.s32 v3, v14;
	v4 =	vadd.s32 v24, v22;
	v15, _, _ =	vpop (xrf0);
	(xrf0) =	vadd.scan.msk.s32 $0xffff, v17  }
0xb0: {  	v12 =	vsel vm8, v12, v7;
	v21 =	vadd.s32 v4, v15;
	v16, _, _ =	vpop (xrf0);
	v7 =	vadd.s32 v25, v28  }
0xb1: {  	s8 =	simm.s32 $0x30;
	s9 =	simm.s32 $0x100;
	v21 =	vsel vm7, v21, v12;
	v22 =	vadd.s32 v7, v16;
	v17, _, _ =	vpop (xrf0);
	v12 =	vadd.s32 v26, v29  }
.LBB2_4:
0xb2: {  	v21 =	vsel vm6, v22, v21;
	v27 =	vadd.s32 v12, v17  }
0xb3: {  	p0 =	sne.s32 s9, $0x7C0;
	v23 =	vld [tilespmem:s8+$0x0];
	v24, _, _ =	vpop (xrf0);
	v9 =	vadd.s32 v9, v20;
	vm6 =	vmmov vm1;
	vm1 =	vmmov vm2  }
0xb4: {  	v5 =	vadd.s32 v5, v18;
	v20 =	vld [tilespmem:s7+$0x200];
	v21 =	vsel vm5, v27, v21;
	v26 =	vadd.s32 v9, v24;
	v25, _, _ =	vpop (xrf0)  }
0xb5: {  	v6 =	vadd.s32 v6, v19;
	v18 =	vsel vm4, v26, v21;
	v21 =	vadd.s32 v5, v25;
	v22, _, _ =	vpop (xrf0)  }
0xb6: {  	v26 =	vshll.u32 v1, $0xA;
	v18 =	vsel vm3, v21, v18;
	v19 =	vadd.s32 v6, v22  }
0xb7: {  	v21 =	vnsel vm6, $0x2000, v11;
	v11 =	vadd.s32 v8, v10;
	v8 =	vmovc v26;
	v10 =	vsel vm0, v19, v18  }
0xb8: {  	vm7 =	veq.s32 v23, $0x0;
	vm0 =	veq.s32 v23, $0x7;
	vm2 =	vlt.s32 v10, $0x400;
	[tilespmem:s5+$0x8400] =	vst v21;
	v1 =	vmovc v23;
	s5 =	smov.u32 s6;
	s6 =	smov.u32 s7;
	s7 =	smov.u32 s8  }
0xb9: {  	v18 =	vsel vm7, $0x1, v0;
	vm9 =	veq.s32 v1, $0x1;
	v19 =	vnsel vm2, $0x0, v20  }
0xba: {  	vm8 =	veq.s32 v1, $0x2;
	v20 =	vsel vm9, $0x1, v0;
	(xrf0) =	vadd.scan.msk.s32 $0xffff, v18;
	[tilespmem:s6+$0x8600] =	vst v19  }
0xbb: {  	vm6 =	veq.s32 v1, $0x3;
	vm3 =	veq.s32 v1, $0x6;
	v18 =	vsel vm8, $0x1, v0;
	(xrf0) =	vadd.scan.msk.s32 $0xffff, v20  }
0xbc: {  	vm5 =	veq.s32 v1, $0x4;
	vm4 =	veq.s32 v1, $0x5;
	v19 =	vsel vm6, $0x1, v0;
	(xrf0) =	vadd.scan.msk.s32 $0xffff, v18  }
0xbd: {  	v21 =	vsel vm0, $0x1, v0;
	v18 =	vsel vm5, $0x1, v0;
	(xrf0) =	vadd.scan.msk.s32 $0xffff, v19;
	v19 =	vbroadcast v13, $0xF  }
0xbe: {  	v26 =	vbroadcast v15, $0xF;
	v23 =	vbroadcast v14, $0xF;
	v20 =	vsel vm4, $0x1, v0;
	(xrf0) =	vadd.scan.msk.s32 $0xffff, v18  }
0xbf: {  	v28 =	vbroadcast v17, $0xF;
	v27 =	vbroadcast v16, $0xF;
	v29 =	vsel vm3, $0x1, v0;
	(xrf0) =	vadd.scan.msk.s32 $0xffff, v20  }
.Ltmp2:
0xc0: {  	v18 =	vbroadcast v25, $0xF;
	v2 =	vadd.s32 v2, v19;
	v20 =	vbroadcast v24, $0xF;
	v13, _, _ =	vpop (xrf0);
	(xrf0) =	vadd.scan.msk.s32 $0xffff, v29;
	(pc) =	sbr.rel @p0 .LBB2_4-.Ltmp2, $4  }
0xc1: {  	v3 =	vadd.s32 v3, v23;
	v19 =	vbroadcast v22, $0xF;
	v24 =	vadd.s32 v2, v13;
	v14, _, _ =	vpop (xrf0);
	(xrf0) =	vadd.scan.msk.s32 $0xffff, v21  }
0xc2: {  	v4 =	vadd.s32 v4, v26;
	v22 =	vnsel vm7, $0x0, v24;
	v24 =	vadd.s32 v3, v14;
	v15, _, _ =	vpop (xrf0)  }
0xc3: {  	v7 =	vadd.s32 v7, v27;
	v23 =	vsel vm9, v24, v22;
	v21 =	vadd.s32 v4, v15;
	v16, _, _ =	vpop (xrf0)  }
0xc4: {  	v12 =	vadd.s32 v12, v28;
	s8 =	sshra.s32 s9, $0x2;
	s9 =	sadd.s32 $0x40, s9;
	v21 =	vsel vm8, v21, v23;
	v22 =	vadd.s32 v7, v16;
	v17, _, _ =	vpop (xrf0)  }
0xc5: {  	v21 =	vsel vm6, v22, v21  }
0xc6: {  	v22 =	vld [tilespmem:s8+$0x0];
	v23 =	vadd.s32 v12, v17;
	v9 =	vadd.s32 v9, v20;
	vm14 =	vmmov vm1  }
0xc7: {  	v5 =	vadd.s32 v5, v18;
	v6 =	vadd.s32 v6, v19;
	vm1 =	vmmov vm2  }
0xc8: {  	v1 =	vshll.u32 v1, $0xA;
	v13 =	vbroadcast v13, $0xF;
	v14 =	vbroadcast v14, $0xF  }
0xc9: {  	v24, _, _ =	vpop (xrf0);
	v8 =	vadd.s32 v8, v10;
	v15 =	vbroadcast v15, $0xF;
	v33 =	vbroadcast v16, $0xF  }
0xca: {  	v34 =	vbroadcast v17, $0xF;
	v55 =	vsel vm5, v23, v21;
	v56 =	vadd.s32 v9, v24  }
0xcb: {  	v62 =	vnsel vm14, $0x2000, v11;
	v37 =	vbroadcast v24, $0xF;
	vm8 =	veq.s32 v22, $0x0  }
0xcc: {  	v57, _, _ =	vpop (xrf0);
	v20 =	vsel vm4, v56, v55;
	vm9 =	veq.s32 v22, $0x1;
	v63 =	vsel vm8, $0x1, v0  }
0xcd: {  	v59 =	vadd.s32 v5, v57;
	vm7 =	veq.s32 v22, $0x2;
	v26 =	vsel vm9, $0x1, v0;
	(xrf0) =	vadd.scan.msk.s32 $0xffff, v63  }
0xce: {  	v25, _, _ =	vpop (xrf0);
	v36 =	vadd.s32 v2, v13;
	vm11 =	veq.s32 v22, $0x3;
	v27 =	vsel vm7, $0x1, v0;
	(xrf0) =	vadd.scan.msk.s32 $0xffff, v26  }
0xcf: {  	v38 =	vbroadcast v57, $0xF;
	vm13 =	veq.s32 v22, $0x4;
	v28 =	vsel vm11, $0x1, v0;
	(xrf0) =	vadd.scan.msk.s32 $0xffff, v27  }
0xd0: {  	v60 =	vsel vm3, v59, v20;
	vm14 =	veq.s32 v22, $0x5;
	v29 =	vsel vm13, $0x1, v0;
	(xrf0) =	vadd.scan.msk.s32 $0xffff, v28  }
0xd1: {  	v61 =	vadd.s32 v6, v25;
	vm12 =	veq.s32 v22, $0x6;
	v31 =	vsel vm14, $0x1, v0;
	(xrf0) =	vadd.scan.msk.s32 $0xffff, v29  }
0xd2: {  	v58 =	vld [tilespmem:s7+$0x200];
	v19 =	vsel vm0, v61, v60;
	vm0 =	veq.s32 v22, $0x7;
	v32 =	vsel vm12, $0x1, v0;
	(xrf0) =	vadd.scan.msk.s32 $0xffff, v31  }
0xd3: {  	v3 =	vadd.s32 v3, v14;
	v4 =	vadd.s32 v4, v15;
	v30 =	vsel vm0, $0x1, v0;
	v35, _, _ =	vpop (xrf0);
	(xrf0) =	vadd.scan.msk.s32 $0xffff, v32  }
0xd4: {  	v7 =	vadd.s32 v7, v33;
	v46 =	vadd.s32 v12, v34;
	v0 =	vadd.s32 v36, v35;
	v39, _, _ =	vpop (xrf0);
	(xrf0) =	vadd.scan.msk.s32 $0xffff, v30  }
0xd5: {  	v40 =	vbroadcast v25, $0xF;
	v0 =	vnsel vm8, $0x0, v0;
	v3 =	vadd.s32 v3, v39;
	v41, _, _ =	vpop (xrf0)  }
0xd6: {  	vm15 =	vlt.s32 v19, $0x400;
	v0 =	vsel vm9, v3, v0;
	v42 =	vadd.s32 v4, v41;
	v43, _, _ =	vpop (xrf0)  }
0xd7: {  	[tilespmem:s5+$0x8400] =	vst v62;
	v18 =	vnsel vm15, $0x0, v58;
	v0 =	vsel vm7, v42, v0;
	v44 =	vadd.s32 v7, v43;
	v45, _, _ =	vpop (xrf0)  }
0xd8: {  	v2 =	vadd.s32 v9, v37;
	[tilespmem:s7+$0x8600] =	vst v18;
	v0 =	vsel vm11, v44, v0;
	v47 =	vadd.s32 v46, v45;
	v48, _, _ =	vpop (xrf0)  }
0xd9: {  	v51 =	vadd.s32 v5, v38;
	v49 =	vld [tilespmem:s8+$0x200];
	v0 =	vsel vm13, v47, v0;
	v2 =	vadd.s32 v2, v48;
	v50, _, _ =	vpop (xrf0)  }
0xda: {  	v54 =	vadd.s32 v6, v40;
	v0 =	vsel vm14, v2, v0;
	v52 =	vadd.s32 v51, v50;
	v53, _, _ =	vpop (xrf0)  }
0xdb: {  	vm1 =	vmmov vm1;
	v0 =	vsel vm12, v52, v0;
	v55 =	vadd.s32 v54, v53  }
0xdc: {  	v57 =	vnsel vm1, $0x2000, v8;
	v56 =	vshll.u32 v22, $0xA;
	v0 =	vsel vm0, v55, v0  }
0xdd: {  	v1 =	vadd.s32 v1, v19;
	vm2 =	vmmov vm15;
	vm0 =	vlt.s32 v0, $0x400  }
0xde: {  	vm15 =	vmmov vm2;
	[tilespmem:s6+$0x8400] =	vst v57;
	v58 =	vnsel vm0, $0x0, v49;
	vm0 =	vmmov vm0  }
0xdf: {  	v1 =	vnsel vm15, $0x2000, v1;
	v0 =	vadd.s32 v56, v0;
	[tilespmem:s8+$0x8600] =	vst v58;
	vm0 =	vmmov vm0  }
0xe0: {  	[tilespmem:s7+$0x8400] =	vst v1;
	v0 =	vnsel vm0, $0x2000, v0  }
0xe1: {  	[tilespmem:s8+$0x8400] =	vst v0  }
0xe2: {  	v0 =	vld [tilespmem:$0x8400]  }
0xe3: {  	v1 =	vld [tilespmem:$0x8600]  }
0xe4: {  	v2 =	vld [tilespmem:$0x8410]  }
0xe5: {  	v59 =	vld [tilespmem:$0x8610]  }
0xe6: {  	v60 =	vld [tilespmem:$0x8420]  }
0xe7: {  	v61 =	vld [tilespmem:$0x8620];
	[tilespmem:$0x8800] =	vst v0  }
0xe8: {  	v62 =	vld [tilespmem:$0x8430];
	[tilespmem:$0x8A00] =	vst v1  }
0xe9: {  	v63 =	vld [tilespmem:$0x8630];
	[tilespmem:$0x8810] =	vst v2  }
0xea: {  	v8 =	vld [tilespmem:$0x8440];
	[tilespmem:$0x8A10] =	vst v59  }
0xeb: {  	v9 =	vld [tilespmem:$0x8640];
	[tilespmem:$0x8820] =	vst v60  }
0xec: {  	v10 =	vld [tilespmem:$0x8450];
	[tilespmem:$0x8A20] =	vst v61  }
0xed: {  	v11 =	vld [tilespmem:$0x8650];
	[tilespmem:$0x8830] =	vst v62  }
0xee: {  	v12 =	vld [tilespmem:$0x8460];
	[tilespmem:$0x8A30] =	vst v63  }
0xef: {  	v13 =	vld [tilespmem:$0x8660];
	[tilespmem:$0x8840] =	vst v8  }
0xf0: {  	v14 =	vld [tilespmem:$0x8470];
	[tilespmem:$0x8A40] =	vst v9  }
0xf1: {  	v15 =	vld [tilespmem:$0x8670];
	[tilespmem:$0x8850] =	vst v10  }
0xf2: {  	v16 =	vld [tilespmem:$0x8480];
	[tilespmem:$0x8A50] =	vst v11  }
0xf3: {  	v17 =	vld [tilespmem:$0x8680];
	[tilespmem:$0x8860] =	vst v12  }
0xf4: {  	v18 =	vld [tilespmem:$0x8490];
	[tilespmem:$0x8A60] =	vst v13  }
0xf5: {  	v19 =	vld [tilespmem:$0x8690];
	[tilespmem:$0x8870] =	vst v14  }
0xf6: {  	v20 =	vld [tilespmem:$0x84A0];
	[tilespmem:$0x8A70] =	vst v15  }
0xf7: {  	v21 =	vld [tilespmem:$0x86A0];
	[tilespmem:$0x8880] =	vst v16  }
0xf8: {  	v22 =	vld [tilespmem:$0x84B0];
	[tilespmem:$0x8A80] =	vst v17  }
0xf9: {  	v23 =	vld [tilespmem:$0x86B0];
	[tilespmem:$0x8890] =	vst v18  }
0xfa: {  	v24 =	vld [tilespmem:$0x84C0];
	[tilespmem:$0x8A90] =	vst v19  }
0xfb: {  	v25 =	vld [tilespmem:$0x86C0];
	[tilespmem:$0x88A0] =	vst v20  }
0xfc: {  	v26 =	vld [tilespmem:$0x84D0];
	[tilespmem:$0x8AA0] =	vst v21  }
0xfd: {  	v27 =	vld [tilespmem:$0x86D0];
	[tilespmem:$0x88B0] =	vst v22  }
0xfe: {  	v28 =	vld [tilespmem:$0x84E0];
	[tilespmem:$0x8AB0] =	vst v23  }
0xff: {  	v29 =	vld [tilespmem:$0x86E0];
	[tilespmem:$0x88C0] =	vst v24  }
0x100: {  	v30 =	vld [tilespmem:$0x84F0];
	[tilespmem:$0x8AC0] =	vst v25  }
0x101: {  	v31 =	vld [tilespmem:$0x86F0];
	[tilespmem:$0x88D0] =	vst v26  }
0x102: {  	v32 =	vld [tilespmem:$0x8500];
	[tilespmem:$0x8AD0] =	vst v27  }
0x103: {  	v33 =	vld [tilespmem:$0x8700];
	[tilespmem:$0x88E0] =	vst v28  }
0x104: {  	v34 =	vld [tilespmem:$0x8510];
	[tilespmem:$0x8AE0] =	vst v29  }
0x105: {  	v35 =	vld [tilespmem:$0x8710];
	[tilespmem:$0x88F0] =	vst v30  }
0x106: {  	v36 =	vld [tilespmem:$0x8520];
	[tilespmem:$0x8AF0] =	vst v31  }
0x107: {  	v37 =	vld [tilespmem:$0x8720];
	[tilespmem:$0x8900] =	vst v32  }
0x108: {  	v38 =	vld [tilespmem:$0x8530];
	[tilespmem:$0x8B00] =	vst v33  }
0x109: {  	v39 =	vld [tilespmem:$0x8730];
	[tilespmem:$0x8910] =	vst v34  }
0x10a: {  	v40 =	vld [tilespmem:$0x8540];
	[tilespmem:$0x8B10] =	vst v35  }
0x10b: {  	v41 =	vld [tilespmem:$0x8740];
	[tilespmem:$0x8920] =	vst v36  }
0x10c: {  	v42 =	vld [tilespmem:$0x8550];
	[tilespmem:$0x8B20] =	vst v37  }
0x10d: {  	v43 =	vld [tilespmem:$0x8750];
	[tilespmem:$0x8930] =	vst v38  }
0x10e: {  	v44 =	vld [tilespmem:$0x8560];
	[tilespmem:$0x8B30] =	vst v39  }
0x10f: {  	v45 =	vld [tilespmem:$0x8760];
	[tilespmem:$0x8940] =	vst v40  }
0x110: {  	v46 =	vld [tilespmem:$0x8570];
	[tilespmem:$0x8B40] =	vst v41  }
0x111: {  	v47 =	vld [tilespmem:$0x8770];
	[tilespmem:$0x8950] =	vst v42  }
0x112: {  	v48 =	vld [tilespmem:$0x8580];
	[tilespmem:$0x8B50] =	vst v43  }
0x113: {  	v49 =	vld [tilespmem:$0x8780];
	[tilespmem:$0x8960] =	vst v44  }
0x114: {  	v50 =	vld [tilespmem:$0x8590];
	[tilespmem:$0x8B60] =	vst v45  }
0x115: {  	v51 =	vld [tilespmem:$0x8790];
	[tilespmem:$0x8970] =	vst v46  }
0x116: {  	v52 =	vld [tilespmem:$0x85A0];
	[tilespmem:$0x8B70] =	vst v47  }
0x117: {  	v53 =	vld [tilespmem:$0x87A0];
	[tilespmem:$0x8980] =	vst v48  }
0x118: {  	v54 =	vld [tilespmem:$0x85B0];
	[tilespmem:$0x8B80] =	vst v49  }
0x119: {  	v55 =	vld [tilespmem:$0x87B0];
	[tilespmem:$0x8990] =	vst v50  }
0x11a: {  	v56 =	vld [tilespmem:$0x85C0];
	[tilespmem:$0x8B90] =	vst v51  }
0x11b: {  	v57 =	vld [tilespmem:$0x87C0];
	[tilespmem:$0x89A0] =	vst v52  }
0x11c: {  	v58 =	vld [tilespmem:$0x85D0];
	[tilespmem:$0x8BA0] =	vst v53  }
0x11d: {  	[tilespmem:$0x89B0] =	vst v54;
	v59 =	vld [tilespmem:$0x87D0]  }
0x11e: {  	[tilespmem:$0x8BB0] =	vst v55;
	v60 =	vld [tilespmem:$0x85E0]  }
0x11f: {  	[tilespmem:$0x89C0] =	vst v56;
	v61 =	vld [tilespmem:$0x87E0]  }
0x120: {  	[tilespmem:$0x8BC0] =	vst v57;
	v62 =	vld [tilespmem:$0x85F0]  }
0x121: {  	[tilespmem:$0x89D0] =	vst v58;
	v63 =	vld [tilespmem:$0x87F0]  }
0x122: {  	[tilespmem:$0x8BD0] =	vst v59  }
0x123: {  	[tilespmem:$0x89E0] =	vst v60  }
0x124: {  	[tilespmem:$0x8BE0] =	vst v61  }
0x125: {  	[tilespmem:$0x89F0] =	vst v62  }
0x126: {  	s16 =	simm.s32 $0x0;
	s17 =	simm.s32 $0x8800;
	s18 =	simm.s32 $0x1;
	[tilespmem:$0x8BF0] =	vst v63  }
0x127: {  	[hbm4b:s4+s16] =	stream.linear.scatter [tilespmem:s17], [sflag:$0x1], $0x200, $0x38;
	[tilespmem:$0x8D20] =	vst v63  }
0x128: {  	_ =	swait.ge [sflag:s18], $0x200  }
0x129: {  	[sflag:s18] =	ssyncset.done $0x0  }
0x12a: {  	s19 =	simm.s32 $0x80;
	s20 =	simm.s32 $0x400;
	[sflag:s18] =	ssyncadd.s32 $0xFFFFFE00  }
0x12b: {  	[hbm4b:s2+s19] =	stream.indirect.scatter [tilespmem:s20], [sflag:$0x1], $0x40, s17, s19, $0xb8;
	[tilespmem:$0x8D20] =	vst v63  }
0x12c: {  	_ =	swait.ge [sflag:s18], $0x2000  }
0x12d: {  	[sflag:s18] =	ssyncset.done $0x0  }
0x12e: {  	s21 =	simm.s32 $0x8A00;
	[sflag:s18] =	ssyncadd.s32 $0xFFFFE000  }
0x12f: {  	[hbm4b:s3+s19] =	stream.indirect.scatter [tilespmem:s21], [sflag:$0x1], $0x1, s17, s19, $0xb8;
	[tilespmem:$0x8D20] =	vst v63  }
0x130: {  	_ =	swait.ge [sflag:s18], $0x80  }
0x131: {  	[sflag:s18] =	ssyncset.done $0x0  }
0x132: {  	s22 =	simm.s32 $0x8880;
	s23 =	simm.s32 $0x2400;
	[sflag:s18] =	ssyncadd.s32 $0xFFFFFF80  }
0x133: {  	[hbm4b:s2+s19] =	stream.indirect.scatter [tilespmem:s23], [sflag:$0x1], $0x40, s22, s19, $0xb8;
	[tilespmem:$0x8D20] =	vst v63  }
0x134: {  	_ =	swait.ge [sflag:s18], $0x2000  }
0x135: {  	[sflag:s18] =	ssyncset.done $0x0  }
0x136: {  	s24 =	simm.s32 $0x8A80;
	[sflag:s18] =	ssyncadd.s32 $0xFFFFE000  }
0x137: {  	[hbm4b:s3+s19] =	stream.indirect.scatter [tilespmem:s24], [sflag:$0x1], $0x1, s22, s19, $0xb8;
	[tilespmem:$0x8D20] =	vst v63  }
0x138: {  	_ =	swait.ge [sflag:s18], $0x80  }
0x139: {  	[sflag:s18] =	ssyncset.done $0x0  }
0x13a: {  	s25 =	simm.s32 $0x8900;
	s26 =	simm.s32 $0x4400;
	[sflag:s18] =	ssyncadd.s32 $0xFFFFFF80  }
0x13b: {  	[hbm4b:s2+s19] =	stream.indirect.scatter [tilespmem:s26], [sflag:$0x1], $0x40, s25, s19, $0xb8;
	[tilespmem:$0x8D20] =	vst v63  }
0x13c: {  	_ =	swait.ge [sflag:s18], $0x2000  }
0x13d: {  	[sflag:s18] =	ssyncset.done $0x0  }
0x13e: {  	s28 =	simm.s32 $0x8B00;
	[sflag:s18] =	ssyncadd.s32 $0xFFFFE000  }
0x13f: {  	[hbm4b:s3+s19] =	stream.indirect.scatter [tilespmem:s28], [sflag:$0x1], $0x1, s25, s19, $0xb8;
	[tilespmem:$0x8D20] =	vst v63  }
0x140: {  	_ =	swait.ge [sflag:s18], $0x80  }
0x141: {  	[sflag:s18] =	ssyncset.done $0x0  }
0x142: {  	s29 =	simm.s32 $0x8980;
	s30 =	simm.s32 $0x6400;
	[sflag:s18] =	ssyncadd.s32 $0xFFFFFF80  }
0x143: {  	[hbm4b:s2+s19] =	stream.indirect.scatter [tilespmem:s30], [sflag:$0x1], $0x40, s29, s19, $0xb8;
	[tilespmem:$0x8D20] =	vst v63  }
0x144: {  	_ =	swait.ge [sflag:s18], $0x2000  }
0x145: {  	[sflag:s18] =	ssyncset.done $0x0  }
0x146: {  	s31 =	simm.s32 $0x8B80;
	[sflag:s18] =	ssyncadd.s32 $0xFFFFE000  }
0x147: {  	[hbm4b:s3+s19] =	stream.indirect.scatter [tilespmem:s31], [sflag:$0x1], $0x1, s29, s19, $0xb8;
	[tilespmem:$0x8D20] =	vst v63  }
0x148: {  	_ =	swait.ge [sflag:s18], $0x80  }
0x149: {  	[sflag:s18] =	ssyncset.done $0x0  }
0x14a: {  	[sflag:s18] =	ssyncadd.s32 $0xFFFFFF80  }
.LBB2_6:
0x14b: {  	_ =	sfence.sel $0x180000  }
0x14c: {  	[bflag:$0x0] =	sbarrier.arrive $0xFFFF  }
0x14d: {  	p0 =	sne.s32 s1, $0x0;
	_ =	strace $0x90000047  }
0x14e: {  	s0 =	sadd.s32 @!p0 $0x100000, s0;
	[bflag:$0x2] =	sbarrier.arrive $0xFFFF  }
0x14f: {  	[sflag:s0] =	ssyncadd.tile.s32 @!p0 $0x1;
	_ =	shalt  }
.Lfunc_end2:
_tile_overlayer_lowered:
.L_overlay_start_2:
0x150: {  	(tag) =	ssettag $0x2  }
0x151: {  	s0 =	rddreg [dreg:$0x0];
	s2 =	stileid.u32  }
0x152: {  	s1 =	rddreg [dreg:$0x1];
	p0 =	sne.s32 s2, $0x0  }
0x153: {  	s3 =	rddreg [dreg:$0x2];
	[bflag:$0x3] =	sbarrier.arrive $0xFFFF;
	s2 =	simm.s32 @!p0 $0x1C01  }
0x154: {  	[timem:s3], [sflag:s2] =	dma.local @!p0 [hbm:s0], s1  }
0x155: {  	s0 =	simm.s32 @!p0 $0x1  }
0x156: {  	_ =	swait.ge @!p0 [sflag:s0], s1  }
0x157: {  	s1 =	ssub.s32 @!p0 $0x0, s1;
	[sflag:s0] =	ssyncset.done @!p0 $0x0  }
0x158: {  	[sflag:s0] =	ssyncadd.s32 @!p0 s1  }
0x159: {  	[bflag:$0x3] =	sbarrier.arrive $0xFFFF  }
0x15a: {  	_ =	shalt  }

// kernel: kernel.9.cloned.1.call-start
scs
__scs_entry_jumppad:
0x0: {  	(pc) =	sbr.rel $0x88, $3  }
0x1: {  	(tag) =	ssettag $0x0;
	lr =	simm.s32 $0x1  }
0x2: {  	[smem:$0x3F9A] =	sst lr;
	_ =	strace $0xD0000000  }
0x3: {  	_ = 	snop  }
0x4: {  	_ = 	snop  }
0x5: {  	_ = 	snop  }
0x6: {  	_ = 	snop  }
0x7: {  	_ = 	snop  }
__scs_overlays_trampoline_lowered:
0x8: {  	[smem:$0x3FA9] =	sst s0  }
0x9: {  	[smem:$0x3FAA] =	sst s1  }
0xa: {  	[smem:$0x3FAB] =	sst s2  }
0xb: {  	[smem:$0x3FAC] =	sst s3  }
0xc: {  	[smem:$0x3FAD] =	sst s4  }
0xd: {  	[smem:$0x3FAE] =	sst s5  }
0xe: {  	[smem:$0x3FAF] =	sst s6  }
0xf: {  	[smem:$0x3FB0] =	sst s7  }
0x10: {  	[smem:$0x3FB1] =	sst s8  }
0x11: {  	[smem:$0x3FB2] =	sst s9;
	s0 =	simm.s32 @!p0 $0x0  }
0x12: {  	s1 =	sld [smem:$0x3F98];
	s0 =	simm.s32 @p0 $0x1  }
0x13: {  	[smem:$0x3FB3] =	sst s0;
	s0 =	simm.s32 @!p1 $0x0  }
0x14: {  	s2 =	sld [smem:$0x3F97];
	s0 =	simm.s32 @p1 $0x1  }
0x15: {  	[smem:$0x3FB4] =	sst s0;
	s0 =	simm.s32 @!p2 $0x0  }
0x16: {  	s3 =	sld [smem:$0x3FDB];
	s0 =	simm.s32 @p2 $0x1  }
0x17: {  	s4 =	simm.s32 $0x1BF5;
	[smem:$0x3FB6] =	sst s0  }
0x18: {  	s0 =	sld [smem:$0x3F99];
	_ =	swait.ge [sflag:s4], $0x0  }
0x19: {  	s7 =	sld [smem:$0x3F9A]  }
0x1a: {  	s8 =	sadd.s32 $0xFFFFE003, lr  }
0x1b: {  	s9 =	sadd.s32 $0xFFFFFEF7, lr;
	s5 =	simm.s32 $0xFFFFFFFF;
	p2 =	slt.u32 s8, $0xFFFFF086  }
0x1c: {  	p1 =	slt.u32 s9, $0xF7A;
	s5 =	simm.s32 @!p2 $0x0  }
0x1d: {  	s5 =	simm.s32 @p1 $0x1;
	p0 =	seq.s32 s7, s2  }
0x1e: {  	s7 =	smul.u32 @!p0 $0xF7A, s2;
	p2 =	seq.s32 @!p0 s5, $0x0  }
0x1f: {  	s9 =	smul.u32 $0xF7A, s1;
	s8 =	simm.s32 @!p0 $0x1BF5;
	p2 =	por !p2, p0  }
0x20: {  	[sflag:s8] =	ssyncset.s32 @!p0 $0xFFFFF086;
	s6 =	sadd.s32 @!p0 s3, s7;
	s7 =	simm.s32 @!p0 $0x108  }
0x21: {  	s3 =	sadd.s32 s3, s9;
	s6 =	sadd.s32 @!p0 $0x88, s6;
	s7 =	simm.s32 @p2 $0x1082  }
0x22: {  	[simem:s7], [sflag:s8] =	dma.local @!p0 [hbm:s6], $0xF7A  }
0x23: {  	s9 =	sor.u32 $0xD0000000, s2;
	s6 =	simm.s32 $0x108;
	_ =	swait.ge @!p0 [sflag:s8], $0x0  }
0x24: {  	s3 =	sadd.s32 $0x88, s3;
	s6 =	simm.s32 @!p1 $0x1082;
	[sflag:s4] =	ssyncset.s32 $0xFFFFF086  }
0x25: {  	[simem:s6], [sflag:s4] =	dma.local [hbm:s3], $0xF7A  }
0x26: {  	[smem:$0x3F9A] =	sst s1;
	(tag) =	ssettag s2;
	_ =	strace s9  }
0x27: {  	s1 =	sld [smem:$0x3FAA]  }
0x28: {  	s2 =	sld [smem:$0x3FAB]  }
0x29: {  	s4 =	sld [smem:$0x3FAD]  }
0x2a: {  	p0 =	seq.s32 s5, $0x0;
	s5 =	sld [smem:$0x3FAE]  }
0x2b: {  	s6 =	sld [smem:$0x3FAF]  }
0x2c: {  	s7 =	sld [smem:$0x3FB0]  }
0x2d: {  	s3 =	simm.s32 $0x108;
	s8 =	sld [smem:$0x3FB1]  }
0x2e: {  	s3 =	simm.s32 @!p0 $0x1082;
	s9 =	sld [smem:$0x3FB2]  }
0x2f: {  	lr =	sadd.s32 s0, s3;
	s0 =	sld [smem:$0x3FA9]  }
0x30: {  	s3 =	sld [smem:$0x3FAC]  }
0x31: {  	[smem:$0x3FB5] =	sst s10  }
0x32: {  	s10 =	sld [smem:$0x3FB3];
	_ =	sdelay $0x3  }
0x33: {  	p0 =	seq.s32 s10, $0x1;
	s10 =	sld [smem:$0x3FB5];
	_ =	sdelay $0x3  }
0x34: {  	[smem:$0x3FB5] =	sst s10  }
0x35: {  	s10 =	sld [smem:$0x3FB4];
	_ =	sdelay $0x3  }
0x36: {  	p1 =	seq.s32 s10, $0x1;
	s10 =	sld [smem:$0x3FB5];
	_ =	sdelay $0x3  }
0x37: {  	[smem:$0x3FB5] =	sst s10  }
0x38: {  	s10 =	sld [smem:$0x3FB6]  }
0x39: {  	_ = 	snop;
	(pc) =	sbr.ind lr, $3  }
0x3a: {  	_ = 	snop  }
0x3b: {  	_ = 	snop  }
0x3c: {  	p2 =	seq.s32 s10, $0x1;
	s10 =	sld [smem:$0x3FB5]  }
0x3d: {  	_ =	shalt  }
0x3e: {  	_ =	shalt  }
0x3f: {  	_ =	shalt  }
0x40: {  	_ =	shalt  }
0x41: {  	_ =	shalt  }
0x42: {  	_ =	shalt  }
0x43: {  	_ =	shalt  }
0x44: {  	_ =	shalt  }
0x45: {  	_ =	shalt  }
0x46: {  	_ =	shalt  }
0x47: {  	_ =	shalt  }
0x48: {  	_ =	shalt  }
0x49: {  	_ =	shalt  }
0x4a: {  	_ =	shalt  }
0x4b: {  	_ =	shalt  }
0x4c: {  	_ =	shalt  }
0x4d: {  	_ =	shalt  }
0x4e: {  	_ =	shalt  }
0x4f: {  	_ =	shalt  }
0x50: {  	_ =	shalt  }
0x51: {  	_ =	shalt  }
0x52: {  	_ =	shalt  }
0x53: {  	_ =	shalt  }
0x54: {  	_ =	shalt  }
0x55: {  	_ =	shalt  }
0x56: {  	_ =	shalt  }
0x57: {  	_ =	shalt  }
0x58: {  	_ =	shalt  }
0x59: {  	_ =	shalt  }
0x5a: {  	_ =	shalt  }
0x5b: {  	_ =	shalt  }
0x5c: {  	_ =	shalt  }
0x5d: {  	_ =	shalt  }
0x5e: {  	_ =	shalt  }
0x5f: {  	_ =	shalt  }
0x60: {  	_ =	shalt  }
0x61: {  	_ =	shalt  }
0x62: {  	_ =	shalt  }
0x63: {  	_ =	shalt  }
0x64: {  	_ =	shalt  }
0x65: {  	_ =	shalt  }
0x66: {  	_ =	shalt  }
0x67: {  	_ =	shalt  }
0x68: {  	_ =	shalt  }
0x69: {  	_ =	shalt  }
0x6a: {  	_ =	shalt  }
0x6b: {  	_ =	shalt  }
0x6c: {  	_ =	shalt  }
0x6d: {  	_ =	shalt  }
0x6e: {  	_ =	shalt  }
0x6f: {  	_ =	shalt  }
0x70: {  	_ =	shalt  }
0x71: {  	_ =	shalt  }
0x72: {  	_ =	shalt  }
0x73: {  	_ =	shalt  }
0x74: {  	_ =	shalt  }
0x75: {  	_ =	shalt  }
0x76: {  	_ =	shalt  }
0x77: {  	_ =	shalt  }
0x78: {  	_ =	shalt  }
0x79: {  	_ =	shalt  }
0x7a: {  	_ =	shalt  }
0x7b: {  	_ =	shalt  }
0x7c: {  	_ =	shalt  }
0x7d: {  	_ =	shalt  }
0x7e: {  	_ =	shalt  }
0x7f: {  	_ =	shalt  }
0x80: {  	_ =	shalt  }
0x81: {  	_ =	shalt  }
0x82: {  	_ =	shalt  }
0x83: {  	_ =	shalt  }
0x84: {  	_ =	shalt  }
0x85: {  	_ =	shalt  }
0x86: {  	_ =	shalt  }
0x87: {  	_ =	shalt  }
.Lfunc_end0:
.L_simem_size_0:
called_computation.1_lowered:
.L_overlay_start_0:
0x88: {  	s2 =	sld [smem:$0x3FD9]  }
0x89: {  	s3 =	sld [smem:$0x3FFE];
	_ =	sdelay $0x1  }
0x8a: {  	s1 =	srdreg.scid  }
0x8b: {  	s0 =	sand.u32 $0x1, s1  }
0x8c: {  	s17 =	sshll.u32 s0, $0xA;
	s2 =	sadd.s32 s3, s2  }
0x8d: {  	s2 =	sadd.s32 s2, s17  }
0x8e: {  	[smem:$0x3FC1] =	sst s2  }
0x8f: {  	_ = 	snop  }
0x90: {  	s2 =	sld [smem:$0x3FD0];
	(tm) =	ssettm $0x1  }
0x91: {  	s18 =	sld [smem:$0x3FFB];
	_ =	sdelay $0x3  }
0x92: {  	_ =	strace s18  }
0x93: {  	s3 =	sld [smem:$0x3FFC];
	_ =	sdelay $0x3  }
0x94: {  	_ =	strace s3  }
0x95: {  	s3 =	sld [smem:$0x3FFD];
	_ =	sdelay $0x3  }
0x96: {  	_ =	strace s3  }
0x97: {  	_ =	strace $0x8FFFFFFF  }
0x98: {  	s19 =	sld [smem:$0x3FDB];
	_ =	sdelay $0x1  }
0x99: {  	s4 =	simm.s32 $_scs_section_size  }
0x9a: {  	s5 =	simm.s32 $_size__tile_overlayer_lowered;
	s6 =	simm.s32 $_tile_overlayer_lowered  }
0x9b: {  	s22 =	simm.s32 $0x1BFF;
	s21 =	sshll.u32 s6, $0x1;
	s3 =	sadd.s32 s4, s19  }
0x9c: {  	s7 =	simm.s32 $0x0;
	s20 =	sshll.u32 s5, $0x1;
	s5 =	sadd.s32 s21, s3  }
0x9d: {  	[timem:s7], [sflag:s22] =	dma.local [hbm:s5], s20  }
0x9e: {  	_ =	swait.ge [sflag:s22], s20  }
0x9f: {  	s4 =	ssub.s32 $0x0, s20;
	[sflag:s22] =	ssyncset.done $0x0  }
0xa0: {  	[sflag:s22] =	ssyncadd.s32 s4;
	_ =	sdelay $0x1  }
0xa1: {  	s23 =	simm.s32 $0x1B8B  }
0xa2: {  	_ =	swait.ge [sflag:s23], $0x1  }
0xa3: {  	[sflag:s23] =	ssyncset.done $0x0  }
0xa4: {  	s25 =	simm.s32 $0x1B8E;
	s24 =	sld [smem:$0x3FFE];
	[sflag:s23] =	ssyncadd.s32 $0xFFFFFFFF  }
0xa5: {  	s26 =	simm.s32 $execute0_lowered;
	[smem:$0x3FD2] =	sst s25  }
0xa6: {  	s5 =	sshll.u32 s26, $0x1;
	_ =	strace $0x80000049;
	[dreg:$0x1] =	wrdreg $0xFFFFFFFF  }
0xa7: {  	s28 =	simm.s32 $_size_execute0_lowered;
	s3 =	sadd.s32 s3, s5;
	[dreg:$0x0] =	wrdreg $0x0  }
0xa8: {  	s5 =	sshll.u32 s28, $0x1;
	[dreg:$0x2] =	wrdreg s3  }
0xa9: {  	[dreg:$0x3] =	wrdreg s5  }
0xaa: {  	[dreg:$0x4] =	wrdreg $0xC0  }
0xab: {  	_ =	task [dreg:s7], $0x5FFFF  }
0xac: {  	[dreg:$0x1] =	wrdreg $0xFFFFFFFF  }
0xad: {  	[dreg:$0x0] =	wrdreg $0x60  }
0xae: {  	[dreg:$0x2] =	wrdreg s24  }
0xaf: {  	[dreg:$0x3] =	wrdreg s2  }
0xb0: {  	[dreg:$0x4] =	wrdreg $0x9  }
0xb1: {  	_ =	task.clear_ibuf [dreg:s7], $0x5FFFF;
	_ =	strace $0x90000049  }
0xb2: {  	s29 =	simm.s32 $0x9;
	_ =	strace $0x8000004B  }
0xb3: {  	_ =	swait.ge [sflag:s29], $0x1  }
0xb4: {  	[sflag:s29] =	ssyncadd.s32 $0xFFFFFFFF  }
0xb5: {  	_ =	strace $0x9000004B  }
0xb6: {  	_ =	sfence  }
0xb7: {  	s30 =	sld [smem:$0x0];
	_ =	sdelay $0x2  }
0xb8: {  	s31 =	sshll.u32 s1, $0xD;
	s1 =	sshrl.u32 s1, $0x2  }
0xb9: {  	s3 =	sand.u32 $0x4000, s31;
	s1 =	sadd.s32 s1, s30  }
0xba: {  	s0 =	sor.u32 s3, s0;
	s1 =	sshll.u32 s1, $0x11  }
0xbb: {  	s0 =	sor.u32 s1, s0  }
0xbc: {  	s0 =	sadd.s32 $0x8F2B, s0  }
0xbd: {  	[sflag:s0] =	ssyncadd.remote.s32 $0x1  }
0xbe: {  	_ =	sfence.sel $0xFFFF  }
0xbf: {  	[dreg:$0x0] =	wrdreg $0xFFFFFFFF;
	(pc) =	sbr.abs _section_cstart, $3  }
0xc0: {  	[dreg:$0x1] =	wrdreg $0xFFFFFFFF  }
0xc1: {  	_ =	task.clear_ibuf [dreg:s7], $0x2FFFF;
	_ =	strace $0x9FFFFFFF  }
0xc2: {  	(tm) =	ssettm $0x7FFFFFFF  }
0xc3: {  	_ =	shalt  }
tec
execute0_lowered:
.L_overlay_start_1:
0x0: {  	(tag) =	ssettag $0x1  }
0x1: {  	s1 =	srdreg.scid  }
0x2: {  	s0 =	stileid.u32;
	s10 =	sand.u32 $0x1, s1  }
0x3: {  	s5 =	rddreg [dreg:$0x0];
	s30 =	sshll.u32 s0, $0x9;
	s2 =	sshll.u32 s10, $0x8  }
0x4: {  	s11 =	rddreg [dreg:$0x1];
	s12 =	sor.u32 s2, s30  }
0x5: {  	s1 =	rddreg [dreg:$0x2];
	s2 =	simm.s32 $0x0;
	s3 =	sshrl.u32 s12, $0x3  }
0x6: {  	[smem:$0x7FF] =	sst s2;
	s3 =	sadd.s32 s3, s5  }
0x7: {  	_ =	strace $0x8000004A;
	s4 =	sadd.s32 $0x13E00, s3;
	s3 =	simm.s32 $0x3  }
0x8: {  	[tilespmem:s2], [sflag:$0x3] =	stream.linear.gather [hbm4b:s4+s2], $0x100, $0x38;
	[tilespmem:$0x4100] =	vst v63  }
0x9: {  	_ =	swait.ge [sflag:s3], $0x100  }
0xa: {  	s6 =	simm.s32 $0x80;
	[sflag:s3] =	ssyncset.done $0x0  }
0xb: {  	s7 =	simm.s32 $0x100;
	s5 =	sadd.s32 $0x1000, s5;
	[sflag:s3] =	ssyncadd.s32 $0xFFFFFF00  }
0xc: {  	[tilespmem:s7], [sflag:$0x1] =	stream.indirect.gather [hbm4b:s5+s6], $0x40, s2, s6, $0xb8;
	[tilespmem:$0x4100] =	vst v63  }
0xd: {  	s8 =	simm.s32 $0x2100;
	s9 =	simm.s32 $0x1;
	s13 =	ssub.s32 $0x2, s10  }
0xe: {  	[tilespmem:s8], [sflag:$0x2] =	stream.indirect.gather [hbm4b:s5+s6], $0x40, s6, s6, $0xb8;
	[tilespmem:$0x4100] =	vst v63  }
0xf: {  	s14 =	sshrl.u32 s13, $0x1;
	_ =	swait.ge [sflag:s9], $0x2000  }
0x10: {  	s13 =	ssub.s32 s13, s14;
	[sflag:s9] =	ssyncset.done $0x0  }
0x11: {  	s10 =	simm.s32 $0x2;
	s31 =	smax.u32 s13, $0x1;
	[sflag:s9] =	ssyncadd.s32 $0xFFFFE000  }
0x12: {  	p0 =	sne.s32 s31, $0x1;
	_ =	swait.ge [sflag:s10], $0x2000  }
.Ltmp0:
0x13: {  	s12 =	sshll.u32 s12, $0x3;
	[sflag:s10] =	ssyncset.done $0x0;
	(pc) =	sbr.rel @!p0 .LBB2_2-.Ltmp0, $4  }
0x14: {  	s11 =	sadd.s32 s11, s12;
	[sflag:s10] =	ssyncadd.s32 $0xFFFFE000  }
0x15: {  	[hbm4b:s11+s2] =	stream.linear.scatter [tilespmem:s7], [sflag:$0x3], $0x4000, $0x38;
	[tilespmem:$0x4100] =	vst v63  }
0x16: {  	_ =	swait.ge [sflag:s3], $0x4000  }
0x17: {  	s12 =	sadd.s32 $0xFFFFFFFF, s31;
	[sflag:s3] =	ssyncset.done $0x0  }
.LBB2_1:
0x18: {  	p0 =	sne.s32 s12, $0x1;
	s12 =	sadd.s32 $0xFFFFFFFF, s12;
	[sflag:s3] =	ssyncadd.s32 $0xFFFFC000  }
0x19: {  	[tilespmem:s2], [sflag:$0x3] =	stream.linear.gather [hbm4b:s4+s2], $0x100, $0x38;
	[tilespmem:$0x4100] =	vst v63  }
0x1a: {  	_ =	swait.ge [sflag:s3], $0x100  }
0x1b: {  	[sflag:s3] =	ssyncset.done $0x0  }
0x1c: {  	[sflag:s3] =	ssyncadd.s32 $0xFFFFFF00  }
0x1d: {  	[tilespmem:s7], [sflag:$0x1] =	stream.indirect.gather [hbm4b:s5+s6], $0x40, s2, s6, $0xb8;
	[tilespmem:$0x4100] =	vst v63  }
0x1e: {  	_ = 	snop  }
0x1f: {  	[tilespmem:s8], [sflag:$0x2] =	stream.indirect.gather [hbm4b:s5+s6], $0x40, s6, s6, $0xb8;
	[tilespmem:$0x4100] =	vst v63  }
0x20: {  	_ =	swait.ge [sflag:s9], $0x2000  }
0x21: {  	[sflag:s9] =	ssyncset.done $0x0  }
0x22: {  	[sflag:s9] =	ssyncadd.s32 $0xFFFFE000  }
0x23: {  	_ =	swait.ge [sflag:s10], $0x2000  }
.Ltmp1:
0x24: {  	[sflag:s10] =	ssyncset.done $0x0;
	(pc) =	sbr.rel @p0 .LBB2_1-.Ltmp1, $4  }
0x25: {  	[sflag:s10] =	ssyncadd.s32 $0xFFFFE000  }
0x26: {  	[hbm4b:s11+s2] =	stream.linear.scatter [tilespmem:s7], [sflag:$0x3], $0x4000, $0x38;
	[tilespmem:$0x4100] =	vst v63  }
0x27: {  	_ =	swait.ge [sflag:s3], $0x4000  }
0x28: {  	[sflag:s3] =	ssyncset.done $0x0  }
.LBB2_2:
0x29: {  	[sflag:s3] =	ssyncadd.s32 $0xFFFFC000  }
0x2a: {  	_ =	sfence.sel $0x180000  }
0x2b: {  	[bflag:$0x0] =	sbarrier.arrive $0xFFFF  }
0x2c: {  	p0 =	sne.s32 s0, $0x0;
	_ =	strace $0x9000004A  }
0x2d: {  	s0 =	sadd.s32 @!p0 $0x100000, s1;
	[bflag:$0x2] =	sbarrier.arrive $0xFFFF  }
0x2e: {  	[sflag:s0] =	ssyncadd.tile.s32 @!p0 $0x1;
	_ =	shalt  }
.Lfunc_end2:
_tile_overlayer_lowered:
.L_overlay_start_2:
0x2f: {  	(tag) =	ssettag $0x2  }
0x30: {  	s0 =	rddreg [dreg:$0x0];
	s2 =	stileid.u32  }
0x31: {  	s1 =	rddreg [dreg:$0x1];
	p0 =	sne.s32 s2, $0x0  }
0x32: {  	s3 =	rddreg [dreg:$0x2];
	[bflag:$0x3] =	sbarrier.arrive $0xFFFF;
	s2 =	simm.s32 @!p0 $0x1C03  }
0x33: {  	[timem:s3], [sflag:s2] =	dma.local @!p0 [hbm:s0], s1  }
0x34: {  	s0 =	simm.s32 @!p0 $0x3  }
0x35: {  	_ =	swait.ge @!p0 [sflag:s0], s1  }
0x36: {  	s1 =	ssub.s32 @!p0 $0x0, s1;
	[sflag:s0] =	ssyncset.done @!p0 $0x0  }
0x37: {  	[sflag:s0] =	ssyncadd.s32 @!p0 s1  }
0x38: {  	[bflag:$0x3] =	sbarrier.arrive $0xFFFF  }
0x39: {  	_ =	shalt  }

</sc_bundles>
